<compile_context>
chip_gen: v7x
topology: tpu7x:2x2x1
jax: 0.10.2.dev20260603
libtpu: 0.0.44.dev20260713+nightly
codegen_flags: <defaults>
</compile_context>

<pallas_src>
import functools

import jax
import jax.numpy as jnp
from jax import lax
from jax.experimental import pallas as pl
from jax.experimental.pallas import tpu as pltpu
from jax.experimental.pallas import tpu_sc as plsc

V = 50257
NU = 10000
NI = 20000
NLAB = NU + NI
D = 768
KC = 16
B = 8
S = 2048
NTOK = B * S
NC, NS, L = 2, 16, 16
NW = NC * NS
TPW = NTOK // NW
C = 32
NCH = (TPW + C - 1) // C
LLEN = NCH * C
ANB = 2 * KC
DUMP_A = B * ANB

_mesh = plsc.VectorSubcoreMesh(core_axis_name="c", subcore_axis_name="s")


@functools.partial(
    pl.kernel,
    out_type=(
        jax.ShapeDtypeStruct((NTOK, D), jnp.float32),
        jax.ShapeDtypeStruct((NTOK,), jnp.int32),
        jax.ShapeDtypeStruct((DUMP_A + KC, D), jnp.float32),
    ),
    mesh=_mesh,
    compiler_params=pltpu.CompilerParams(needs_layout_passes=False),
    scratch_types=[
        pltpu.VMEM((TPW,), jnp.int32),
        pltpu.VMEM((TPW,), jnp.int32),
        pltpu.VMEM((LLEN,), jnp.int32),
        pltpu.VMEM((LLEN,), jnp.int32),
        pltpu.VMEM((LLEN,), jnp.int32),
        pltpu.VMEM((LLEN,), jnp.int32),
        pltpu.VMEM((LLEN,), jnp.int32),
        pltpu.VMEM((LLEN,), jnp.int32),
        pltpu.VMEM((C,), jnp.int32),
        pltpu.VMEM((C,), jnp.int32),
        pltpu.VMEM((C,), jnp.int32),
        pltpu.VMEM((C,), jnp.int32),
        pltpu.VMEM((C, D), jnp.float32),
        pltpu.VMEM((C, D), jnp.float32),
        pltpu.VMEM((S,), jnp.int32),
        pltpu.VMEM((NLAB,), jnp.int32),
        pltpu.VMEM((KC,), jnp.int32),
        pltpu.VMEM((KC,), jnp.int32),
        pltpu.SemaphoreType.DMA,
        pltpu.SemaphoreType.DMA,
        pltpu.SemaphoreType.DMA,
        pltpu.SemaphoreType.DMA,
    ],
)
def _sc_embed(ids_hbm, wte, uemb, iemb, cen01, lab01,
              emb_o, nl_o, an_o,
              ids_v, nl_v, r0, r1, r2, p0, p1, p2,
              rid_stage_a, rid_stage_b, pos_stage_a, pos_stage_b,
              rows_a, rows_b, ids_row, lab_v, pres_v, dest_stage,
              sem_ga, sem_gb, sem_sa, sem_sb):
    wid = lax.axis_index("s") * NC + lax.axis_index("c")
    base = wid * TPW
    iota = lax.iota(jnp.int32, L)

    pltpu.sync_copy(ids_hbm.at[pl.ds(base, TPW)], ids_v)

    zi = jnp.zeros((L,), jnp.int32)

    def build_body(k, carry):
        ids = ids_v[pl.ds(k * L, L)]
        is_voc = ids < V
        is_usr = jnp.logical_and(ids >= V, ids < V + NU)
        is_itm = ids >= V + NU
        nl_v[pl.ds(k * L, L)] = jnp.where(is_voc, 0, 1).astype(jnp.int32)
        pos = base + k * L + iota
        rows = (ids, ids - V, ids - V - NU)
        masks = (is_voc, is_usr, is_itm)
        rlists = (r0, r1, r2)
        plists = (p0, p1, p2)
        out = []
        for t in range(3):
            mi = jnp.where(masks[t], 1, 0)
            cs = plsc.cumsum(mi)
            dest = carry[t] + cs - 1
            plsc.store_scatter(rlists[t], [dest], rows[t], mask=masks[t])
            plsc.store_scatter(plists[t], [dest], pos, mask=masks[t])
            out.append(carry[t] + plsc.all_reduce_population_count(masks[t]))
        return tuple(out)

    zv = jnp.zeros((L,), jnp.int32)
    cntv = lax.fori_loop(0, TPW // L, build_body, (zv, zv, zv))
    cnts = tuple(jnp.max(c, axis=0) for c in cntv)

    pltpu.sync_copy(nl_v, nl_o.at[pl.ds(base, TPW)])

    for t in range(3):
        cnt = cnts[t]
        rlist = (r0, r1, r2)[t]
        plist = (p0, p1, p2)[t]
        rspl = plsc.load_gather(rlist, [zi])
        pspl = plsc.load_gather(plist, [zi])
        lim = ((cnt + C - 1) // C) * C

        def fill_body(k, _, rlist=rlist, plist=plist, rspl=rspl, pspl=pspl,
                      cnt=cnt, lim=lim):
            idx = k * L + iota
            m = jnp.logical_and(idx >= cnt, idx < lim)
            rv = rlist[pl.ds(k * L, L)]
            pv = plist[pl.ds(k * L, L)]
            rlist[pl.ds(k * L, L)] = jnp.where(m, rspl, rv)
            plist[pl.ds(k * L, L)] = jnp.where(m, pspl, pv)
            return 0

        lax.fori_loop(0, LLEN // L, fill_body, 0)

    def _drain(sem):
        pltpu.make_async_copy(emb_o.at[pl.ds(0, C)], rows_a, sem).wait()

    for t, table in enumerate((wte, uemb, iemb)):
        cnt = cnts[t]
        nch = (cnt + C - 1) // C
        rlist = (r0, r1, r2)[t]
        plist = (p0, p1, p2)[t]

        def pair_body(g, _, rlist=rlist, plist=plist, table=table, cnt=cnt):
            for par in range(2):
                buf = (rows_a, rows_b)[par]
                obuf = (rows_a, rows_b)[1 - par]
                ridst = (rid_stage_a, rid_stage_b)[par]
                pstage = (pos_stage_a, pos_stage_b)[par]
                opstage = (pos_stage_a, pos_stage_b)[1 - par]
                sem_s = (sem_sa, sem_sb)[par]
                sem_g = (sem_ga, sem_gb)[par]
                osem_g = (sem_ga, sem_gb)[1 - par]
                osem_s = (sem_sa, sem_sb)[1 - par]
                ch = g * 2 + par

                @pl.when(ch * C < cnt)
                def _(ch=ch, buf=buf, obuf=obuf, ridst=ridst, pstage=pstage,
                      opstage=opstage, sem_s=sem_s, sem_g=sem_g,
                      osem_g=osem_g, osem_s=osem_s):
                    @pl.when(ch > 1)
                    def _():
                        _drain(sem_s)

                    for j in range(C // L):
                        ridst[pl.ds(j * L, L)] = rlist[pl.ds(ch * C + j * L, L)]
                        pstage[pl.ds(j * L, L)] = plist[pl.ds(ch * C + j * L, L)]
                    pltpu.async_copy(table.at[ridst], buf, sem_g)

                    @pl.when(ch > 0)
                    def _():
                        _drain(osem_g)
                        pltpu.async_copy(obuf, emb_o.at[opstage], osem_s)
            return 0

        lax.fori_loop(0, (NCH + 1) // 2, pair_body, 0)

        for par in range(2):
            buf = (rows_a, rows_b)[par]
            pstage = (pos_stage_a, pos_stage_b)[par]
            sem_g = (sem_ga, sem_gb)[par]
            sem_s = (sem_sa, sem_sb)[par]

            @pl.when(jnp.logical_and(cnt > 0, (nch - 1) % 2 == par))
            def _(buf=buf, pstage=pstage, sem_g=sem_g, sem_s=sem_s):
                _drain(sem_g)
                pltpu.async_copy(buf, emb_o.at[pstage], sem_s)

        @pl.when(cnt > 0)
        def _():
            _drain(sem_sa)

        @pl.when(cnt > C)
        def _():
            _drain(sem_sb)

    @pl.when(wid < B * 2)
    def _anode():
        b = wid // 2
        lsel = wid - 2 * b
        pltpu.sync_copy(ids_hbm.at[pl.ds(b * S, S)], ids_row)
        pltpu.sync_copy(lab01.at[pl.ds(lsel * NLAB, NLAB)], lab_v)

        pres_v[...] = jnp.zeros((KC,), jnp.int32)
        ones = jnp.ones((L,), jnp.int32)

        def pres_body(k, _):
            ids = ids_row[pl.ds(k * L, L)]
            m = ids >= V
            seq = jnp.where(m, ids - V, 0)
            lab = plsc.load_gather(lab_v, [seq])
            plsc.store_scatter(pres_v, [lab], ones, mask=m)
            return 0

        lax.fori_loop(0, S // L, pres_body, 0)

        pi = pres_v[...]
        rank = plsc.cumsum(pi) - pi
        abase = b * ANB + lsel * KC
        dest_stage[...] = jnp.where(pi > 0, abase + rank, DUMP_A + iota)

        zf = jnp.zeros((L,), jnp.float32)

        def zero_body(r, _):
            for cidx in range(D // L):
                rows_a[r, pl.ds(cidx * L, L)] = zf
            return 0

        lax.fori_loop(0, KC, zero_body, 0)
        pltpu.sync_copy(rows_a.at[pl.ds(0, KC)], an_o.at[pl.ds(abase, KC)])

        crows = rows_b.at[pl.ds(0, KC)]
        pltpu.sync_copy(cen01.at[pl.ds(lsel * KC, KC)], crows)
        pltpu.async_copy(crows, an_o.at[dest_stage], sem_ga).wait()


def kernel(input_ids, wte, user_emb, item_emb, a_centers0, a_centers1,
           a_labels0, a_labels1):
    ids = input_ids.reshape(-1).astype(jnp.int32)
    cen01 = jnp.concatenate([a_centers0, a_centers1], axis=0)
    lab01 = jnp.concatenate(
        [a_labels0.astype(jnp.int32), a_labels1.astype(jnp.int32)], axis=0)
    emb, nl, an = _sc_embed(ids, wte, user_emb, item_emb, cen01, lab01)
    return (emb.reshape(B, S, D),
            nl.reshape(B, S),
            an[:DUMP_A].reshape(B, ANB, D))

# --- scband reference (transcript-rebuilt; emitter-appended) ---
"""Pipeline reference for scband-gpt4-recommendation-base-model-54039278519093 (READ-ONLY COPY).

The authoritative reference and input builder live on the scoring server;
editing this copy changes nothing except your own understanding.
"""

import jax, jax.numpy as jnp
import numpy as np

VOCAB = 50257
NUSERS = 10000
NITEMS = 20000
D = 768
K0 = 16
K1 = 16
B = 8
S = 2048


def setup_inputs(seed: int = 0) -> dict:
    key = jax.random.key(seed)
    ks = jax.random.split(key, 8)
    input_ids = jax.random.randint(ks[0], (B, S), 0, VOCAB + NUSERS + NITEMS)
    wte = jax.random.normal(ks[1], (VOCAB, D), dtype=jnp.float32) * 0.02
    user_emb = jax.random.normal(ks[2], (NUSERS, D), dtype=jnp.float32) * 0.02
    item_emb = jax.random.normal(ks[3], (NITEMS, D), dtype=jnp.float32) * 0.02
    a_centers0 = jax.random.normal(ks[4], (K0, D), dtype=jnp.float32)
    a_centers1 = jax.random.normal(ks[5], (K1, D), dtype=jnp.float32)
    a_labels0 = jax.random.randint(ks[6], (NUSERS + NITEMS,), 0, K0)
    a_labels1 = jax.random.randint(ks[7], (NUSERS + NITEMS,), 0, K1)
    return {
        "input_ids": input_ids,
        "wte": wte,
        "user_emb": user_emb,
        "item_emb": item_emb,
        "a_centers0": a_centers0,
        "a_centers1": a_centers1,
        "a_labels0": a_labels0,
        "a_labels1": a_labels1,
    }


def reference(input_ids, wte, user_emb, item_emb, a_centers0, a_centers1, a_labels0, a_labels1):
    # --- mixed vocab/user/item embedding lookup (faithful to embed()) ---
    vocab_mask = (input_ids < VOCAB).astype(jnp.int32)
    user_mask = ((input_ids >= VOCAB) & (input_ids < VOCAB + NUSERS)).astype(jnp.int32)
    item_mask = (input_ids >= VOCAB + NUSERS).astype(jnp.int32)

    vocab_ids = jnp.clip(input_ids * vocab_mask, 0, VOCAB - 1)
    ve = jnp.take(wte, vocab_ids, axis=0) * vocab_mask[..., None]

    user_ids = jnp.clip((input_ids - VOCAB) * user_mask, 0, NUSERS - 1)
    ue = jnp.take(user_emb, user_ids, axis=0) * user_mask[..., None]

    item_ids = jnp.clip((input_ids - VOCAB - NUSERS) * item_mask, 0, NITEMS - 1)
    ie = jnp.take(item_emb, item_ids, axis=0) * item_mask[..., None]

    input_embeddings = ve + ue + ie
    node_list = 1 - vocab_mask

    # --- per-batch anchor node construction (unique labels -> centers, padded) ---
    def _compact(centers, labels, idx, m):
        K = centers.shape[0]
        lab = jnp.take(labels, idx, axis=0)
        pres = (jnp.zeros((K,), jnp.int32).at[lab].add(m.astype(jnp.int32))) > 0
        # sorted unique labels compacted to the front; absent rows zeroed
        order = jnp.argsort(jnp.where(pres, jnp.arange(K), K))
        return jnp.take(centers, order, axis=0) * pres[order][:, None].astype(centers.dtype)

    def _anode_row(ids_row):
        seq = ids_row - VOCAB
        m = seq >= 0
        idx = jnp.where(m, seq, 0)
        p0 = _compact(a_centers0, a_labels0, idx, m)
        p1 = _compact(a_centers1, a_labels1, idx, m)
        return jnp.concatenate([p0, p1], axis=0)

    a_node = jax.vmap(_anode_row)(input_ids)

    # gpt2model is stubbed as identity over the embedding pipeline outputs
    return (input_embeddings, node_list, a_node)

if __name__ == "__main__":
    import jax
    _d = setup_inputs()
    print(jax.jit(kernel)(*tuple(_d.values())))

</pallas_src>

<mosaic_0001>
#map = affine_map<(d0, d1) -> (0)>
#map1 = affine_map<(d0, d1) -> (0, 0)>
module attributes {stable_mosaic.version = 14 : i64} {
  func.func @_sc_embed(%arg0: i32, %arg1: i32, %arg2: memref<16384xi32, #tpu.memory_space<hbm>>, %arg3: memref<50257x768xf32, #tpu.memory_space<hbm>>, %arg4: memref<10000x768xf32, #tpu.memory_space<hbm>>, %arg5: memref<20000x768xf32, #tpu.memory_space<hbm>>, %arg6: memref<32x768xf32, #tpu.memory_space<hbm>>, %arg7: memref<60000xi32, #tpu.memory_space<hbm>>, %arg8: memref<16384x768xf32, #tpu.memory_space<hbm>>, %arg9: memref<16384xi32, #tpu.memory_space<hbm>>, %arg10: memref<272x768xf32, #tpu.memory_space<hbm>>, %arg11: memref<512xi32, #tpu.memory_space<vmem>>, %arg12: memref<512xi32, #tpu.memory_space<vmem>>, %arg13: memref<512xi32, #tpu.memory_space<vmem>>, %arg14: memref<512xi32, #tpu.memory_space<vmem>>, %arg15: memref<512xi32, #tpu.memory_space<vmem>>, %arg16: memref<512xi32, #tpu.memory_space<vmem>>, %arg17: memref<512xi32, #tpu.memory_space<vmem>>, %arg18: memref<512xi32, #tpu.memory_space<vmem>>, %arg19: memref<32xi32, #tpu.memory_space<vmem>>, %arg20: memref<32xi32, #tpu.memory_space<vmem>>, %arg21: memref<32xi32, #tpu.memory_space<vmem>>, %arg22: memref<32xi32, #tpu.memory_space<vmem>>, %arg23: memref<32x768xf32, #tpu.memory_space<vmem>>, %arg24: memref<32x768xf32, #tpu.memory_space<vmem>>, %arg25: memref<2048xi32, #tpu.memory_space<vmem>>, %arg26: memref<30000xi32, #tpu.memory_space<vmem>>, %arg27: memref<16xi32, #tpu.memory_space<vmem>>, %arg28: memref<16xi32, #tpu.memory_space<vmem>>, %arg29: memref<!tpu.dma_semaphore, #tpu.memory_space<semaphore_mem>>, %arg30: memref<!tpu.dma_semaphore, #tpu.memory_space<semaphore_mem>>, %arg31: memref<!tpu.dma_semaphore, #tpu.memory_space<semaphore_mem>>, %arg32: memref<!tpu.dma_semaphore, #tpu.memory_space<semaphore_mem>>) attributes {dimension_semantics = [#tpu.dimension_semantics<core_parallel>, #tpu.dimension_semantics<subcore_parallel>], iteration_bounds = array<i64: 2, 16>, scalar_prefetch = 0 : i64, scratch_operands = 22 : i64, tpu.core_type = #tpu.core_type<sc_vector_subcore>, window_params = [{transform_indices = #map}, {transform_indices = #map1}, {transform_indices = #map1}, {transform_indices = #map1}, {transform_indices = #map1}, {transform_indices = #map}, {transform_indices = #map1}, {transform_indices = #map}, {transform_indices = #map1}]} {
    %mul3A = arith.constant 2 : i32
    %mul3A_0 = arith.muli %arg1, %mul3A : i32
    %add3A = arith.addi %mul3A_0, %arg0 : i32
    %mul3A_1 = arith.constant 512 : i32
    %mul3A_2 = arith.muli %add3A, %mul3A_1 : i32
    %iota3A = tpu.iota {dimensions = array<i32: 0>} : vector<16xi32>
    "tpu.region"() ({
      %run_scoped3A = tpu.sem_alloc : memref<!tpu.dma_semaphore, #tpu.memory_space<semaphore_mem>>
      %dma_start3A = tpu.memref_slice %arg2[%mul3A_2] : memref<16384xi32, #tpu.memory_space<hbm>> -> memref<512xi32, #tpu.memory_space<hbm>>
      %dma_start3A_433 = tpu.memref_slice %arg2[%mul3A_2] : memref<16384xi32, #tpu.memory_space<hbm>> -> memref<512xi32, #tpu.memory_space<hbm>>
      tpu.enqueue_dma source(%dma_start3A_433 : memref<512xi32, #tpu.memory_space<hbm>>) target(%arg11 : memref<512xi32, #tpu.memory_space<vmem>>) target_semaphore(%run_scoped3A : memref<!tpu.dma_semaphore, #tpu.memory_space<semaphore_mem>>)
      %dma_wait3A = tpu.memref_slice %arg2[%mul3A_2] : memref<16384xi32, #tpu.memory_space<hbm>> -> memref<512xi32, #tpu.memory_space<hbm>>
      %dma_wait3A_434 = tpu.memref_slice %arg2[%mul3A_2] : memref<16384xi32, #tpu.memory_space<hbm>> -> memref<512xi32, #tpu.memory_space<hbm>>
      tpu.wait_dma2 semaphore(%run_scoped3A : memref<!tpu.dma_semaphore, #tpu.memory_space<semaphore_mem>>) src(%dma_wait3A_434 : memref<512xi32, #tpu.memory_space<hbm>>) dst(%arg11 : memref<512xi32, #tpu.memory_space<vmem>>)
      tpu.yield
    }) : () -> ()
    %broadcast_in_dim3A = arith.constant 0 : i32
    %broadcast_in_dim3A_3 = vector.broadcast %broadcast_in_dim3A : i32 to vector<16xi32>
    %broadcast_in_dim3A_4 = arith.constant 0 : i32
    %broadcast_in_dim3A_5 = vector.broadcast %broadcast_in_dim3A_4 : i32 to vector<16xi32>
    %scan3A = arith.constant 0 : i32
    %scan3A_6 = arith.constant 32 : i32
    %scan3A_7 = arith.addi %scan3A, %scan3A_6 : i32
    %scan3A_8 = arith.constant 1 : i32
    %scan3A_9:3 = scf.for %scan3A_433 = %scan3A to %scan3A_7 step %scan3A_8 iter_args(%scan3A_434 = %broadcast_in_dim3A_5, %scan3A_435 = %broadcast_in_dim3A_5, %scan3A_436 = %broadcast_in_dim3A_5) -> (vector<16xi32>, vector<16xi32>, vector<16xi32>)  : i32 {
      %mul3A_437 = arith.constant 16 : i32
      %mul3A_438 = arith.muli %scan3A_433, %mul3A_437 : i32
      %get3A = arith.index_cast %mul3A_438 : i32 to index
      %get3A_439 = tpu.vector_load %arg11[%get3A] {strides = array<i32>} : memref<512xi32, #tpu.memory_space<vmem>>, vector<16xi32>,
      %lt3A_440 = arith.constant 50257 : i32
      %lt3A_441 = vector.broadcast %lt3A_440 : i32 to vector<16xi32>
      %lt3A_442 = arith.cmpi slt, %get3A_439, %lt3A_441 : vector<16xi32>
      %ge3A = arith.constant 50257 : i32
      %ge3A_443 = vector.broadcast %ge3A : i32 to vector<16xi32>
      %ge3A_444 = arith.cmpi sge, %get3A_439, %ge3A_443 : vector<16xi32>
      %lt3A_445 = arith.constant 60257 : i32
      %lt3A_446 = vector.broadcast %lt3A_445 : i32 to vector<16xi32>
      %lt3A_447 = arith.cmpi slt, %get3A_439, %lt3A_446 : vector<16xi32>
      %and3A_448 = arith.andi %ge3A_444, %lt3A_447 : vector<16xi1>
      %ge3A_449 = arith.constant 60257 : i32
      %ge3A_450 = vector.broadcast %ge3A_449 : i32 to vector<16xi32>
      %ge3A_451 = arith.cmpi sge, %get3A_439, %ge3A_450 : vector<16xi32>
      %jit3A_452 = arith.constant 0 : i32
      %jit3A_453 = arith.constant 1 : i32
      %broadcast_in_dim3A_454 = vector.broadcast %jit3A_452 : i32 to vector<16xi32>
      %broadcast_in_dim3A_455 = vector.broadcast %jit3A_453 : i32 to vector<16xi32>
      %select_n3A_456 = arith.select %lt3A_442, %broadcast_in_dim3A_454, %broadcast_in_dim3A_455 : vector<16xi1>, vector<16xi32>
      %mul3A_457 = arith.constant 16 : i32
      %mul3A_458 = arith.muli %scan3A_433, %mul3A_457 : i32
      %swap3A = arith.index_cast %mul3A_458 : i32 to index
      %swap3A_459 = tpu.vector_load %arg12[%swap3A] {strides = array<i32>} : memref<512xi32, #tpu.memory_space<vmem>>, vector<16xi32>,
      tpu.vector_store %arg12[%swap3A], %select_n3A_456 {strides = array<i32>} : memref<512xi32, #tpu.memory_space<vmem>>, vector<16xi32>,
      %mul3A_460 = arith.constant 16 : i32
      %mul3A_461 = arith.muli %scan3A_433, %mul3A_460 : i32
      %add3A_462 = arith.addi %mul3A_2, %mul3A_461 : i32
      %add3A_463 = vector.broadcast %add3A_462 : i32 to vector<16xi32>
      %add3A_464 = arith.addi %add3A_463, %iota3A : vector<16xi32>
      %sub3A_465 = arith.constant 50257 : i32
      %sub3A_466 = vector.broadcast %sub3A_465 : i32 to vector<16xi32>
      %sub3A_467 = arith.subi %get3A_439, %sub3A_466 : vector<16xi32>
      %sub3A_468 = arith.constant 50257 : i32
      %sub3A_469 = vector.broadcast %sub3A_468 : i32 to vector<16xi32>
      %sub3A_470 = arith.subi %get3A_439, %sub3A_469 : vector<16xi32>
      %sub3A_471 = arith.constant 10000 : i32
      %sub3A_472 = vector.broadcast %sub3A_471 : i32 to vector<16xi32>
      %sub3A_473 = arith.subi %sub3A_470, %sub3A_472 : vector<16xi32>
      %jit3A_474 = arith.constant 1 : i32
      %jit3A_475 = arith.constant 0 : i32
      %broadcast_in_dim3A_476 = vector.broadcast %jit3A_474 : i32 to vector<16xi32>
      %broadcast_in_dim3A_477 = vector.broadcast %jit3A_475 : i32 to vector<16xi32>
      %select_n3A_478 = arith.select %lt3A_442, %broadcast_in_dim3A_476, %broadcast_in_dim3A_477 : vector<16xi1>, vector<16xi32>
      %broadcast_in_dim3A_479 = arith.constant true
      %broadcast_in_dim3A_480 = vector.broadcast %broadcast_in_dim3A_479 : i1 to vector<16xi1>
      %masked_cumsum3A = tpu.scan <sum>, %select_n3A_478 masked %broadcast_in_dim3A_480 : vector<16xi32>, vector<16xi1> -> vector<16xi32>
      %add3A_481 = arith.addi %scan3A_434, %masked_cumsum3A : vector<16xi32>
      %sub3A_482 = arith.constant 1 : i32
      %sub3A_483 = vector.broadcast %sub3A_482 : i32 to vector<16xi32>
      %sub3A_484 = arith.subi %add3A_481, %sub3A_483 : vector<16xi32>
      tpu.vector_store_idx %arg13[%sub3A_484], %get3A_439 masked %lt3A_442 : memref<512xi32, #tpu.memory_space<vmem>>[vector<16xi32>], vector<16xi32>, vector<16xi1>
      tpu.vector_store_idx %arg16[%sub3A_484], %add3A_464 masked %lt3A_442 : memref<512xi32, #tpu.memory_space<vmem>>[vector<16xi32>], vector<16xi32>, vector<16xi1>
      %all_reduce_population_count3A = tpu.all_reduce %lt3A_442 {dim = 0 : i64, kind = #tpu.reduction_kind<sum>} : vector<16xi1> -> vector<16xi32>
      %add3A_485 = arith.addi %scan3A_434, %all_reduce_population_count3A : vector<16xi32>
      %jit3A_486 = arith.constant 1 : i32
      %jit3A_487 = arith.constant 0 : i32
      %broadcast_in_dim3A_488 = vector.broadcast %jit3A_486 : i32 to vector<16xi32>
      %broadcast_in_dim3A_489 = vector.broadcast %jit3A_487 : i32 to vector<16xi32>
      %select_n3A_490 = arith.select %and3A_448, %broadcast_in_dim3A_488, %broadcast_in_dim3A_489 : vector<16xi1>, vector<16xi32>
      %broadcast_in_dim3A_491 = arith.constant true
      %broadcast_in_dim3A_492 = vector.broadcast %broadcast_in_dim3A_491 : i1 to vector<16xi1>
      %masked_cumsum3A_493 = tpu.scan <sum>, %select_n3A_490 masked %broadcast_in_dim3A_492 : vector<16xi32>, vector<16xi1> -> vector<16xi32>
      %add3A_494 = arith.addi %scan3A_435, %masked_cumsum3A_493 : vector<16xi32>
      %sub3A_495 = arith.constant 1 : i32
      %sub3A_496 = vector.broadcast %sub3A_495 : i32 to vector<16xi32>
      %sub3A_497 = arith.subi %add3A_494, %sub3A_496 : vector<16xi32>
      tpu.vector_store_idx %arg14[%sub3A_497], %sub3A_467 masked %and3A_448 : memref<512xi32, #tpu.memory_space<vmem>>[vector<16xi32>], vector<16xi32>, vector<16xi1>
      tpu.vector_store_idx %arg17[%sub3A_497], %add3A_464 masked %and3A_448 : memref<512xi32, #tpu.memory_space<vmem>>[vector<16xi32>], vector<16xi32>, vector<16xi1>
      %all_reduce_population_count3A_498 = tpu.all_reduce %and3A_448 {dim = 0 : i64, kind = #tpu.reduction_kind<sum>} : vector<16xi1> -> vector<16xi32>
      %add3A_499 = arith.addi %scan3A_435, %all_reduce_population_count3A_498 : vector<16xi32>
      %jit3A_500 = arith.constant 1 : i32
      %jit3A_501 = arith.constant 0 : i32
      %broadcast_in_dim3A_502 = vector.broadcast %jit3A_500 : i32 to vector<16xi32>
      %broadcast_in_dim3A_503 = vector.broadcast %jit3A_501 : i32 to vector<16xi32>
      %select_n3A_504 = arith.select %ge3A_451, %broadcast_in_dim3A_502, %broadcast_in_dim3A_503 : vector<16xi1>, vector<16xi32>
      %broadcast_in_dim3A_505 = arith.constant true
      %broadcast_in_dim3A_506 = vector.broadcast %broadcast_in_dim3A_505 : i1 to vector<16xi1>
      %masked_cumsum3A_507 = tpu.scan <sum>, %select_n3A_504 masked %broadcast_in_dim3A_506 : vector<16xi32>, vector<16xi1> -> vector<16xi32>
      %add3A_508 = arith.addi %scan3A_436, %masked_cumsum3A_507 : vector<16xi32>
      %sub3A_509 = arith.constant 1 : i32
      %sub3A_510 = vector.broadcast %sub3A_509 : i32 to vector<16xi32>
      %sub3A_511 = arith.subi %add3A_508, %sub3A_510 : vector<16xi32>
      tpu.vector_store_idx %arg15[%sub3A_511], %sub3A_473 masked %ge3A_451 : memref<512xi32, #tpu.memory_space<vmem>>[vector<16xi32>], vector<16xi32>, vector<16xi1>
      tpu.vector_store_idx %arg18[%sub3A_511], %add3A_464 masked %ge3A_451 : memref<512xi32, #tpu.memory_space<vmem>>[vector<16xi32>], vector<16xi32>, vector<16xi1>
      %all_reduce_population_count3A_512 = tpu.all_reduce %ge3A_451 {dim = 0 : i64, kind = #tpu.reduction_kind<sum>} : vector<16xi1> -> vector<16xi32>
      %add3A_513 = arith.addi %scan3A_436, %all_reduce_population_count3A_512 : vector<16xi32>
      scf.yield %add3A_485, %add3A_499, %add3A_513 : vector<16xi32>, vector<16xi32>, vector<16xi32>
    }
    %scan3A_10 = arith.constant 32 : i32
    %reduce_max3A = arith.constant true
    %reduce_max3A_11 = vector.broadcast %reduce_max3A : i1 to vector<16xi1>
    %reduce_max3A_12 = arith.constant -2147483648 : i32
    %reduce_max3A_13 = vector.broadcast %reduce_max3A_12 : i32 to vector<16xi32>
    %reduce_max3A_14 = arith.xori %scan3A_9#0, %reduce_max3A_13 : vector<16xi32>
    %reduce_max3A_15 = tpu.scan <max>, %reduce_max3A_14 masked %reduce_max3A_11 : vector<16xi32>, vector<16xi1> -> vector<16xi32>
    %reduce_max3A_16 = arith.xori %reduce_max3A_15, %reduce_max3A_13 : vector<16xi32>
    %reduce_max3A_17 = vector.extract %reduce_max3A_16[15] : i32 from vector<16xi32>
    %reduce_max3A_18 = arith.constant true
    %reduce_max3A_19 = vector.broadcast %reduce_max3A_18 : i1 to vector<16xi1>
    %reduce_max3A_20 = arith.constant -2147483648 : i32
    %reduce_max3A_21 = vector.broadcast %reduce_max3A_20 : i32 to vector<16xi32>
    %reduce_max3A_22 = arith.xori %scan3A_9#1, %reduce_max3A_21 : vector<16xi32>
    %reduce_max3A_23 = tpu.scan <max>, %reduce_max3A_22 masked %reduce_max3A_19 : vector<16xi32>, vector<16xi1> -> vector<16xi32>
    %reduce_max3A_24 = arith.xori %reduce_max3A_23, %reduce_max3A_21 : vector<16xi32>
    %reduce_max3A_25 = vector.extract %reduce_max3A_24[15] : i32 from vector<16xi32>
    %reduce_max3A_26 = arith.constant true
    %reduce_max3A_27 = vector.broadcast %reduce_max3A_26 : i1 to vector<16xi1>
    %reduce_max3A_28 = arith.constant -2147483648 : i32
    %reduce_max3A_29 = vector.broadcast %reduce_max3A_28 : i32 to vector<16xi32>
    %reduce_max3A_30 = arith.xori %scan3A_9#2, %reduce_max3A_29 : vector<16xi32>
    %reduce_max3A_31 = tpu.scan <max>, %reduce_max3A_30 masked %reduce_max3A_27 : vector<16xi32>, vector<16xi1> -> vector<16xi32>
    %reduce_max3A_32 = arith.xori %reduce_max3A_31, %reduce_max3A_29 : vector<16xi32>
    %reduce_max3A_33 = vector.extract %reduce_max3A_32[15] : i32 from vector<16xi32>
    "tpu.region"() ({
      %run_scoped3A = tpu.sem_alloc : memref<!tpu.dma_semaphore, #tpu.memory_space<semaphore_mem>>
      %dma_start3A = tpu.memref_slice %arg9[%mul3A_2] : memref<16384xi32, #tpu.memory_space<hbm>> -> memref<512xi32, #tpu.memory_space<hbm>>
      %dma_start3A_433 = tpu.memref_slice %arg9[%mul3A_2] : memref<16384xi32, #tpu.memory_space<hbm>> -> memref<512xi32, #tpu.memory_space<hbm>>
      tpu.enqueue_dma source(%arg12 : memref<512xi32, #tpu.memory_space<vmem>>) target(%dma_start3A_433 : memref<512xi32, #tpu.memory_space<hbm>>) target_semaphore(%run_scoped3A : memref<!tpu.dma_semaphore, #tpu.memory_space<semaphore_mem>>)
      %dma_wait3A = tpu.memref_slice %arg9[%mul3A_2] : memref<16384xi32, #tpu.memory_space<hbm>> -> memref<512xi32, #tpu.memory_space<hbm>>
      %dma_wait3A_434 = tpu.memref_slice %arg9[%mul3A_2] : memref<16384xi32, #tpu.memory_space<hbm>> -> memref<512xi32, #tpu.memory_space<hbm>>
      tpu.wait_dma2 semaphore(%run_scoped3A : memref<!tpu.dma_semaphore, #tpu.memory_space<semaphore_mem>>) src(%arg12 : memref<512xi32, #tpu.memory_space<vmem>>) dst(%dma_wait3A_434 : memref<512xi32, #tpu.memory_space<hbm>>)
      tpu.yield
    }) : () -> ()
    %gather3A = tpu.vector_load_idx %arg13[%broadcast_in_dim3A_3] : memref<512xi32, #tpu.memory_space<vmem>>[vector<16xi32>], vector<16xi32>,
    %gather3A_34 = tpu.vector_load_idx %arg16[%broadcast_in_dim3A_3] : memref<512xi32, #tpu.memory_space<vmem>>[vector<16xi32>], vector<16xi32>,
    %add3A_35 = arith.constant 32 : i32
    %add3A_36 = arith.addi %reduce_max3A_17, %add3A_35 : i32
    %sub3A = arith.constant 1 : i32
    %sub3A_37 = arith.subi %add3A_36, %sub3A : i32
    %jit3A = arith.constant 32 : i32
    %div3A = arith.divsi %sub3A_37, %jit3A : i32
    %sign3A = arith.constant 0 : i32
    %sign3A_38 = arith.cmpi sgt, %sub3A_37, %sign3A : i32
    %sign3A_39 = arith.extui %sign3A_38 : i1 to i32
    %sign3A_40 = arith.constant 0 : i32
    %sign3A_41 = arith.cmpi slt, %sub3A_37, %sign3A_40 : i32
    %sign3A_42 = arith.extui %sign3A_41 : i1 to i32
    %sign3A_43 = arith.subi %sign3A_39, %sign3A_42 : i32
    %sign3A_44 = arith.constant 0 : i32
    %sign3A_45 = arith.cmpi sgt, %jit3A, %sign3A_44 : i32
    %sign3A_46 = arith.extui %sign3A_45 : i1 to i32
    %sign3A_47 = arith.constant 0 : i32
    %sign3A_48 = arith.cmpi slt, %jit3A, %sign3A_47 : i32
    %sign3A_49 = arith.extui %sign3A_48 : i1 to i32
    %sign3A_50 = arith.subi %sign3A_46, %sign3A_49 : i32
    %ne3A = arith.cmpi ne, %sign3A_43, %sign3A_50 : i32
    %rem3A = arith.remsi %sub3A_37, %jit3A : i32
    %ne3A_51 = arith.constant 0 : i32
    %ne3A_52 = arith.cmpi ne, %rem3A, %ne3A_51 : i32
    %and3A = arith.andi %ne3A, %ne3A_52 : i1
    %sub3A_53 = arith.constant 1 : i32
    %sub3A_54 = arith.subi %div3A, %sub3A_53 : i32
    %select_n3A = arith.select %and3A, %sub3A_54, %div3A : i32
    %mul3A_55 = arith.constant 32 : i32
    %mul3A_56 = arith.muli %select_n3A, %mul3A_55 : i32
    %scan3A_57 = arith.constant 0 : i32
    %scan3A_58 = arith.constant 0 : i32
    %scan3A_59 = arith.constant 32 : i32
    %scan3A_60 = arith.addi %scan3A_58, %scan3A_59 : i32
    %scan3A_61 = arith.constant 1 : i32
    %scan3A_62 = scf.for %scan3A_433 = %scan3A_58 to %scan3A_60 step %scan3A_61 iter_args(%scan3A_434 = %scan3A_57) -> (i32)  : i32 {
      %mul3A_435 = arith.constant 16 : i32
      %mul3A_436 = arith.muli %scan3A_433, %mul3A_435 : i32
      %add3A_437 = vector.broadcast %mul3A_436 : i32 to vector<16xi32>
      %add3A_438 = arith.addi %add3A_437, %iota3A : vector<16xi32>
      %ge3A = vector.broadcast %reduce_max3A_17 : i32 to vector<16xi32>
      %ge3A_439 = arith.cmpi sge, %add3A_438, %ge3A : vector<16xi32>
      %lt3A_440 = vector.broadcast %mul3A_56 : i32 to vector<16xi32>
      %lt3A_441 = arith.cmpi slt, %add3A_438, %lt3A_440 : vector<16xi32>
      %and3A_442 = arith.andi %ge3A_439, %lt3A_441 : vector<16xi1>
      %mul3A_443 = arith.constant 16 : i32
      %mul3A_444 = arith.muli %scan3A_433, %mul3A_443 : i32
      %get3A = arith.index_cast %mul3A_444 : i32 to index
      %get3A_445 = tpu.vector_load %arg13[%get3A] {strides = array<i32>} : memref<512xi32, #tpu.memory_space<vmem>>, vector<16xi32>,
      %mul3A_446 = arith.constant 16 : i32
      %mul3A_447 = arith.muli %scan3A_433, %mul3A_446 : i32
      %get3A_448 = arith.index_cast %mul3A_447 : i32 to index
      %get3A_449 = tpu.vector_load %arg16[%get3A_448] {strides = array<i32>} : memref<512xi32, #tpu.memory_space<vmem>>, vector<16xi32>,
      %select_n3A_450 = arith.select %and3A_442, %gather3A, %get3A_445 : vector<16xi1>, vector<16xi32>
      %mul3A_451 = arith.constant 16 : i32
      %mul3A_452 = arith.muli %scan3A_433, %mul3A_451 : i32
      %swap3A = arith.index_cast %mul3A_452 : i32 to index
      %swap3A_453 = tpu.vector_load %arg13[%swap3A] {strides = array<i32>} : memref<512xi32, #tpu.memory_space<vmem>>, vector<16xi32>,
      tpu.vector_store %arg13[%swap3A], %select_n3A_450 {strides = array<i32>} : memref<512xi32, #tpu.memory_space<vmem>>, vector<16xi32>,
      %select_n3A_454 = arith.select %and3A_442, %gather3A_34, %get3A_449 : vector<16xi1>, vector<16xi32>
      %mul3A_455 = arith.constant 16 : i32
      %mul3A_456 = arith.muli %scan3A_433, %mul3A_455 : i32
      %swap3A_457 = arith.index_cast %mul3A_456 : i32 to index
      %swap3A_458 = tpu.vector_load %arg16[%swap3A_457] {strides = array<i32>} : memref<512xi32, #tpu.memory_space<vmem>>, vector<16xi32>,
      tpu.vector_store %arg16[%swap3A_457], %select_n3A_454 {strides = array<i32>} : memref<512xi32, #tpu.memory_space<vmem>>, vector<16xi32>,
      %scan3A_459 = arith.constant 0 : i32
      scf.yield %scan3A_459 : i32
    }
    %scan3A_63 = arith.constant 32 : i32
    %gather3A_64 = tpu.vector_load_idx %arg14[%broadcast_in_dim3A_3] : memref<512xi32, #tpu.memory_space<vmem>>[vector<16xi32>], vector<16xi32>,
    %gather3A_65 = tpu.vector_load_idx %arg17[%broadcast_in_dim3A_3] : memref<512xi32, #tpu.memory_space<vmem>>[vector<16xi32>], vector<16xi32>,
    %add3A_66 = arith.constant 32 : i32
    %add3A_67 = arith.addi %reduce_max3A_25, %add3A_66 : i32
    %sub3A_68 = arith.constant 1 : i32
    %sub3A_69 = arith.subi %add3A_67, %sub3A_68 : i32
    %jit3A_70 = arith.constant 32 : i32
    %div3A_71 = arith.divsi %sub3A_69, %jit3A_70 : i32
    %sign3A_72 = arith.constant 0 : i32
    %sign3A_73 = arith.cmpi sgt, %sub3A_69, %sign3A_72 : i32
    %sign3A_74 = arith.extui %sign3A_73 : i1 to i32
    %sign3A_75 = arith.constant 0 : i32
    %sign3A_76 = arith.cmpi slt, %sub3A_69, %sign3A_75 : i32
    %sign3A_77 = arith.extui %sign3A_76 : i1 to i32
    %sign3A_78 = arith.subi %sign3A_74, %sign3A_77 : i32
    %sign3A_79 = arith.constant 0 : i32
    %sign3A_80 = arith.cmpi sgt, %jit3A_70, %sign3A_79 : i32
    %sign3A_81 = arith.extui %sign3A_80 : i1 to i32
    %sign3A_82 = arith.constant 0 : i32
    %sign3A_83 = arith.cmpi slt, %jit3A_70, %sign3A_82 : i32
    %sign3A_84 = arith.extui %sign3A_83 : i1 to i32
    %sign3A_85 = arith.subi %sign3A_81, %sign3A_84 : i32
    %ne3A_86 = arith.cmpi ne, %sign3A_78, %sign3A_85 : i32
    %rem3A_87 = arith.remsi %sub3A_69, %jit3A_70 : i32
    %ne3A_88 = arith.constant 0 : i32
    %ne3A_89 = arith.cmpi ne, %rem3A_87, %ne3A_88 : i32
    %and3A_90 = arith.andi %ne3A_86, %ne3A_89 : i1
    %sub3A_91 = arith.constant 1 : i32
    %sub3A_92 = arith.subi %div3A_71, %sub3A_91 : i32
    %select_n3A_93 = arith.select %and3A_90, %sub3A_92, %div3A_71 : i32
    %mul3A_94 = arith.constant 32 : i32
    %mul3A_95 = arith.muli %select_n3A_93, %mul3A_94 : i32
    %scan3A_96 = arith.constant 0 : i32
    %scan3A_97 = arith.constant 0 : i32
    %scan3A_98 = arith.constant 32 : i32
    %scan3A_99 = arith.addi %scan3A_97, %scan3A_98 : i32
    %scan3A_100 = arith.constant 1 : i32
    %scan3A_101 = scf.for %scan3A_433 = %scan3A_97 to %scan3A_99 step %scan3A_100 iter_args(%scan3A_434 = %scan3A_96) -> (i32)  : i32 {
      %mul3A_435 = arith.constant 16 : i32
      %mul3A_436 = arith.muli %scan3A_433, %mul3A_435 : i32
      %add3A_437 = vector.broadcast %mul3A_436 : i32 to vector<16xi32>
      %add3A_438 = arith.addi %add3A_437, %iota3A : vector<16xi32>
      %ge3A = vector.broadcast %reduce_max3A_25 : i32 to vector<16xi32>
      %ge3A_439 = arith.cmpi sge, %add3A_438, %ge3A : vector<16xi32>
      %lt3A_440 = vector.broadcast %mul3A_95 : i32 to vector<16xi32>
      %lt3A_441 = arith.cmpi slt, %add3A_438, %lt3A_440 : vector<16xi32>
      %and3A_442 = arith.andi %ge3A_439, %lt3A_441 : vector<16xi1>
      %mul3A_443 = arith.constant 16 : i32
      %mul3A_444 = arith.muli %scan3A_433, %mul3A_443 : i32
      %get3A = arith.index_cast %mul3A_444 : i32 to index
      %get3A_445 = tpu.vector_load %arg14[%get3A] {strides = array<i32>} : memref<512xi32, #tpu.memory_space<vmem>>, vector<16xi32>,
      %mul3A_446 = arith.constant 16 : i32
      %mul3A_447 = arith.muli %scan3A_433, %mul3A_446 : i32
      %get3A_448 = arith.index_cast %mul3A_447 : i32 to index
      %get3A_449 = tpu.vector_load %arg17[%get3A_448] {strides = array<i32>} : memref<512xi32, #tpu.memory_space<vmem>>, vector<16xi32>,
      %select_n3A_450 = arith.select %and3A_442, %gather3A_64, %get3A_445 : vector<16xi1>, vector<16xi32>
      %mul3A_451 = arith.constant 16 : i32
      %mul3A_452 = arith.muli %scan3A_433, %mul3A_451 : i32
      %swap3A = arith.index_cast %mul3A_452 : i32 to index
      %swap3A_453 = tpu.vector_load %arg14[%swap3A] {strides = array<i32>} : memref<512xi32, #tpu.memory_space<vmem>>, vector<16xi32>,
      tpu.vector_store %arg14[%swap3A], %select_n3A_450 {strides = array<i32>} : memref<512xi32, #tpu.memory_space<vmem>>, vector<16xi32>,
      %select_n3A_454 = arith.select %and3A_442, %gather3A_65, %get3A_449 : vector<16xi1>, vector<16xi32>
      %mul3A_455 = arith.constant 16 : i32
      %mul3A_456 = arith.muli %scan3A_433, %mul3A_455 : i32
      %swap3A_457 = arith.index_cast %mul3A_456 : i32 to index
      %swap3A_458 = tpu.vector_load %arg17[%swap3A_457] {strides = array<i32>} : memref<512xi32, #tpu.memory_space<vmem>>, vector<16xi32>,
      tpu.vector_store %arg17[%swap3A_457], %select_n3A_454 {strides = array<i32>} : memref<512xi32, #tpu.memory_space<vmem>>, vector<16xi32>,
      %scan3A_459 = arith.constant 0 : i32
      scf.yield %scan3A_459 : i32
    }
    %scan3A_102 = arith.constant 32 : i32
    %gather3A_103 = tpu.vector_load_idx %arg15[%broadcast_in_dim3A_3] : memref<512xi32, #tpu.memory_space<vmem>>[vector<16xi32>], vector<16xi32>,
    %gather3A_104 = tpu.vector_load_idx %arg18[%broadcast_in_dim3A_3] : memref<512xi32, #tpu.memory_space<vmem>>[vector<16xi32>], vector<16xi32>,
    %add3A_105 = arith.constant 32 : i32
    %add3A_106 = arith.addi %reduce_max3A_33, %add3A_105 : i32
    %sub3A_107 = arith.constant 1 : i32
    %sub3A_108 = arith.subi %add3A_106, %sub3A_107 : i32
    %jit3A_109 = arith.constant 32 : i32
    %div3A_110 = arith.divsi %sub3A_108, %jit3A_109 : i32
    %sign3A_111 = arith.constant 0 : i32
    %sign3A_112 = arith.cmpi sgt, %sub3A_108, %sign3A_111 : i32
    %sign3A_113 = arith.extui %sign3A_112 : i1 to i32
    %sign3A_114 = arith.constant 0 : i32
    %sign3A_115 = arith.cmpi slt, %sub3A_108, %sign3A_114 : i32
    %sign3A_116 = arith.extui %sign3A_115 : i1 to i32
    %sign3A_117 = arith.subi %sign3A_113, %sign3A_116 : i32
    %sign3A_118 = arith.constant 0 : i32
    %sign3A_119 = arith.cmpi sgt, %jit3A_109, %sign3A_118 : i32
    %sign3A_120 = arith.extui %sign3A_119 : i1 to i32
    %sign3A_121 = arith.constant 0 : i32
    %sign3A_122 = arith.cmpi slt, %jit3A_109, %sign3A_121 : i32
    %sign3A_123 = arith.extui %sign3A_122 : i1 to i32
    %sign3A_124 = arith.subi %sign3A_120, %sign3A_123 : i32
    %ne3A_125 = arith.cmpi ne, %sign3A_117, %sign3A_124 : i32
    %rem3A_126 = arith.remsi %sub3A_108, %jit3A_109 : i32
    %ne3A_127 = arith.constant 0 : i32
    %ne3A_128 = arith.cmpi ne, %rem3A_126, %ne3A_127 : i32
    %and3A_129 = arith.andi %ne3A_125, %ne3A_128 : i1
    %sub3A_130 = arith.constant 1 : i32
    %sub3A_131 = arith.subi %div3A_110, %sub3A_130 : i32
    %select_n3A_132 = arith.select %and3A_129, %sub3A_131, %div3A_110 : i32
    %mul3A_133 = arith.constant 32 : i32
    %mul3A_134 = arith.muli %select_n3A_132, %mul3A_133 : i32
    %scan3A_135 = arith.constant 0 : i32
    %scan3A_136 = arith.constant 0 : i32
    %scan3A_137 = arith.constant 32 : i32
    %scan3A_138 = arith.addi %scan3A_136, %scan3A_137 : i32
    %scan3A_139 = arith.constant 1 : i32
    %scan3A_140 = scf.for %scan3A_433 = %scan3A_136 to %scan3A_138 step %scan3A_139 iter_args(%scan3A_434 = %scan3A_135) -> (i32)  : i32 {
      %mul3A_435 = arith.constant 16 : i32
      %mul3A_436 = arith.muli %scan3A_433, %mul3A_435 : i32
      %add3A_437 = vector.broadcast %mul3A_436 : i32 to vector<16xi32>
      %add3A_438 = arith.addi %add3A_437, %iota3A : vector<16xi32>
      %ge3A = vector.broadcast %reduce_max3A_33 : i32 to vector<16xi32>
      %ge3A_439 = arith.cmpi sge, %add3A_438, %ge3A : vector<16xi32>
      %lt3A_440 = vector.broadcast %mul3A_134 : i32 to vector<16xi32>
      %lt3A_441 = arith.cmpi slt, %add3A_438, %lt3A_440 : vector<16xi32>
      %and3A_442 = arith.andi %ge3A_439, %lt3A_441 : vector<16xi1>
      %mul3A_443 = arith.constant 16 : i32
      %mul3A_444 = arith.muli %scan3A_433, %mul3A_443 : i32
      %get3A = arith.index_cast %mul3A_444 : i32 to index
      %get3A_445 = tpu.vector_load %arg15[%get3A] {strides = array<i32>} : memref<512xi32, #tpu.memory_space<vmem>>, vector<16xi32>,
      %mul3A_446 = arith.constant 16 : i32
      %mul3A_447 = arith.muli %scan3A_433, %mul3A_446 : i32
      %get3A_448 = arith.index_cast %mul3A_447 : i32 to index
      %get3A_449 = tpu.vector_load %arg18[%get3A_448] {strides = array<i32>} : memref<512xi32, #tpu.memory_space<vmem>>, vector<16xi32>,
      %select_n3A_450 = arith.select %and3A_442, %gather3A_103, %get3A_445 : vector<16xi1>, vector<16xi32>
      %mul3A_451 = arith.constant 16 : i32
      %mul3A_452 = arith.muli %scan3A_433, %mul3A_451 : i32
      %swap3A = arith.index_cast %mul3A_452 : i32 to index
      %swap3A_453 = tpu.vector_load %arg15[%swap3A] {strides = array<i32>} : memref<512xi32, #tpu.memory_space<vmem>>, vector<16xi32>,
      tpu.vector_store %arg15[%swap3A], %select_n3A_450 {strides = array<i32>} : memref<512xi32, #tpu.memory_space<vmem>>, vector<16xi32>,
      %select_n3A_454 = arith.select %and3A_442, %gather3A_104, %get3A_449 : vector<16xi1>, vector<16xi32>
      %mul3A_455 = arith.constant 16 : i32
      %mul3A_456 = arith.muli %scan3A_433, %mul3A_455 : i32
      %swap3A_457 = arith.index_cast %mul3A_456 : i32 to index
      %swap3A_458 = tpu.vector_load %arg18[%swap3A_457] {strides = array<i32>} : memref<512xi32, #tpu.memory_space<vmem>>, vector<16xi32>,
      tpu.vector_store %arg18[%swap3A_457], %select_n3A_454 {strides = array<i32>} : memref<512xi32, #tpu.memory_space<vmem>>, vector<16xi32>,
      %scan3A_459 = arith.constant 0 : i32
      scf.yield %scan3A_459 : i32
    }
    %scan3A_141 = arith.constant 32 : i32
    %add3A_142 = arith.constant 32 : i32
    %add3A_143 = arith.addi %reduce_max3A_17, %add3A_142 : i32
    %sub3A_144 = arith.constant 1 : i32
    %sub3A_145 = arith.subi %add3A_143, %sub3A_144 : i32
    %jit3A_146 = arith.constant 32 : i32
    %div3A_147 = arith.divsi %sub3A_145, %jit3A_146 : i32
    %sign3A_148 = arith.constant 0 : i32
    %sign3A_149 = arith.cmpi sgt, %sub3A_145, %sign3A_148 : i32
    %sign3A_150 = arith.extui %sign3A_149 : i1 to i32
    %sign3A_151 = arith.constant 0 : i32
    %sign3A_152 = arith.cmpi slt, %sub3A_145, %sign3A_151 : i32
    %sign3A_153 = arith.extui %sign3A_152 : i1 to i32
    %sign3A_154 = arith.subi %sign3A_150, %sign3A_153 : i32
    %sign3A_155 = arith.constant 0 : i32
    %sign3A_156 = arith.cmpi sgt, %jit3A_146, %sign3A_155 : i32
    %sign3A_157 = arith.extui %sign3A_156 : i1 to i32
    %sign3A_158 = arith.constant 0 : i32
    %sign3A_159 = arith.cmpi slt, %jit3A_146, %sign3A_158 : i32
    %sign3A_160 = arith.extui %sign3A_159 : i1 to i32
    %sign3A_161 = arith.subi %sign3A_157, %sign3A_160 : i32
    %ne3A_162 = arith.cmpi ne, %sign3A_154, %sign3A_161 : i32
    %rem3A_163 = arith.remsi %sub3A_145, %jit3A_146 : i32
    %ne3A_164 = arith.constant 0 : i32
    %ne3A_165 = arith.cmpi ne, %rem3A_163, %ne3A_164 : i32
    %and3A_166 = arith.andi %ne3A_162, %ne3A_165 : i1
    %sub3A_167 = arith.constant 1 : i32
    %sub3A_168 = arith.subi %div3A_147, %sub3A_167 : i32
    %select_n3A_169 = arith.select %and3A_166, %sub3A_168, %div3A_147 : i32
    %scan3A_170 = arith.constant 0 : i32
    %scan3A_171 = arith.constant 0 : i32
    %scan3A_172 = arith.constant 8 : i32
    %scan3A_173 = arith.addi %scan3A_171, %scan3A_172 : i32
    %scan3A_174 = arith.constant 1 : i32
    %scan3A_175 = scf.for %scan3A_433 = %scan3A_171 to %scan3A_173 step %scan3A_174 iter_args(%scan3A_434 = %scan3A_170) -> (i32)  : i32 {
      %mul3A_435 = arith.constant 2 : i32
      %mul3A_436 = arith.muli %scan3A_433, %mul3A_435 : i32
      %add3A_437 = arith.constant 0 : i32
      %add3A_438 = arith.addi %mul3A_436, %add3A_437 : i32
      %mul3A_439 = arith.constant 32 : i32
      %mul3A_440 = arith.muli %add3A_438, %mul3A_439 : i32
      %lt3A_441 = arith.cmpi slt, %mul3A_440, %reduce_max3A_17 : i32
      %convert_element_type3A_442 = arith.extui %lt3A_441 : i1 to i32
      %cond3A_443 = arith.constant 0 : i32
      %cond3A_444 = arith.cmpi ne, %convert_element_type3A_442, %cond3A_443 : i32
      scf.if %cond3A_444 {
        %gt3A_456 = arith.constant 1 : i32
        %gt3A_457 = arith.cmpi sgt, %add3A_438, %gt3A_456 : i32
        %convert_element_type3A_458 = arith.extui %gt3A_457 : i1 to i32
        %cond3A_459 = arith.constant 0 : i32
        %cond3A_460 = arith.cmpi ne, %convert_element_type3A_458, %cond3A_459 : i32
        scf.if %cond3A_460 {
          %dma_wait3A = arith.constant 0 : i32
          %dma_wait3A_498 = arith.constant 0 : i32
          %dma_wait3A_499 = tpu.memref_slice %arg8[%dma_wait3A, %dma_wait3A_498] : memref<16384x768xf32, #tpu.memory_space<hbm>> -> memref<32x768xf32, #tpu.memory_space<hbm>>
          %dma_wait3A_500 = arith.constant 0 : i32
          %dma_wait3A_501 = arith.constant 0 : i32
          %dma_wait3A_502 = tpu.memref_slice %arg8[%dma_wait3A_500, %dma_wait3A_501] : memref<16384x768xf32, #tpu.memory_space<hbm>> -> memref<32x768xf32, #tpu.memory_space<hbm>>
          tpu.wait_dma2 semaphore(%arg31 : memref<!tpu.dma_semaphore, #tpu.memory_space<semaphore_mem>>) src(%dma_wait3A_502 : memref<32x768xf32, #tpu.memory_space<hbm>>) dst(%arg23 : memref<32x768xf32, #tpu.memory_space<vmem>>)
        } else {
        }
        %mul3A_461 = arith.constant 32 : i32
        %mul3A_462 = arith.muli %add3A_438, %mul3A_461 : i32
        %add3A_463 = arith.constant 0 : i32
        %add3A_464 = arith.addi %mul3A_462, %add3A_463 : i32
        %get3A = arith.index_cast %add3A_464 : i32 to index
        %get3A_465 = tpu.vector_load %arg13[%get3A] {strides = array<i32>} : memref<512xi32, #tpu.memory_space<vmem>>, vector<16xi32>,
        %swap3A = arith.constant 0 : index
        %swap3A_466 = tpu.vector_load %arg19[%swap3A] {strides = array<i32>} : memref<32xi32, #tpu.memory_space<vmem>>, vector<16xi32>,
        tpu.vector_store %arg19[%swap3A], %get3A_465 {strides = array<i32>} : memref<32xi32, #tpu.memory_space<vmem>>, vector<16xi32>,
        %mul3A_467 = arith.constant 32 : i32
        %mul3A_468 = arith.muli %add3A_438, %mul3A_467 : i32
        %add3A_469 = arith.constant 0 : i32
        %add3A_470 = arith.addi %mul3A_468, %add3A_469 : i32
        %get3A_471 = arith.index_cast %add3A_470 : i32 to index
        %get3A_472 = tpu.vector_load %arg16[%get3A_471] {strides = array<i32>} : memref<512xi32, #tpu.memory_space<vmem>>, vector<16xi32>,
        %swap3A_473 = arith.constant 0 : index
        %swap3A_474 = tpu.vector_load %arg21[%swap3A_473] {strides = array<i32>} : memref<32xi32, #tpu.memory_space<vmem>>, vector<16xi32>,
        tpu.vector_store %arg21[%swap3A_473], %get3A_472 {strides = array<i32>} : memref<32xi32, #tpu.memory_space<vmem>>, vector<16xi32>,
        %mul3A_475 = arith.constant 32 : i32
        %mul3A_476 = arith.muli %add3A_438, %mul3A_475 : i32
        %add3A_477 = arith.constant 16 : i32
        %add3A_478 = arith.addi %mul3A_476, %add3A_477 : i32
        %get3A_479 = arith.index_cast %add3A_478 : i32 to index
        %get3A_480 = tpu.vector_load %arg13[%get3A_479] {strides = array<i32>} : memref<512xi32, #tpu.memory_space<vmem>>, vector<16xi32>,
        %swap3A_481 = arith.constant 16 : index
        %swap3A_482 = tpu.vector_load %arg19[%swap3A_481] {strides = array<i32>} : memref<32xi32, #tpu.memory_space<vmem>>, vector<16xi32>,
        tpu.vector_store %arg19[%swap3A_481], %get3A_480 {strides = array<i32>} : memref<32xi32, #tpu.memory_space<vmem>>, vector<16xi32>,
        %mul3A_483 = arith.constant 32 : i32
        %mul3A_484 = arith.muli %add3A_438, %mul3A_483 : i32
        %add3A_485 = arith.constant 16 : i32
        %add3A_486 = arith.addi %mul3A_484, %add3A_485 : i32
        %get3A_487 = arith.index_cast %add3A_486 : i32 to index
        %get3A_488 = tpu.vector_load %arg16[%get3A_487] {strides = array<i32>} : memref<512xi32, #tpu.memory_space<vmem>>, vector<16xi32>,
        %swap3A_489 = arith.constant 16 : index
        %swap3A_490 = tpu.vector_load %arg21[%swap3A_489] {strides = array<i32>} : memref<32xi32, #tpu.memory_space<vmem>>, vector<16xi32>,
        tpu.vector_store %arg21[%swap3A_489], %get3A_488 {strides = array<i32>} : memref<32xi32, #tpu.memory_space<vmem>>, vector<16xi32>,
        %dma_start3A = arith.constant 0 : i32
        %dma_start3A_491 = arith.constant 0 : i32
        %dma_start3A_492 = tpu.memref_slice %arg3[%dma_start3A, %dma_start3A_491] : memref<50257x768xf32, #tpu.memory_space<hbm>> -> memref<50257x768xf32, #tpu.memory_space<hbm>>
        tpu.enqueue_indirect_dma source(%dma_start3A_492 : memref<50257x768xf32, #tpu.memory_space<hbm>>) target(%arg23 : memref<32x768xf32, #tpu.memory_space<vmem>>) offsets(%arg19 : memref<32xi32, #tpu.memory_space<vmem>>) semaphore(%arg29 : memref<!tpu.dma_semaphore, #tpu.memory_space<semaphore_mem>>)
        %gt3A_493 = arith.constant 0 : i32
        %gt3A_494 = arith.cmpi sgt, %add3A_438, %gt3A_493 : i32
        %convert_element_type3A_495 = arith.extui %gt3A_494 : i1 to i32
        %cond3A_496 = arith.constant 0 : i32
        %cond3A_497 = arith.cmpi ne, %convert_element_type3A_495, %cond3A_496 : i32
        scf.if %cond3A_497 {
          %dma_wait3A = arith.constant 0 : i32
          %dma_wait3A_498 = arith.constant 0 : i32
          %dma_wait3A_499 = tpu.memref_slice %arg8[%dma_wait3A, %dma_wait3A_498] : memref<16384x768xf32, #tpu.memory_space<hbm>> -> memref<32x768xf32, #tpu.memory_space<hbm>>
          %dma_wait3A_500 = arith.constant 0 : i32
          %dma_wait3A_501 = arith.constant 0 : i32
          %dma_wait3A_502 = tpu.memref_slice %arg8[%dma_wait3A_500, %dma_wait3A_501] : memref<16384x768xf32, #tpu.memory_space<hbm>> -> memref<32x768xf32, #tpu.memory_space<hbm>>
          tpu.wait_dma2 semaphore(%arg30 : memref<!tpu.dma_semaphore, #tpu.memory_space<semaphore_mem>>) src(%dma_wait3A_502 : memref<32x768xf32, #tpu.memory_space<hbm>>) dst(%arg23 : memref<32x768xf32, #tpu.memory_space<vmem>>)
          %dma_start3A_503 = arith.constant 0 : i32
          %dma_start3A_504 = arith.constant 0 : i32
          %dma_start3A_505 = tpu.memref_slice %arg8[%dma_start3A_503, %dma_start3A_504] : memref<16384x768xf32, #tpu.memory_space<hbm>> -> memref<16384x768xf32, #tpu.memory_space<hbm>>
          tpu.enqueue_indirect_dma source(%arg24 : memref<32x768xf32, #tpu.memory_space<vmem>>) target(%dma_start3A_505 : memref<16384x768xf32, #tpu.memory_space<hbm>>) offsets(%arg22 : memref<32xi32, #tpu.memory_space<vmem>>) semaphore(%arg32 : memref<!tpu.dma_semaphore, #tpu.memory_space<semaphore_mem>>)
        } else {
        }
      } else {
      }
      %mul3A_445 = arith.constant 2 : i32
      %mul3A_446 = arith.muli %scan3A_433, %mul3A_445 : i32
      %add3A_447 = arith.constant 1 : i32
      %add3A_448 = arith.addi %mul3A_446, %add3A_447 : i32
      %mul3A_449 = arith.constant 32 : i32
      %mul3A_450 = arith.muli %add3A_448, %mul3A_449 : i32
      %lt3A_451 = arith.cmpi slt, %mul3A_450, %reduce_max3A_17 : i32
      %convert_element_type3A_452 = arith.extui %lt3A_451 : i1 to i32
      %cond3A_453 = arith.constant 0 : i32
      %cond3A_454 = arith.cmpi ne, %convert_element_type3A_452, %cond3A_453 : i32
      scf.if %cond3A_454 {
        %gt3A_456 = arith.constant 1 : i32
        %gt3A_457 = arith.cmpi sgt, %add3A_448, %gt3A_456 : i32
        %convert_element_type3A_458 = arith.extui %gt3A_457 : i1 to i32
        %cond3A_459 = arith.constant 0 : i32
        %cond3A_460 = arith.cmpi ne, %convert_element_type3A_458, %cond3A_459 : i32
        scf.if %cond3A_460 {
          %dma_wait3A = arith.constant 0 : i32
          %dma_wait3A_498 = arith.constant 0 : i32
          %dma_wait3A_499 = tpu.memref_slice %arg8[%dma_wait3A, %dma_wait3A_498] : memref<16384x768xf32, #tpu.memory_space<hbm>> -> memref<32x768xf32, #tpu.memory_space<hbm>>
          %dma_wait3A_500 = arith.constant 0 : i32
          %dma_wait3A_501 = arith.constant 0 : i32
          %dma_wait3A_502 = tpu.memref_slice %arg8[%dma_wait3A_500, %dma_wait3A_501] : memref<16384x768xf32, #tpu.memory_space<hbm>> -> memref<32x768xf32, #tpu.memory_space<hbm>>
          tpu.wait_dma2 semaphore(%arg32 : memref<!tpu.dma_semaphore, #tpu.memory_space<semaphore_mem>>) src(%dma_wait3A_502 : memref<32x768xf32, #tpu.memory_space<hbm>>) dst(%arg23 : memref<32x768xf32, #tpu.memory_space<vmem>>)
        } else {
        }
        %mul3A_461 = arith.constant 32 : i32
        %mul3A_462 = arith.muli %add3A_448, %mul3A_461 : i32
        %add3A_463 = arith.constant 0 : i32
        %add3A_464 = arith.addi %mul3A_462, %add3A_463 : i32
        %get3A = arith.index_cast %add3A_464 : i32 to index
        %get3A_465 = tpu.vector_load %arg13[%get3A] {strides = array<i32>} : memref<512xi32, #tpu.memory_space<vmem>>, vector<16xi32>,
        %swap3A = arith.constant 0 : index
        %swap3A_466 = tpu.vector_load %arg20[%swap3A] {strides = array<i32>} : memref<32xi32, #tpu.memory_space<vmem>>, vector<16xi32>,
        tpu.vector_store %arg20[%swap3A], %get3A_465 {strides = array<i32>} : memref<32xi32, #tpu.memory_space<vmem>>, vector<16xi32>,
        %mul3A_467 = arith.constant 32 : i32
        %mul3A_468 = arith.muli %add3A_448, %mul3A_467 : i32
        %add3A_469 = arith.constant 0 : i32
        %add3A_470 = arith.addi %mul3A_468, %add3A_469 : i32
        %get3A_471 = arith.index_cast %add3A_470 : i32 to index
        %get3A_472 = tpu.vector_load %arg16[%get3A_471] {strides = array<i32>} : memref<512xi32, #tpu.memory_space<vmem>>, vector<16xi32>,
        %swap3A_473 = arith.constant 0 : index
        %swap3A_474 = tpu.vector_load %arg22[%swap3A_473] {strides = array<i32>} : memref<32xi32, #tpu.memory_space<vmem>>, vector<16xi32>,
        tpu.vector_store %arg22[%swap3A_473], %get3A_472 {strides = array<i32>} : memref<32xi32, #tpu.memory_space<vmem>>, vector<16xi32>,
        %mul3A_475 = arith.constant 32 : i32
        %mul3A_476 = arith.muli %add3A_448, %mul3A_475 : i32
        %add3A_477 = arith.constant 16 : i32
        %add3A_478 = arith.addi %mul3A_476, %add3A_477 : i32
        %get3A_479 = arith.index_cast %add3A_478 : i32 to index
        %get3A_480 = tpu.vector_load %arg13[%get3A_479] {strides = array<i32>} : memref<512xi32, #tpu.memory_space<vmem>>, vector<16xi32>,
        %swap3A_481 = arith.constant 16 : index
        %swap3A_482 = tpu.vector_load %arg20[%swap3A_481] {strides = array<i32>} : memref<32xi32, #tpu.memory_space<vmem>>, vector<16xi32>,
        tpu.vector_store %arg20[%swap3A_481], %get3A_480 {strides = array<i32>} : memref<32xi32, #tpu.memory_space<vmem>>, vector<16xi32>,
        %mul3A_483 = arith.constant 32 : i32
        %mul3A_484 = arith.muli %add3A_448, %mul3A_483 : i32
        %add3A_485 = arith.constant 16 : i32
        %add3A_486 = arith.addi %mul3A_484, %add3A_485 : i32
        %get3A_487 = arith.index_cast %add3A_486 : i32 to index
        %get3A_488 = tpu.vector_load %arg16[%get3A_487] {strides = array<i32>} : memref<512xi32, #tpu.memory_space<vmem>>, vector<16xi32>,
        %swap3A_489 = arith.constant 16 : index
        %swap3A_490 = tpu.vector_load %arg22[%swap3A_489] {strides = array<i32>} : memref<32xi32, #tpu.memory_space<vmem>>, vector<16xi32>,
        tpu.vector_store %arg22[%swap3A_489], %get3A_488 {strides = array<i32>} : memref<32xi32, #tpu.memory_space<vmem>>, vector<16xi32>,
        %dma_start3A = arith.constant 0 : i32
        %dma_start3A_491 = arith.constant 0 : i32
        %dma_start3A_492 = tpu.memref_slice %arg3[%dma_start3A, %dma_start3A_491] : memref<50257x768xf32, #tpu.memory_space<hbm>> -> memref<50257x768xf32, #tpu.memory_space<hbm>>
        tpu.enqueue_indirect_dma source(%dma_start3A_492 : memref<50257x768xf32, #tpu.memory_space<hbm>>) target(%arg24 : memref<32x768xf32, #tpu.memory_space<vmem>>) offsets(%arg20 : memref<32xi32, #tpu.memory_space<vmem>>) semaphore(%arg30 : memref<!tpu.dma_semaphore, #tpu.memory_space<semaphore_mem>>)
        %gt3A_493 = arith.constant 0 : i32
        %gt3A_494 = arith.cmpi sgt, %add3A_448, %gt3A_493 : i32
        %convert_element_type3A_495 = arith.extui %gt3A_494 : i1 to i32
        %cond3A_496 = arith.constant 0 : i32
        %cond3A_497 = arith.cmpi ne, %convert_element_type3A_495, %cond3A_496 : i32
        scf.if %cond3A_497 {
          %dma_wait3A = arith.constant 0 : i32
          %dma_wait3A_498 = arith.constant 0 : i32
          %dma_wait3A_499 = tpu.memref_slice %arg8[%dma_wait3A, %dma_wait3A_498] : memref<16384x768xf32, #tpu.memory_space<hbm>> -> memref<32x768xf32, #tpu.memory_space<hbm>>
          %dma_wait3A_500 = arith.constant 0 : i32
          %dma_wait3A_501 = arith.constant 0 : i32
          %dma_wait3A_502 = tpu.memref_slice %arg8[%dma_wait3A_500, %dma_wait3A_501] : memref<16384x768xf32, #tpu.memory_space<hbm>> -> memref<32x768xf32, #tpu.memory_space<hbm>>
          tpu.wait_dma2 semaphore(%arg29 : memref<!tpu.dma_semaphore, #tpu.memory_space<semaphore_mem>>) src(%dma_wait3A_502 : memref<32x768xf32, #tpu.memory_space<hbm>>) dst(%arg23 : memref<32x768xf32, #tpu.memory_space<vmem>>)
          %dma_start3A_503 = arith.constant 0 : i32
          %dma_start3A_504 = arith.constant 0 : i32
          %dma_start3A_505 = tpu.memref_slice %arg8[%dma_start3A_503, %dma_start3A_504] : memref<16384x768xf32, #tpu.memory_space<hbm>> -> memref<16384x768xf32, #tpu.memory_space<hbm>>
          tpu.enqueue_indirect_dma source(%arg23 : memref<32x768xf32, #tpu.memory_space<vmem>>) target(%dma_start3A_505 : memref<16384x768xf32, #tpu.memory_space<hbm>>) offsets(%arg21 : memref<32xi32, #tpu.memory_space<vmem>>) semaphore(%arg31 : memref<!tpu.dma_semaphore, #tpu.memory_space<semaphore_mem>>)
        } else {
        }
      } else {
      }
      %scan3A_455 = arith.constant 0 : i32
      scf.yield %scan3A_455 : i32
    }
    %scan3A_176 = arith.constant 8 : i32
    %gt3A = arith.constant 0 : i32
    %gt3A_177 = arith.cmpi sgt, %reduce_max3A_17, %gt3A : i32
    %sub3A_178 = arith.constant 1 : i32
    %sub3A_179 = arith.subi %select_n3A_169, %sub3A_178 : i32
    %jit3A_180 = arith.constant 2 : i32
    %eq3A = arith.constant 0 : i32
    %eq3A_181 = arith.cmpi eq, %jit3A_180, %eq3A : i32
    %jit3A_182 = arith.constant 1 : i32
    %select_n3A_183 = arith.select %eq3A_181, %jit3A_182, %jit3A_180 : i32
    %rem3A_184 = arith.remsi %sub3A_179, %select_n3A_183 : i32
    %ne3A_185 = arith.constant 0 : i32
    %ne3A_186 = arith.cmpi ne, %rem3A_184, %ne3A_185 : i32
    %lt3A = arith.constant 0 : i32
    %lt3A_187 = arith.cmpi slt, %rem3A_184, %lt3A : i32
    %lt3A_188 = arith.constant 0 : i32
    %lt3A_189 = arith.cmpi slt, %select_n3A_183, %lt3A_188 : i32
    %ne3A_190 = arith.xori %lt3A_187, %lt3A_189 : i1
    %and3A_191 = arith.andi %ne3A_190, %ne3A_186 : i1
    %add3A_192 = arith.addi %rem3A_184, %select_n3A_183 : i32
    %select_n3A_193 = arith.select %and3A_191, %add3A_192, %rem3A_184 : i32
    %eq3A_194 = arith.constant 0 : i32
    %eq3A_195 = arith.cmpi eq, %select_n3A_193, %eq3A_194 : i32
    %and3A_196 = arith.andi %gt3A_177, %eq3A_195 : i1
    %convert_element_type3A = arith.extui %and3A_196 : i1 to i32
    %cond3A = arith.constant 0 : i32
    %cond3A_197 = arith.cmpi ne, %convert_element_type3A, %cond3A : i32
    scf.if %cond3A_197 {
      %dma_wait3A = arith.constant 0 : i32
      %dma_wait3A_433 = arith.constant 0 : i32
      %dma_wait3A_434 = tpu.memref_slice %arg8[%dma_wait3A, %dma_wait3A_433] : memref<16384x768xf32, #tpu.memory_space<hbm>> -> memref<32x768xf32, #tpu.memory_space<hbm>>
      %dma_wait3A_435 = arith.constant 0 : i32
      %dma_wait3A_436 = arith.constant 0 : i32
      %dma_wait3A_437 = tpu.memref_slice %arg8[%dma_wait3A_435, %dma_wait3A_436] : memref<16384x768xf32, #tpu.memory_space<hbm>> -> memref<32x768xf32, #tpu.memory_space<hbm>>
      tpu.wait_dma2 semaphore(%arg29 : memref<!tpu.dma_semaphore, #tpu.memory_space<semaphore_mem>>) src(%dma_wait3A_437 : memref<32x768xf32, #tpu.memory_space<hbm>>) dst(%arg23 : memref<32x768xf32, #tpu.memory_space<vmem>>)
      %dma_start3A = arith.constant 0 : i32
      %dma_start3A_438 = arith.constant 0 : i32
      %dma_start3A_439 = tpu.memref_slice %arg8[%dma_start3A, %dma_start3A_438] : memref<16384x768xf32, #tpu.memory_space<hbm>> -> memref<16384x768xf32, #tpu.memory_space<hbm>>
      tpu.enqueue_indirect_dma source(%arg23 : memref<32x768xf32, #tpu.memory_space<vmem>>) target(%dma_start3A_439 : memref<16384x768xf32, #tpu.memory_space<hbm>>) offsets(%arg21 : memref<32xi32, #tpu.memory_space<vmem>>) semaphore(%arg31 : memref<!tpu.dma_semaphore, #tpu.memory_space<semaphore_mem>>)
    } else {
    }
    %gt3A_198 = arith.constant 0 : i32
    %gt3A_199 = arith.cmpi sgt, %reduce_max3A_17, %gt3A_198 : i32
    %sub3A_200 = arith.constant 1 : i32
    %sub3A_201 = arith.subi %select_n3A_169, %sub3A_200 : i32
    %jit3A_202 = arith.constant 2 : i32
    %eq3A_203 = arith.constant 0 : i32
    %eq3A_204 = arith.cmpi eq, %jit3A_202, %eq3A_203 : i32
    %jit3A_205 = arith.constant 1 : i32
    %select_n3A_206 = arith.select %eq3A_204, %jit3A_205, %jit3A_202 : i32
    %rem3A_207 = arith.remsi %sub3A_201, %select_n3A_206 : i32
    %ne3A_208 = arith.constant 0 : i32
    %ne3A_209 = arith.cmpi ne, %rem3A_207, %ne3A_208 : i32
    %lt3A_210 = arith.constant 0 : i32
    %lt3A_211 = arith.cmpi slt, %rem3A_207, %lt3A_210 : i32
    %lt3A_212 = arith.constant 0 : i32
    %lt3A_213 = arith.cmpi slt, %select_n3A_206, %lt3A_212 : i32
    %ne3A_214 = arith.xori %lt3A_211, %lt3A_213 : i1
    %and3A_215 = arith.andi %ne3A_214, %ne3A_209 : i1
    %add3A_216 = arith.addi %rem3A_207, %select_n3A_206 : i32
    %select_n3A_217 = arith.select %and3A_215, %add3A_216, %rem3A_207 : i32
    %eq3A_218 = arith.constant 1 : i32
    %eq3A_219 = arith.cmpi eq, %select_n3A_217, %eq3A_218 : i32
    %and3A_220 = arith.andi %gt3A_199, %eq3A_219 : i1
    %convert_element_type3A_221 = arith.extui %and3A_220 : i1 to i32
    %cond3A_222 = arith.constant 0 : i32
    %cond3A_223 = arith.cmpi ne, %convert_element_type3A_221, %cond3A_222 : i32
    scf.if %cond3A_223 {
      %dma_wait3A = arith.constant 0 : i32
      %dma_wait3A_433 = arith.constant 0 : i32
      %dma_wait3A_434 = tpu.memref_slice %arg8[%dma_wait3A, %dma_wait3A_433] : memref<16384x768xf32, #tpu.memory_space<hbm>> -> memref<32x768xf32, #tpu.memory_space<hbm>>
      %dma_wait3A_435 = arith.constant 0 : i32
      %dma_wait3A_436 = arith.constant 0 : i32
      %dma_wait3A_437 = tpu.memref_slice %arg8[%dma_wait3A_435, %dma_wait3A_436] : memref<16384x768xf32, #tpu.memory_space<hbm>> -> memref<32x768xf32, #tpu.memory_space<hbm>>
      tpu.wait_dma2 semaphore(%arg30 : memref<!tpu.dma_semaphore, #tpu.memory_space<semaphore_mem>>) src(%dma_wait3A_437 : memref<32x768xf32, #tpu.memory_space<hbm>>) dst(%arg23 : memref<32x768xf32, #tpu.memory_space<vmem>>)
      %dma_start3A = arith.constant 0 : i32
      %dma_start3A_438 = arith.constant 0 : i32
      %dma_start3A_439 = tpu.memref_slice %arg8[%dma_start3A, %dma_start3A_438] : memref<16384x768xf32, #tpu.memory_space<hbm>> -> memref<16384x768xf32, #tpu.memory_space<hbm>>
      tpu.enqueue_indirect_dma source(%arg24 : memref<32x768xf32, #tpu.memory_space<vmem>>) target(%dma_start3A_439 : memref<16384x768xf32, #tpu.memory_space<hbm>>) offsets(%arg22 : memref<32xi32, #tpu.memory_space<vmem>>) semaphore(%arg32 : memref<!tpu.dma_semaphore, #tpu.memory_space<semaphore_mem>>)
    } else {
    }
    %gt3A_224 = arith.constant 0 : i32
    %gt3A_225 = arith.cmpi sgt, %reduce_max3A_17, %gt3A_224 : i32
    %convert_element_type3A_226 = arith.extui %gt3A_225 : i1 to i32
    %cond3A_227 = arith.constant 0 : i32
    %cond3A_228 = arith.cmpi ne, %convert_element_type3A_226, %cond3A_227 : i32
    scf.if %cond3A_228 {
      %dma_wait3A = arith.constant 0 : i32
      %dma_wait3A_433 = arith.constant 0 : i32
      %dma_wait3A_434 = tpu.memref_slice %arg8[%dma_wait3A, %dma_wait3A_433] : memref<16384x768xf32, #tpu.memory_space<hbm>> -> memref<32x768xf32, #tpu.memory_space<hbm>>
      %dma_wait3A_435 = arith.constant 0 : i32
      %dma_wait3A_436 = arith.constant 0 : i32
      %dma_wait3A_437 = tpu.memref_slice %arg8[%dma_wait3A_435, %dma_wait3A_436] : memref<16384x768xf32, #tpu.memory_space<hbm>> -> memref<32x768xf32, #tpu.memory_space<hbm>>
      tpu.wait_dma2 semaphore(%arg31 : memref<!tpu.dma_semaphore, #tpu.memory_space<semaphore_mem>>) src(%dma_wait3A_437 : memref<32x768xf32, #tpu.memory_space<hbm>>) dst(%arg23 : memref<32x768xf32, #tpu.memory_space<vmem>>)
    } else {
    }
    %gt3A_229 = arith.constant 32 : i32
    %gt3A_230 = arith.cmpi sgt, %reduce_max3A_17, %gt3A_229 : i32
    %convert_element_type3A_231 = arith.extui %gt3A_230 : i1 to i32
    %cond3A_232 = arith.constant 0 : i32
    %cond3A_233 = arith.cmpi ne, %convert_element_type3A_231, %cond3A_232 : i32
    scf.if %cond3A_233 {
      %dma_wait3A = arith.constant 0 : i32
      %dma_wait3A_433 = arith.constant 0 : i32
      %dma_wait3A_434 = tpu.memref_slice %arg8[%dma_wait3A, %dma_wait3A_433] : memref<16384x768xf32, #tpu.memory_space<hbm>> -> memref<32x768xf32, #tpu.memory_space<hbm>>
      %dma_wait3A_435 = arith.constant 0 : i32
      %dma_wait3A_436 = arith.constant 0 : i32
      %dma_wait3A_437 = tpu.memref_slice %arg8[%dma_wait3A_435, %dma_wait3A_436] : memref<16384x768xf32, #tpu.memory_space<hbm>> -> memref<32x768xf32, #tpu.memory_space<hbm>>
      tpu.wait_dma2 semaphore(%arg32 : memref<!tpu.dma_semaphore, #tpu.memory_space<semaphore_mem>>) src(%dma_wait3A_437 : memref<32x768xf32, #tpu.memory_space<hbm>>) dst(%arg23 : memref<32x768xf32, #tpu.memory_space<vmem>>)
    } else {
    }
    %add3A_234 = arith.constant 32 : i32
    %add3A_235 = arith.addi %reduce_max3A_25, %add3A_234 : i32
    %sub3A_236 = arith.constant 1 : i32
    %sub3A_237 = arith.subi %add3A_235, %sub3A_236 : i32
    %jit3A_238 = arith.constant 32 : i32
    %div3A_239 = arith.divsi %sub3A_237, %jit3A_238 : i32
    %sign3A_240 = arith.constant 0 : i32
    %sign3A_241 = arith.cmpi sgt, %sub3A_237, %sign3A_240 : i32
    %sign3A_242 = arith.extui %sign3A_241 : i1 to i32
    %sign3A_243 = arith.constant 0 : i32
    %sign3A_244 = arith.cmpi slt, %sub3A_237, %sign3A_243 : i32
    %sign3A_245 = arith.extui %sign3A_244 : i1 to i32
    %sign3A_246 = arith.subi %sign3A_242, %sign3A_245 : i32
    %sign3A_247 = arith.constant 0 : i32
    %sign3A_248 = arith.cmpi sgt, %jit3A_238, %sign3A_247 : i32
    %sign3A_249 = arith.extui %sign3A_248 : i1 to i32
    %sign3A_250 = arith.constant 0 : i32
    %sign3A_251 = arith.cmpi slt, %jit3A_238, %sign3A_250 : i32
    %sign3A_252 = arith.extui %sign3A_251 : i1 to i32
    %sign3A_253 = arith.subi %sign3A_249, %sign3A_252 : i32
    %ne3A_254 = arith.cmpi ne, %sign3A_246, %sign3A_253 : i32
    %rem3A_255 = arith.remsi %sub3A_237, %jit3A_238 : i32
    %ne3A_256 = arith.constant 0 : i32
    %ne3A_257 = arith.cmpi ne, %rem3A_255, %ne3A_256 : i32
    %and3A_258 = arith.andi %ne3A_254, %ne3A_257 : i1
    %sub3A_259 = arith.constant 1 : i32
    %sub3A_260 = arith.subi %div3A_239, %sub3A_259 : i32
    %select_n3A_261 = arith.select %and3A_258, %sub3A_260, %div3A_239 : i32
    %scan3A_262 = arith.constant 0 : i32
    %scan3A_263 = arith.constant 0 : i32
    %scan3A_264 = arith.constant 8 : i32
    %scan3A_265 = arith.addi %scan3A_263, %scan3A_264 : i32
    %scan3A_266 = arith.constant 1 : i32
    %scan3A_267 = scf.for %scan3A_433 = %scan3A_263 to %scan3A_265 step %scan3A_266 iter_args(%scan3A_434 = %scan3A_262) -> (i32)  : i32 {
      %mul3A_435 = arith.constant 2 : i32
      %mul3A_436 = arith.muli %scan3A_433, %mul3A_435 : i32
      %add3A_437 = arith.constant 0 : i32
      %add3A_438 = arith.addi %mul3A_436, %add3A_437 : i32
      %mul3A_439 = arith.constant 32 : i32
      %mul3A_440 = arith.muli %add3A_438, %mul3A_439 : i32
      %lt3A_441 = arith.cmpi slt, %mul3A_440, %reduce_max3A_25 : i32
      %convert_element_type3A_442 = arith.extui %lt3A_441 : i1 to i32
      %cond3A_443 = arith.constant 0 : i32
      %cond3A_444 = arith.cmpi ne, %convert_element_type3A_442, %cond3A_443 : i32
      scf.if %cond3A_444 {
        %gt3A_456 = arith.constant 1 : i32
        %gt3A_457 = arith.cmpi sgt, %add3A_438, %gt3A_456 : i32
        %convert_element_type3A_458 = arith.extui %gt3A_457 : i1 to i32
        %cond3A_459 = arith.constant 0 : i32
        %cond3A_460 = arith.cmpi ne, %convert_element_type3A_458, %cond3A_459 : i32
        scf.if %cond3A_460 {
          %dma_wait3A = arith.constant 0 : i32
          %dma_wait3A_498 = arith.constant 0 : i32
          %dma_wait3A_499 = tpu.memref_slice %arg8[%dma_wait3A, %dma_wait3A_498] : memref<16384x768xf32, #tpu.memory_space<hbm>> -> memref<32x768xf32, #tpu.memory_space<hbm>>
          %dma_wait3A_500 = arith.constant 0 : i32
          %dma_wait3A_501 = arith.constant 0 : i32
          %dma_wait3A_502 = tpu.memref_slice %arg8[%dma_wait3A_500, %dma_wait3A_501] : memref<16384x768xf32, #tpu.memory_space<hbm>> -> memref<32x768xf32, #tpu.memory_space<hbm>>
          tpu.wait_dma2 semaphore(%arg31 : memref<!tpu.dma_semaphore, #tpu.memory_space<semaphore_mem>>) src(%dma_wait3A_502 : memref<32x768xf32, #tpu.memory_space<hbm>>) dst(%arg23 : memref<32x768xf32, #tpu.memory_space<vmem>>)
        } else {
        }
        %mul3A_461 = arith.constant 32 : i32
        %mul3A_462 = arith.muli %add3A_438, %mul3A_461 : i32
        %add3A_463 = arith.constant 0 : i32
        %add3A_464 = arith.addi %mul3A_462, %add3A_463 : i32
        %get3A = arith.index_cast %add3A_464 : i32 to index
        %get3A_465 = tpu.vector_load %arg14[%get3A] {strides = array<i32>} : memref<512xi32, #tpu.memory_space<vmem>>, vector<16xi32>,
        %swap3A = arith.constant 0 : index
        %swap3A_466 = tpu.vector_load %arg19[%swap3A] {strides = array<i32>} : memref<32xi32, #tpu.memory_space<vmem>>, vector<16xi32>,
        tpu.vector_store %arg19[%swap3A], %get3A_465 {strides = array<i32>} : memref<32xi32, #tpu.memory_space<vmem>>, vector<16xi32>,
        %mul3A_467 = arith.constant 32 : i32
        %mul3A_468 = arith.muli %add3A_438, %mul3A_467 : i32
        %add3A_469 = arith.constant 0 : i32
        %add3A_470 = arith.addi %mul3A_468, %add3A_469 : i32
        %get3A_471 = arith.index_cast %add3A_470 : i32 to index
        %get3A_472 = tpu.vector_load %arg17[%get3A_471] {strides = array<i32>} : memref<512xi32, #tpu.memory_space<vmem>>, vector<16xi32>,
        %swap3A_473 = arith.constant 0 : index
        %swap3A_474 = tpu.vector_load %arg21[%swap3A_473] {strides = array<i32>} : memref<32xi32, #tpu.memory_space<vmem>>, vector<16xi32>,
        tpu.vector_store %arg21[%swap3A_473], %get3A_472 {strides = array<i32>} : memref<32xi32, #tpu.memory_space<vmem>>, vector<16xi32>,
        %mul3A_475 = arith.constant 32 : i32
        %mul3A_476 = arith.muli %add3A_438, %mul3A_475 : i32
        %add3A_477 = arith.constant 16 : i32
        %add3A_478 = arith.addi %mul3A_476, %add3A_477 : i32
        %get3A_479 = arith.index_cast %add3A_478 : i32 to index
        %get3A_480 = tpu.vector_load %arg14[%get3A_479] {strides = array<i32>} : memref<512xi32, #tpu.memory_space<vmem>>, vector<16xi32>,
        %swap3A_481 = arith.constant 16 : index
        %swap3A_482 = tpu.vector_load %arg19[%swap3A_481] {strides = array<i32>} : memref<32xi32, #tpu.memory_space<vmem>>, vector<16xi32>,
        tpu.vector_store %arg19[%swap3A_481], %get3A_480 {strides = array<i32>} : memref<32xi32, #tpu.memory_space<vmem>>, vector<16xi32>,
        %mul3A_483 = arith.constant 32 : i32
        %mul3A_484 = arith.muli %add3A_438, %mul3A_483 : i32
        %add3A_485 = arith.constant 16 : i32
        %add3A_486 = arith.addi %mul3A_484, %add3A_485 : i32
        %get3A_487 = arith.index_cast %add3A_486 : i32 to index
        %get3A_488 = tpu.vector_load %arg17[%get3A_487] {strides = array<i32>} : memref<512xi32, #tpu.memory_space<vmem>>, vector<16xi32>,
        %swap3A_489 = arith.constant 16 : index
        %swap3A_490 = tpu.vector_load %arg21[%swap3A_489] {strides = array<i32>} : memref<32xi32, #tpu.memory_space<vmem>>, vector<16xi32>,
        tpu.vector_store %arg21[%swap3A_489], %get3A_488 {strides = array<i32>} : memref<32xi32, #tpu.memory_space<vmem>>, vector<16xi32>,
        %dma_start3A = arith.constant 0 : i32
        %dma_start3A_491 = arith.constant 0 : i32
        %dma_start3A_492 = tpu.memref_slice %arg4[%dma_start3A, %dma_start3A_491] : memref<10000x768xf32, #tpu.memory_space<hbm>> -> memref<10000x768xf32, #tpu.memory_space<hbm>>
        tpu.enqueue_indirect_dma source(%dma_start3A_492 : memref<10000x768xf32, #tpu.memory_space<hbm>>) target(%arg23 : memref<32x768xf32, #tpu.memory_space<vmem>>) offsets(%arg19 : memref<32xi32, #tpu.memory_space<vmem>>) semaphore(%arg29 : memref<!tpu.dma_semaphore, #tpu.memory_space<semaphore_mem>>)
        %gt3A_493 = arith.constant 0 : i32
        %gt3A_494 = arith.cmpi sgt, %add3A_438, %gt3A_493 : i32
        %convert_element_type3A_495 = arith.extui %gt3A_494 : i1 to i32
        %cond3A_496 = arith.constant 0 : i32
        %cond3A_497 = arith.cmpi ne, %convert_element_type3A_495, %cond3A_496 : i32
        scf.if %cond3A_497 {
          %dma_wait3A = arith.constant 0 : i32
          %dma_wait3A_498 = arith.constant 0 : i32
          %dma_wait3A_499 = tpu.memref_slice %arg8[%dma_wait3A, %dma_wait3A_498] : memref<16384x768xf32, #tpu.memory_space<hbm>> -> memref<32x768xf32, #tpu.memory_space<hbm>>
          %dma_wait3A_500 = arith.constant 0 : i32
          %dma_wait3A_501 = arith.constant 0 : i32
          %dma_wait3A_502 = tpu.memref_slice %arg8[%dma_wait3A_500, %dma_wait3A_501] : memref<16384x768xf32, #tpu.memory_space<hbm>> -> memref<32x768xf32, #tpu.memory_space<hbm>>
          tpu.wait_dma2 semaphore(%arg30 : memref<!tpu.dma_semaphore, #tpu.memory_space<semaphore_mem>>) src(%dma_wait3A_502 : memref<32x768xf32, #tpu.memory_space<hbm>>) dst(%arg23 : memref<32x768xf32, #tpu.memory_space<vmem>>)
          %dma_start3A_503 = arith.constant 0 : i32
          %dma_start3A_504 = arith.constant 0 : i32
          %dma_start3A_505 = tpu.memref_slice %arg8[%dma_start3A_503, %dma_start3A_504] : memref<16384x768xf32, #tpu.memory_space<hbm>> -> memref<16384x768xf32, #tpu.memory_space<hbm>>
          tpu.enqueue_indirect_dma source(%arg24 : memref<32x768xf32, #tpu.memory_space<vmem>>) target(%dma_start3A_505 : memref<16384x768xf32, #tpu.memory_space<hbm>>) offsets(%arg22 : memref<32xi32, #tpu.memory_space<vmem>>) semaphore(%arg32 : memref<!tpu.dma_semaphore, #tpu.memory_space<semaphore_mem>>)
        } else {
        }
      } else {
      }
      %mul3A_445 = arith.constant 2 : i32
      %mul3A_446 = arith.muli %scan3A_433, %mul3A_445 : i32
      %add3A_447 = arith.constant 1 : i32
      %add3A_448 = arith.addi %mul3A_446, %add3A_447 : i32
      %mul3A_449 = arith.constant 32 : i32
      %mul3A_450 = arith.muli %add3A_448, %mul3A_449 : i32
      %lt3A_451 = arith.cmpi slt, %mul3A_450, %reduce_max3A_25 : i32
      %convert_element_type3A_452 = arith.extui %lt3A_451 : i1 to i32
      %cond3A_453 = arith.constant 0 : i32
      %cond3A_454 = arith.cmpi ne, %convert_element_type3A_452, %cond3A_453 : i32
      scf.if %cond3A_454 {
        %gt3A_456 = arith.constant 1 : i32
        %gt3A_457 = arith.cmpi sgt, %add3A_448, %gt3A_456 : i32
        %convert_element_type3A_458 = arith.extui %gt3A_457 : i1 to i32
        %cond3A_459 = arith.constant 0 : i32
        %cond3A_460 = arith.cmpi ne, %convert_element_type3A_458, %cond3A_459 : i32
        scf.if %cond3A_460 {
          %dma_wait3A = arith.constant 0 : i32
          %dma_wait3A_498 = arith.constant 0 : i32
          %dma_wait3A_499 = tpu.memref_slice %arg8[%dma_wait3A, %dma_wait3A_498] : memref<16384x768xf32, #tpu.memory_space<hbm>> -> memref<32x768xf32, #tpu.memory_space<hbm>>
          %dma_wait3A_500 = arith.constant 0 : i32
          %dma_wait3A_501 = arith.constant 0 : i32
          %dma_wait3A_502 = tpu.memref_slice %arg8[%dma_wait3A_500, %dma_wait3A_501] : memref<16384x768xf32, #tpu.memory_space<hbm>> -> memref<32x768xf32, #tpu.memory_space<hbm>>
          tpu.wait_dma2 semaphore(%arg32 : memref<!tpu.dma_semaphore, #tpu.memory_space<semaphore_mem>>) src(%dma_wait3A_502 : memref<32x768xf32, #tpu.memory_space<hbm>>) dst(%arg23 : memref<32x768xf32, #tpu.memory_space<vmem>>)
        } else {
        }
        %mul3A_461 = arith.constant 32 : i32
        %mul3A_462 = arith.muli %add3A_448, %mul3A_461 : i32
        %add3A_463 = arith.constant 0 : i32
        %add3A_464 = arith.addi %mul3A_462, %add3A_463 : i32
        %get3A = arith.index_cast %add3A_464 : i32 to index
        %get3A_465 = tpu.vector_load %arg14[%get3A] {strides = array<i32>} : memref<512xi32, #tpu.memory_space<vmem>>, vector<16xi32>,
        %swap3A = arith.constant 0 : index
        %swap3A_466 = tpu.vector_load %arg20[%swap3A] {strides = array<i32>} : memref<32xi32, #tpu.memory_space<vmem>>, vector<16xi32>,
        tpu.vector_store %arg20[%swap3A], %get3A_465 {strides = array<i32>} : memref<32xi32, #tpu.memory_space<vmem>>, vector<16xi32>,
        %mul3A_467 = arith.constant 32 : i32
        %mul3A_468 = arith.muli %add3A_448, %mul3A_467 : i32
        %add3A_469 = arith.constant 0 : i32
        %add3A_470 = arith.addi %mul3A_468, %add3A_469 : i32
        %get3A_471 = arith.index_cast %add3A_470 : i32 to index
        %get3A_472 = tpu.vector_load %arg17[%get3A_471] {strides = array<i32>} : memref<512xi32, #tpu.memory_space<vmem>>, vector<16xi32>,
        %swap3A_473 = arith.constant 0 : index
        %swap3A_474 = tpu.vector_load %arg22[%swap3A_473] {strides = array<i32>} : memref<32xi32, #tpu.memory_space<vmem>>, vector<16xi32>,
        tpu.vector_store %arg22[%swap3A_473], %get3A_472 {strides = array<i32>} : memref<32xi32, #tpu.memory_space<vmem>>, vector<16xi32>,
        %mul3A_475 = arith.constant 32 : i32
        %mul3A_476 = arith.muli %add3A_448, %mul3A_475 : i32
        %add3A_477 = arith.constant 16 : i32
        %add3A_478 = arith.addi %mul3A_476, %add3A_477 : i32
        %get3A_479 = arith.index_cast %add3A_478 : i32 to index
        %get3A_480 = tpu.vector_load %arg14[%get3A_479] {strides = array<i32>} : memref<512xi32, #tpu.memory_space<vmem>>, vector<16xi32>,
        %swap3A_481 = arith.constant 16 : index
        %swap3A_482 = tpu.vector_load %arg20[%swap3A_481] {strides = array<i32>} : memref<32xi32, #tpu.memory_space<vmem>>, vector<16xi32>,
        tpu.vector_store %arg20[%swap3A_481], %get3A_480 {strides = array<i32>} : memref<32xi32, #tpu.memory_space<vmem>>, vector<16xi32>,
        %mul3A_483 = arith.constant 32 : i32
        %mul3A_484 = arith.muli %add3A_448, %mul3A_483 : i32
        %add3A_485 = arith.constant 16 : i32
        %add3A_486 = arith.addi %mul3A_484, %add3A_485 : i32
        %get3A_487 = arith.index_cast %add3A_486 : i32 to index
        %get3A_488 = tpu.vector_load %arg17[%get3A_487] {strides = array<i32>} : memref<512xi32, #tpu.memory_space<vmem>>, vector<16xi32>,
        %swap3A_489 = arith.constant 16 : index
        %swap3A_490 = tpu.vector_load %arg22[%swap3A_489] {strides = array<i32>} : memref<32xi32, #tpu.memory_space<vmem>>, vector<16xi32>,
        tpu.vector_store %arg22[%swap3A_489], %get3A_488 {strides = array<i32>} : memref<32xi32, #tpu.memory_space<vmem>>, vector<16xi32>,
        %dma_start3A = arith.constant 0 : i32
        %dma_start3A_491 = arith.constant 0 : i32
        %dma_start3A_492 = tpu.memref_slice %arg4[%dma_start3A, %dma_start3A_491] : memref<10000x768xf32, #tpu.memory_space<hbm>> -> memref<10000x768xf32, #tpu.memory_space<hbm>>
        tpu.enqueue_indirect_dma source(%dma_start3A_492 : memref<10000x768xf32, #tpu.memory_space<hbm>>) target(%arg24 : memref<32x768xf32, #tpu.memory_space<vmem>>) offsets(%arg20 : memref<32xi32, #tpu.memory_space<vmem>>) semaphore(%arg30 : memref<!tpu.dma_semaphore, #tpu.memory_space<semaphore_mem>>)
        %gt3A_493 = arith.constant 0 : i32
        %gt3A_494 = arith.cmpi sgt, %add3A_448, %gt3A_493 : i32
        %convert_element_type3A_495 = arith.extui %gt3A_494 : i1 to i32
        %cond3A_496 = arith.constant 0 : i32
        %cond3A_497 = arith.cmpi ne, %convert_element_type3A_495, %cond3A_496 : i32
        scf.if %cond3A_497 {
          %dma_wait3A = arith.constant 0 : i32
          %dma_wait3A_498 = arith.constant 0 : i32
          %dma_wait3A_499 = tpu.memref_slice %arg8[%dma_wait3A, %dma_wait3A_498] : memref<16384x768xf32, #tpu.memory_space<hbm>> -> memref<32x768xf32, #tpu.memory_space<hbm>>
          %dma_wait3A_500 = arith.constant 0 : i32
          %dma_wait3A_501 = arith.constant 0 : i32
          %dma_wait3A_502 = tpu.memref_slice %arg8[%dma_wait3A_500, %dma_wait3A_501] : memref<16384x768xf32, #tpu.memory_space<hbm>> -> memref<32x768xf32, #tpu.memory_space<hbm>>
          tpu.wait_dma2 semaphore(%arg29 : memref<!tpu.dma_semaphore, #tpu.memory_space<semaphore_mem>>) src(%dma_wait3A_502 : memref<32x768xf32, #tpu.memory_space<hbm>>) dst(%arg23 : memref<32x768xf32, #tpu.memory_space<vmem>>)
          %dma_start3A_503 = arith.constant 0 : i32
          %dma_start3A_504 = arith.constant 0 : i32
          %dma_start3A_505 = tpu.memref_slice %arg8[%dma_start3A_503, %dma_start3A_504] : memref<16384x768xf32, #tpu.memory_space<hbm>> -> memref<16384x768xf32, #tpu.memory_space<hbm>>
          tpu.enqueue_indirect_dma source(%arg23 : memref<32x768xf32, #tpu.memory_space<vmem>>) target(%dma_start3A_505 : memref<16384x768xf32, #tpu.memory_space<hbm>>) offsets(%arg21 : memref<32xi32, #tpu.memory_space<vmem>>) semaphore(%arg31 : memref<!tpu.dma_semaphore, #tpu.memory_space<semaphore_mem>>)
        } else {
        }
      } else {
      }
      %scan3A_455 = arith.constant 0 : i32
      scf.yield %scan3A_455 : i32
    }
    %scan3A_268 = arith.constant 8 : i32
    %gt3A_269 = arith.constant 0 : i32
    %gt3A_270 = arith.cmpi sgt, %reduce_max3A_25, %gt3A_269 : i32
    %sub3A_271 = arith.constant 1 : i32
    %sub3A_272 = arith.subi %select_n3A_261, %sub3A_271 : i32
    %jit3A_273 = arith.constant 2 : i32
    %eq3A_274 = arith.constant 0 : i32
    %eq3A_275 = arith.cmpi eq, %jit3A_273, %eq3A_274 : i32
    %jit3A_276 = arith.constant 1 : i32
    %select_n3A_277 = arith.select %eq3A_275, %jit3A_276, %jit3A_273 : i32
    %rem3A_278 = arith.remsi %sub3A_272, %select_n3A_277 : i32
    %ne3A_279 = arith.constant 0 : i32
    %ne3A_280 = arith.cmpi ne, %rem3A_278, %ne3A_279 : i32
    %lt3A_281 = arith.constant 0 : i32
    %lt3A_282 = arith.cmpi slt, %rem3A_278, %lt3A_281 : i32
    %lt3A_283 = arith.constant 0 : i32
    %lt3A_284 = arith.cmpi slt, %select_n3A_277, %lt3A_283 : i32
    %ne3A_285 = arith.xori %lt3A_282, %lt3A_284 : i1
    %and3A_286 = arith.andi %ne3A_285, %ne3A_280 : i1
    %add3A_287 = arith.addi %rem3A_278, %select_n3A_277 : i32
    %select_n3A_288 = arith.select %and3A_286, %add3A_287, %rem3A_278 : i32
    %eq3A_289 = arith.constant 0 : i32
    %eq3A_290 = arith.cmpi eq, %select_n3A_288, %eq3A_289 : i32
    %and3A_291 = arith.andi %gt3A_270, %eq3A_290 : i1
    %convert_element_type3A_292 = arith.extui %and3A_291 : i1 to i32
    %cond3A_293 = arith.constant 0 : i32
    %cond3A_294 = arith.cmpi ne, %convert_element_type3A_292, %cond3A_293 : i32
    scf.if %cond3A_294 {
      %dma_wait3A = arith.constant 0 : i32
      %dma_wait3A_433 = arith.constant 0 : i32
      %dma_wait3A_434 = tpu.memref_slice %arg8[%dma_wait3A, %dma_wait3A_433] : memref<16384x768xf32, #tpu.memory_space<hbm>> -> memref<32x768xf32, #tpu.memory_space<hbm>>
      %dma_wait3A_435 = arith.constant 0 : i32
      %dma_wait3A_436 = arith.constant 0 : i32
      %dma_wait3A_437 = tpu.memref_slice %arg8[%dma_wait3A_435, %dma_wait3A_436] : memref<16384x768xf32, #tpu.memory_space<hbm>> -> memref<32x768xf32, #tpu.memory_space<hbm>>
      tpu.wait_dma2 semaphore(%arg29 : memref<!tpu.dma_semaphore, #tpu.memory_space<semaphore_mem>>) src(%dma_wait3A_437 : memref<32x768xf32, #tpu.memory_space<hbm>>) dst(%arg23 : memref<32x768xf32, #tpu.memory_space<vmem>>)
      %dma_start3A = arith.constant 0 : i32
      %dma_start3A_438 = arith.constant 0 : i32
      %dma_start3A_439 = tpu.memref_slice %arg8[%dma_start3A, %dma_start3A_438] : memref<16384x768xf32, #tpu.memory_space<hbm>> -> memref<16384x768xf32, #tpu.memory_space<hbm>>
      tpu.enqueue_indirect_dma source(%arg23 : memref<32x768xf32, #tpu.memory_space<vmem>>) target(%dma_start3A_439 : memref<16384x768xf32, #tpu.memory_space<hbm>>) offsets(%arg21 : memref<32xi32, #tpu.memory_space<vmem>>) semaphore(%arg31 : memref<!tpu.dma_semaphore, #tpu.memory_space<semaphore_mem>>)
    } else {
    }
    %gt3A_295 = arith.constant 0 : i32
    %gt3A_296 = arith.cmpi sgt, %reduce_max3A_25, %gt3A_295 : i32
    %sub3A_297 = arith.constant 1 : i32
    %sub3A_298 = arith.subi %select_n3A_261, %sub3A_297 : i32
    %jit3A_299 = arith.constant 2 : i32
    %eq3A_300 = arith.constant 0 : i32
    %eq3A_301 = arith.cmpi eq, %jit3A_299, %eq3A_300 : i32
    %jit3A_302 = arith.constant 1 : i32
    %select_n3A_303 = arith.select %eq3A_301, %jit3A_302, %jit3A_299 : i32
    %rem3A_304 = arith.remsi %sub3A_298, %select_n3A_303 : i32
    %ne3A_305 = arith.constant 0 : i32
    %ne3A_306 = arith.cmpi ne, %rem3A_304, %ne3A_305 : i32
    %lt3A_307 = arith.constant 0 : i32
    %lt3A_308 = arith.cmpi slt, %rem3A_304, %lt3A_307 : i32
    %lt3A_309 = arith.constant 0 : i32
    %lt3A_310 = arith.cmpi slt, %select_n3A_303, %lt3A_309 : i32
    %ne3A_311 = arith.xori %lt3A_308, %lt3A_310 : i1
    %and3A_312 = arith.andi %ne3A_311, %ne3A_306 : i1
    %add3A_313 = arith.addi %rem3A_304, %select_n3A_303 : i32
    %select_n3A_314 = arith.select %and3A_312, %add3A_313, %rem3A_304 : i32
    %eq3A_315 = arith.constant 1 : i32
    %eq3A_316 = arith.cmpi eq, %select_n3A_314, %eq3A_315 : i32
    %and3A_317 = arith.andi %gt3A_296, %eq3A_316 : i1
    %convert_element_type3A_318 = arith.extui %and3A_317 : i1 to i32
    %cond3A_319 = arith.constant 0 : i32
    %cond3A_320 = arith.cmpi ne, %convert_element_type3A_318, %cond3A_319 : i32
    scf.if %cond3A_320 {
      %dma_wait3A = arith.constant 0 : i32
      %dma_wait3A_433 = arith.constant 0 : i32
      %dma_wait3A_434 = tpu.memref_slice %arg8[%dma_wait3A, %dma_wait3A_433] : memref<16384x768xf32, #tpu.memory_space<hbm>> -> memref<32x768xf32, #tpu.memory_space<hbm>>
      %dma_wait3A_435 = arith.constant 0 : i32
      %dma_wait3A_436 = arith.constant 0 : i32
      %dma_wait3A_437 = tpu.memref_slice %arg8[%dma_wait3A_435, %dma_wait3A_436] : memref<16384x768xf32, #tpu.memory_space<hbm>> -> memref<32x768xf32, #tpu.memory_space<hbm>>
      tpu.wait_dma2 semaphore(%arg30 : memref<!tpu.dma_semaphore, #tpu.memory_space<semaphore_mem>>) src(%dma_wait3A_437 : memref<32x768xf32, #tpu.memory_space<hbm>>) dst(%arg23 : memref<32x768xf32, #tpu.memory_space<vmem>>)
      %dma_start3A = arith.constant 0 : i32
      %dma_start3A_438 = arith.constant 0 : i32
      %dma_start3A_439 = tpu.memref_slice %arg8[%dma_start3A, %dma_start3A_438] : memref<16384x768xf32, #tpu.memory_space<hbm>> -> memref<16384x768xf32, #tpu.memory_space<hbm>>
      tpu.enqueue_indirect_dma source(%arg24 : memref<32x768xf32, #tpu.memory_space<vmem>>) target(%dma_start3A_439 : memref<16384x768xf32, #tpu.memory_space<hbm>>) offsets(%arg22 : memref<32xi32, #tpu.memory_space<vmem>>) semaphore(%arg32 : memref<!tpu.dma_semaphore, #tpu.memory_space<semaphore_mem>>)
    } else {
    }
    %gt3A_321 = arith.constant 0 : i32
    %gt3A_322 = arith.cmpi sgt, %reduce_max3A_25, %gt3A_321 : i32
    %convert_element_type3A_323 = arith.extui %gt3A_322 : i1 to i32
    %cond3A_324 = arith.constant 0 : i32
    %cond3A_325 = arith.cmpi ne, %convert_element_type3A_323, %cond3A_324 : i32
    scf.if %cond3A_325 {
      %dma_wait3A = arith.constant 0 : i32
      %dma_wait3A_433 = arith.constant 0 : i32
      %dma_wait3A_434 = tpu.memref_slice %arg8[%dma_wait3A, %dma_wait3A_433] : memref<16384x768xf32, #tpu.memory_space<hbm>> -> memref<32x768xf32, #tpu.memory_space<hbm>>
      %dma_wait3A_435 = arith.constant 0 : i32
      %dma_wait3A_436 = arith.constant 0 : i32
      %dma_wait3A_437 = tpu.memref_slice %arg8[%dma_wait3A_435, %dma_wait3A_436] : memref<16384x768xf32, #tpu.memory_space<hbm>> -> memref<32x768xf32, #tpu.memory_space<hbm>>
      tpu.wait_dma2 semaphore(%arg31 : memref<!tpu.dma_semaphore, #tpu.memory_space<semaphore_mem>>) src(%dma_wait3A_437 : memref<32x768xf32, #tpu.memory_space<hbm>>) dst(%arg23 : memref<32x768xf32, #tpu.memory_space<vmem>>)
    } else {
    }
    %gt3A_326 = arith.constant 32 : i32
    %gt3A_327 = arith.cmpi sgt, %reduce_max3A_25, %gt3A_326 : i32
    %convert_element_type3A_328 = arith.extui %gt3A_327 : i1 to i32
    %cond3A_329 = arith.constant 0 : i32
    %cond3A_330 = arith.cmpi ne, %convert_element_type3A_328, %cond3A_329 : i32
    scf.if %cond3A_330 {
      %dma_wait3A = arith.constant 0 : i32
      %dma_wait3A_433 = arith.constant 0 : i32
      %dma_wait3A_434 = tpu.memref_slice %arg8[%dma_wait3A, %dma_wait3A_433] : memref<16384x768xf32, #tpu.memory_space<hbm>> -> memref<32x768xf32, #tpu.memory_space<hbm>>
      %dma_wait3A_435 = arith.constant 0 : i32
      %dma_wait3A_436 = arith.constant 0 : i32
      %dma_wait3A_437 = tpu.memref_slice %arg8[%dma_wait3A_435, %dma_wait3A_436] : memref<16384x768xf32, #tpu.memory_space<hbm>> -> memref<32x768xf32, #tpu.memory_space<hbm>>
      tpu.wait_dma2 semaphore(%arg32 : memref<!tpu.dma_semaphore, #tpu.memory_space<semaphore_mem>>) src(%dma_wait3A_437 : memref<32x768xf32, #tpu.memory_space<hbm>>) dst(%arg23 : memref<32x768xf32, #tpu.memory_space<vmem>>)
    } else {
    }
    %add3A_331 = arith.constant 32 : i32
    %add3A_332 = arith.addi %reduce_max3A_33, %add3A_331 : i32
    %sub3A_333 = arith.constant 1 : i32
    %sub3A_334 = arith.subi %add3A_332, %sub3A_333 : i32
    %jit3A_335 = arith.constant 32 : i32
    %div3A_336 = arith.divsi %sub3A_334, %jit3A_335 : i32
    %sign3A_337 = arith.constant 0 : i32
    %sign3A_338 = arith.cmpi sgt, %sub3A_334, %sign3A_337 : i32
    %sign3A_339 = arith.extui %sign3A_338 : i1 to i32
    %sign3A_340 = arith.constant 0 : i32
    %sign3A_341 = arith.cmpi slt, %sub3A_334, %sign3A_340 : i32
    %sign3A_342 = arith.extui %sign3A_341 : i1 to i32
    %sign3A_343 = arith.subi %sign3A_339, %sign3A_342 : i32
    %sign3A_344 = arith.constant 0 : i32
    %sign3A_345 = arith.cmpi sgt, %jit3A_335, %sign3A_344 : i32
    %sign3A_346 = arith.extui %sign3A_345 : i1 to i32
    %sign3A_347 = arith.constant 0 : i32
    %sign3A_348 = arith.cmpi slt, %jit3A_335, %sign3A_347 : i32
    %sign3A_349 = arith.extui %sign3A_348 : i1 to i32
    %sign3A_350 = arith.subi %sign3A_346, %sign3A_349 : i32
    %ne3A_351 = arith.cmpi ne, %sign3A_343, %sign3A_350 : i32
    %rem3A_352 = arith.remsi %sub3A_334, %jit3A_335 : i32
    %ne3A_353 = arith.constant 0 : i32
    %ne3A_354 = arith.cmpi ne, %rem3A_352, %ne3A_353 : i32
    %and3A_355 = arith.andi %ne3A_351, %ne3A_354 : i1
    %sub3A_356 = arith.constant 1 : i32
    %sub3A_357 = arith.subi %div3A_336, %sub3A_356 : i32
    %select_n3A_358 = arith.select %and3A_355, %sub3A_357, %div3A_336 : i32
    %scan3A_359 = arith.constant 0 : i32
    %scan3A_360 = arith.constant 0 : i32
    %scan3A_361 = arith.constant 8 : i32
    %scan3A_362 = arith.addi %scan3A_360, %scan3A_361 : i32
    %scan3A_363 = arith.constant 1 : i32
    %scan3A_364 = scf.for %scan3A_433 = %scan3A_360 to %scan3A_362 step %scan3A_363 iter_args(%scan3A_434 = %scan3A_359) -> (i32)  : i32 {
      %mul3A_435 = arith.constant 2 : i32
      %mul3A_436 = arith.muli %scan3A_433, %mul3A_435 : i32
      %add3A_437 = arith.constant 0 : i32
      %add3A_438 = arith.addi %mul3A_436, %add3A_437 : i32
      %mul3A_439 = arith.constant 32 : i32
      %mul3A_440 = arith.muli %add3A_438, %mul3A_439 : i32
      %lt3A_441 = arith.cmpi slt, %mul3A_440, %reduce_max3A_33 : i32
      %convert_element_type3A_442 = arith.extui %lt3A_441 : i1 to i32
      %cond3A_443 = arith.constant 0 : i32
      %cond3A_444 = arith.cmpi ne, %convert_element_type3A_442, %cond3A_443 : i32
      scf.if %cond3A_444 {
        %gt3A_456 = arith.constant 1 : i32
        %gt3A_457 = arith.cmpi sgt, %add3A_438, %gt3A_456 : i32
        %convert_element_type3A_458 = arith.extui %gt3A_457 : i1 to i32
        %cond3A_459 = arith.constant 0 : i32
        %cond3A_460 = arith.cmpi ne, %convert_element_type3A_458, %cond3A_459 : i32
        scf.if %cond3A_460 {
          %dma_wait3A = arith.constant 0 : i32
          %dma_wait3A_498 = arith.constant 0 : i32
          %dma_wait3A_499 = tpu.memref_slice %arg8[%dma_wait3A, %dma_wait3A_498] : memref<16384x768xf32, #tpu.memory_space<hbm>> -> memref<32x768xf32, #tpu.memory_space<hbm>>
          %dma_wait3A_500 = arith.constant 0 : i32
          %dma_wait3A_501 = arith.constant 0 : i32
          %dma_wait3A_502 = tpu.memref_slice %arg8[%dma_wait3A_500, %dma_wait3A_501] : memref<16384x768xf32, #tpu.memory_space<hbm>> -> memref<32x768xf32, #tpu.memory_space<hbm>>
          tpu.wait_dma2 semaphore(%arg31 : memref<!tpu.dma_semaphore, #tpu.memory_space<semaphore_mem>>) src(%dma_wait3A_502 : memref<32x768xf32, #tpu.memory_space<hbm>>) dst(%arg23 : memref<32x768xf32, #tpu.memory_space<vmem>>)
        } else {
        }
        %mul3A_461 = arith.constant 32 : i32
        %mul3A_462 = arith.muli %add3A_438, %mul3A_461 : i32
        %add3A_463 = arith.constant 0 : i32
        %add3A_464 = arith.addi %mul3A_462, %add3A_463 : i32
        %get3A = arith.index_cast %add3A_464 : i32 to index
        %get3A_465 = tpu.vector_load %arg15[%get3A] {strides = array<i32>} : memref<512xi32, #tpu.memory_space<vmem>>, vector<16xi32>,
        %swap3A = arith.constant 0 : index
        %swap3A_466 = tpu.vector_load %arg19[%swap3A] {strides = array<i32>} : memref<32xi32, #tpu.memory_space<vmem>>, vector<16xi32>,
        tpu.vector_store %arg19[%swap3A], %get3A_465 {strides = array<i32>} : memref<32xi32, #tpu.memory_space<vmem>>, vector<16xi32>,
        %mul3A_467 = arith.constant 32 : i32
        %mul3A_468 = arith.muli %add3A_438, %mul3A_467 : i32
        %add3A_469 = arith.constant 0 : i32
        %add3A_470 = arith.addi %mul3A_468, %add3A_469 : i32
        %get3A_471 = arith.index_cast %add3A_470 : i32 to index
        %get3A_472 = tpu.vector_load %arg18[%get3A_471] {strides = array<i32>} : memref<512xi32, #tpu.memory_space<vmem>>, vector<16xi32>,
        %swap3A_473 = arith.constant 0 : index
        %swap3A_474 = tpu.vector_load %arg21[%swap3A_473] {strides = array<i32>} : memref<32xi32, #tpu.memory_space<vmem>>, vector<16xi32>,
        tpu.vector_store %arg21[%swap3A_473], %get3A_472 {strides = array<i32>} : memref<32xi32, #tpu.memory_space<vmem>>, vector<16xi32>,
        %mul3A_475 = arith.constant 32 : i32
        %mul3A_476 = arith.muli %add3A_438, %mul3A_475 : i32
        %add3A_477 = arith.constant 16 : i32
        %add3A_478 = arith.addi %mul3A_476, %add3A_477 : i32
        %get3A_479 = arith.index_cast %add3A_478 : i32 to index
        %get3A_480 = tpu.vector_load %arg15[%get3A_479] {strides = array<i32>} : memref<512xi32, #tpu.memory_space<vmem>>, vector<16xi32>,
        %swap3A_481 = arith.constant 16 : index
        %swap3A_482 = tpu.vector_load %arg19[%swap3A_481] {strides = array<i32>} : memref<32xi32, #tpu.memory_space<vmem>>, vector<16xi32>,
        tpu.vector_store %arg19[%swap3A_481], %get3A_480 {strides = array<i32>} : memref<32xi32, #tpu.memory_space<vmem>>, vector<16xi32>,
        %mul3A_483 = arith.constant 32 : i32
        %mul3A_484 = arith.muli %add3A_438, %mul3A_483 : i32
        %add3A_485 = arith.constant 16 : i32
        %add3A_486 = arith.addi %mul3A_484, %add3A_485 : i32
        %get3A_487 = arith.index_cast %add3A_486 : i32 to index
        %get3A_488 = tpu.vector_load %arg18[%get3A_487] {strides = array<i32>} : memref<512xi32, #tpu.memory_space<vmem>>, vector<16xi32>,
        %swap3A_489 = arith.constant 16 : index
        %swap3A_490 = tpu.vector_load %arg21[%swap3A_489] {strides = array<i32>} : memref<32xi32, #tpu.memory_space<vmem>>, vector<16xi32>,
        tpu.vector_store %arg21[%swap3A_489], %get3A_488 {strides = array<i32>} : memref<32xi32, #tpu.memory_space<vmem>>, vector<16xi32>,
        %dma_start3A = arith.constant 0 : i32
        %dma_start3A_491 = arith.constant 0 : i32
        %dma_start3A_492 = tpu.memref_slice %arg5[%dma_start3A, %dma_start3A_491] : memref<20000x768xf32, #tpu.memory_space<hbm>> -> memref<20000x768xf32, #tpu.memory_space<hbm>>
        tpu.enqueue_indirect_dma source(%dma_start3A_492 : memref<20000x768xf32, #tpu.memory_space<hbm>>) target(%arg23 : memref<32x768xf32, #tpu.memory_space<vmem>>) offsets(%arg19 : memref<32xi32, #tpu.memory_space<vmem>>) semaphore(%arg29 : memref<!tpu.dma_semaphore, #tpu.memory_space<semaphore_mem>>)
        %gt3A_493 = arith.constant 0 : i32
        %gt3A_494 = arith.cmpi sgt, %add3A_438, %gt3A_493 : i32
        %convert_element_type3A_495 = arith.extui %gt3A_494 : i1 to i32
        %cond3A_496 = arith.constant 0 : i32
        %cond3A_497 = arith.cmpi ne, %convert_element_type3A_495, %cond3A_496 : i32
        scf.if %cond3A_497 {
          %dma_wait3A = arith.constant 0 : i32
          %dma_wait3A_498 = arith.constant 0 : i32
          %dma_wait3A_499 = tpu.memref_slice %arg8[%dma_wait3A, %dma_wait3A_498] : memref<16384x768xf32, #tpu.memory_space<hbm>> -> memref<32x768xf32, #tpu.memory_space<hbm>>
          %dma_wait3A_500 = arith.constant 0 : i32
          %dma_wait3A_501 = arith.constant 0 : i32
          %dma_wait3A_502 = tpu.memref_slice %arg8[%dma_wait3A_500, %dma_wait3A_501] : memref<16384x768xf32, #tpu.memory_space<hbm>> -> memref<32x768xf32, #tpu.memory_space<hbm>>
          tpu.wait_dma2 semaphore(%arg30 : memref<!tpu.dma_semaphore, #tpu.memory_space<semaphore_mem>>) src(%dma_wait3A_502 : memref<32x768xf32, #tpu.memory_space<hbm>>) dst(%arg23 : memref<32x768xf32, #tpu.memory_space<vmem>>)
          %dma_start3A_503 = arith.constant 0 : i32
          %dma_start3A_504 = arith.constant 0 : i32
          %dma_start3A_505 = tpu.memref_slice %arg8[%dma_start3A_503, %dma_start3A_504] : memref<16384x768xf32, #tpu.memory_space<hbm>> -> memref<16384x768xf32, #tpu.memory_space<hbm>>
          tpu.enqueue_indirect_dma source(%arg24 : memref<32x768xf32, #tpu.memory_space<vmem>>) target(%dma_start3A_505 : memref<16384x768xf32, #tpu.memory_space<hbm>>) offsets(%arg22 : memref<32xi32, #tpu.memory_space<vmem>>) semaphore(%arg32 : memref<!tpu.dma_semaphore, #tpu.memory_space<semaphore_mem>>)
        } else {
        }
      } else {
      }
      %mul3A_445 = arith.constant 2 : i32
      %mul3A_446 = arith.muli %scan3A_433, %mul3A_445 : i32
      %add3A_447 = arith.constant 1 : i32
      %add3A_448 = arith.addi %mul3A_446, %add3A_447 : i32
      %mul3A_449 = arith.constant 32 : i32
      %mul3A_450 = arith.muli %add3A_448, %mul3A_449 : i32
      %lt3A_451 = arith.cmpi slt, %mul3A_450, %reduce_max3A_33 : i32
      %convert_element_type3A_452 = arith.extui %lt3A_451 : i1 to i32
      %cond3A_453 = arith.constant 0 : i32
      %cond3A_454 = arith.cmpi ne, %convert_element_type3A_452, %cond3A_453 : i32
      scf.if %cond3A_454 {
        %gt3A_456 = arith.constant 1 : i32
        %gt3A_457 = arith.cmpi sgt, %add3A_448, %gt3A_456 : i32
        %convert_element_type3A_458 = arith.extui %gt3A_457 : i1 to i32
        %cond3A_459 = arith.constant 0 : i32
        %cond3A_460 = arith.cmpi ne, %convert_element_type3A_458, %cond3A_459 : i32
        scf.if %cond3A_460 {
          %dma_wait3A = arith.constant 0 : i32
          %dma_wait3A_498 = arith.constant 0 : i32
          %dma_wait3A_499 = tpu.memref_slice %arg8[%dma_wait3A, %dma_wait3A_498] : memref<16384x768xf32, #tpu.memory_space<hbm>> -> memref<32x768xf32, #tpu.memory_space<hbm>>
          %dma_wait3A_500 = arith.constant 0 : i32
          %dma_wait3A_501 = arith.constant 0 : i32
          %dma_wait3A_502 = tpu.memref_slice %arg8[%dma_wait3A_500, %dma_wait3A_501] : memref<16384x768xf32, #tpu.memory_space<hbm>> -> memref<32x768xf32, #tpu.memory_space<hbm>>
          tpu.wait_dma2 semaphore(%arg32 : memref<!tpu.dma_semaphore, #tpu.memory_space<semaphore_mem>>) src(%dma_wait3A_502 : memref<32x768xf32, #tpu.memory_space<hbm>>) dst(%arg23 : memref<32x768xf32, #tpu.memory_space<vmem>>)
        } else {
        }
        %mul3A_461 = arith.constant 32 : i32
        %mul3A_462 = arith.muli %add3A_448, %mul3A_461 : i32
        %add3A_463 = arith.constant 0 : i32
        %add3A_464 = arith.addi %mul3A_462, %add3A_463 : i32
        %get3A = arith.index_cast %add3A_464 : i32 to index
        %get3A_465 = tpu.vector_load %arg15[%get3A] {strides = array<i32>} : memref<512xi32, #tpu.memory_space<vmem>>, vector<16xi32>,
        %swap3A = arith.constant 0 : index
        %swap3A_466 = tpu.vector_load %arg20[%swap3A] {strides = array<i32>} : memref<32xi32, #tpu.memory_space<vmem>>, vector<16xi32>,
        tpu.vector_store %arg20[%swap3A], %get3A_465 {strides = array<i32>} : memref<32xi32, #tpu.memory_space<vmem>>, vector<16xi32>,
        %mul3A_467 = arith.constant 32 : i32
        %mul3A_468 = arith.muli %add3A_448, %mul3A_467 : i32
        %add3A_469 = arith.constant 0 : i32
        %add3A_470 = arith.addi %mul3A_468, %add3A_469 : i32
        %get3A_471 = arith.index_cast %add3A_470 : i32 to index
        %get3A_472 = tpu.vector_load %arg18[%get3A_471] {strides = array<i32>} : memref<512xi32, #tpu.memory_space<vmem>>, vector<16xi32>,
        %swap3A_473 = arith.constant 0 : index
        %swap3A_474 = tpu.vector_load %arg22[%swap3A_473] {strides = array<i32>} : memref<32xi32, #tpu.memory_space<vmem>>, vector<16xi32>,
        tpu.vector_store %arg22[%swap3A_473], %get3A_472 {strides = array<i32>} : memref<32xi32, #tpu.memory_space<vmem>>, vector<16xi32>,
        %mul3A_475 = arith.constant 32 : i32
        %mul3A_476 = arith.muli %add3A_448, %mul3A_475 : i32
        %add3A_477 = arith.constant 16 : i32
        %add3A_478 = arith.addi %mul3A_476, %add3A_477 : i32
        %get3A_479 = arith.index_cast %add3A_478 : i32 to index
        %get3A_480 = tpu.vector_load %arg15[%get3A_479] {strides = array<i32>} : memref<512xi32, #tpu.memory_space<vmem>>, vector<16xi32>,
        %swap3A_481 = arith.constant 16 : index
        %swap3A_482 = tpu.vector_load %arg20[%swap3A_481] {strides = array<i32>} : memref<32xi32, #tpu.memory_space<vmem>>, vector<16xi32>,
        tpu.vector_store %arg20[%swap3A_481], %get3A_480 {strides = array<i32>} : memref<32xi32, #tpu.memory_space<vmem>>, vector<16xi32>,
        %mul3A_483 = arith.constant 32 : i32
        %mul3A_484 = arith.muli %add3A_448, %mul3A_483 : i32
        %add3A_485 = arith.constant 16 : i32
        %add3A_486 = arith.addi %mul3A_484, %add3A_485 : i32
        %get3A_487 = arith.index_cast %add3A_486 : i32 to index
        %get3A_488 = tpu.vector_load %arg18[%get3A_487] {strides = array<i32>} : memref<512xi32, #tpu.memory_space<vmem>>, vector<16xi32>,
        %swap3A_489 = arith.constant 16 : index
        %swap3A_490 = tpu.vector_load %arg22[%swap3A_489] {strides = array<i32>} : memref<32xi32, #tpu.memory_space<vmem>>, vector<16xi32>,
        tpu.vector_store %arg22[%swap3A_489], %get3A_488 {strides = array<i32>} : memref<32xi32, #tpu.memory_space<vmem>>, vector<16xi32>,
        %dma_start3A = arith.constant 0 : i32
        %dma_start3A_491 = arith.constant 0 : i32
        %dma_start3A_492 = tpu.memref_slice %arg5[%dma_start3A, %dma_start3A_491] : memref<20000x768xf32, #tpu.memory_space<hbm>> -> memref<20000x768xf32, #tpu.memory_space<hbm>>
        tpu.enqueue_indirect_dma source(%dma_start3A_492 : memref<20000x768xf32, #tpu.memory_space<hbm>>) target(%arg24 : memref<32x768xf32, #tpu.memory_space<vmem>>) offsets(%arg20 : memref<32xi32, #tpu.memory_space<vmem>>) semaphore(%arg30 : memref<!tpu.dma_semaphore, #tpu.memory_space<semaphore_mem>>)
        %gt3A_493 = arith.constant 0 : i32
        %gt3A_494 = arith.cmpi sgt, %add3A_448, %gt3A_493 : i32
        %convert_element_type3A_495 = arith.extui %gt3A_494 : i1 to i32
        %cond3A_496 = arith.constant 0 : i32
        %cond3A_497 = arith.cmpi ne, %convert_element_type3A_495, %cond3A_496 : i32
        scf.if %cond3A_497 {
          %dma_wait3A = arith.constant 0 : i32
          %dma_wait3A_498 = arith.constant 0 : i32
          %dma_wait3A_499 = tpu.memref_slice %arg8[%dma_wait3A, %dma_wait3A_498] : memref<16384x768xf32, #tpu.memory_space<hbm>> -> memref<32x768xf32, #tpu.memory_space<hbm>>
          %dma_wait3A_500 = arith.constant 0 : i32
          %dma_wait3A_501 = arith.constant 0 : i32
          %dma_wait3A_502 = tpu.memref_slice %arg8[%dma_wait3A_500, %dma_wait3A_501] : memref<16384x768xf32, #tpu.memory_space<hbm>> -> memref<32x768xf32, #tpu.memory_space<hbm>>
          tpu.wait_dma2 semaphore(%arg29 : memref<!tpu.dma_semaphore, #tpu.memory_space<semaphore_mem>>) src(%dma_wait3A_502 : memref<32x768xf32, #tpu.memory_space<hbm>>) dst(%arg23 : memref<32x768xf32, #tpu.memory_space<vmem>>)
          %dma_start3A_503 = arith.constant 0 : i32
          %dma_start3A_504 = arith.constant 0 : i32
          %dma_start3A_505 = tpu.memref_slice %arg8[%dma_start3A_503, %dma_start3A_504] : memref<16384x768xf32, #tpu.memory_space<hbm>> -> memref<16384x768xf32, #tpu.memory_space<hbm>>
          tpu.enqueue_indirect_dma source(%arg23 : memref<32x768xf32, #tpu.memory_space<vmem>>) target(%dma_start3A_505 : memref<16384x768xf32, #tpu.memory_space<hbm>>) offsets(%arg21 : memref<32xi32, #tpu.memory_space<vmem>>) semaphore(%arg31 : memref<!tpu.dma_semaphore, #tpu.memory_space<semaphore_mem>>)
        } else {
        }
      } else {
      }
      %scan3A_455 = arith.constant 0 : i32
      scf.yield %scan3A_455 : i32
    }
    %scan3A_365 = arith.constant 8 : i32
    %gt3A_366 = arith.constant 0 : i32
    %gt3A_367 = arith.cmpi sgt, %reduce_max3A_33, %gt3A_366 : i32
    %sub3A_368 = arith.constant 1 : i32
    %sub3A_369 = arith.subi %select_n3A_358, %sub3A_368 : i32
    %jit3A_370 = arith.constant 2 : i32
    %eq3A_371 = arith.constant 0 : i32
    %eq3A_372 = arith.cmpi eq, %jit3A_370, %eq3A_371 : i32
    %jit3A_373 = arith.constant 1 : i32
    %select_n3A_374 = arith.select %eq3A_372, %jit3A_373, %jit3A_370 : i32
    %rem3A_375 = arith.remsi %sub3A_369, %select_n3A_374 : i32
    %ne3A_376 = arith.constant 0 : i32
    %ne3A_377 = arith.cmpi ne, %rem3A_375, %ne3A_376 : i32
    %lt3A_378 = arith.constant 0 : i32
    %lt3A_379 = arith.cmpi slt, %rem3A_375, %lt3A_378 : i32
    %lt3A_380 = arith.constant 0 : i32
    %lt3A_381 = arith.cmpi slt, %select_n3A_374, %lt3A_380 : i32
    %ne3A_382 = arith.xori %lt3A_379, %lt3A_381 : i1
    %and3A_383 = arith.andi %ne3A_382, %ne3A_377 : i1
    %add3A_384 = arith.addi %rem3A_375, %select_n3A_374 : i32
    %select_n3A_385 = arith.select %and3A_383, %add3A_384, %rem3A_375 : i32
    %eq3A_386 = arith.constant 0 : i32
    %eq3A_387 = arith.cmpi eq, %select_n3A_385, %eq3A_386 : i32
    %and3A_388 = arith.andi %gt3A_367, %eq3A_387 : i1
    %convert_element_type3A_389 = arith.extui %and3A_388 : i1 to i32
    %cond3A_390 = arith.constant 0 : i32
    %cond3A_391 = arith.cmpi ne, %convert_element_type3A_389, %cond3A_390 : i32
    scf.if %cond3A_391 {
      %dma_wait3A = arith.constant 0 : i32
      %dma_wait3A_433 = arith.constant 0 : i32
      %dma_wait3A_434 = tpu.memref_slice %arg8[%dma_wait3A, %dma_wait3A_433] : memref<16384x768xf32, #tpu.memory_space<hbm>> -> memref<32x768xf32, #tpu.memory_space<hbm>>
      %dma_wait3A_435 = arith.constant 0 : i32
      %dma_wait3A_436 = arith.constant 0 : i32
      %dma_wait3A_437 = tpu.memref_slice %arg8[%dma_wait3A_435, %dma_wait3A_436] : memref<16384x768xf32, #tpu.memory_space<hbm>> -> memref<32x768xf32, #tpu.memory_space<hbm>>
      tpu.wait_dma2 semaphore(%arg29 : memref<!tpu.dma_semaphore, #tpu.memory_space<semaphore_mem>>) src(%dma_wait3A_437 : memref<32x768xf32, #tpu.memory_space<hbm>>) dst(%arg23 : memref<32x768xf32, #tpu.memory_space<vmem>>)
      %dma_start3A = arith.constant 0 : i32
      %dma_start3A_438 = arith.constant 0 : i32
      %dma_start3A_439 = tpu.memref_slice %arg8[%dma_start3A, %dma_start3A_438] : memref<16384x768xf32, #tpu.memory_space<hbm>> -> memref<16384x768xf32, #tpu.memory_space<hbm>>
      tpu.enqueue_indirect_dma source(%arg23 : memref<32x768xf32, #tpu.memory_space<vmem>>) target(%dma_start3A_439 : memref<16384x768xf32, #tpu.memory_space<hbm>>) offsets(%arg21 : memref<32xi32, #tpu.memory_space<vmem>>) semaphore(%arg31 : memref<!tpu.dma_semaphore, #tpu.memory_space<semaphore_mem>>)
    } else {
    }
    %gt3A_392 = arith.constant 0 : i32
    %gt3A_393 = arith.cmpi sgt, %reduce_max3A_33, %gt3A_392 : i32
    %sub3A_394 = arith.constant 1 : i32
    %sub3A_395 = arith.subi %select_n3A_358, %sub3A_394 : i32
    %jit3A_396 = arith.constant 2 : i32
    %eq3A_397 = arith.constant 0 : i32
    %eq3A_398 = arith.cmpi eq, %jit3A_396, %eq3A_397 : i32
    %jit3A_399 = arith.constant 1 : i32
    %select_n3A_400 = arith.select %eq3A_398, %jit3A_399, %jit3A_396 : i32
    %rem3A_401 = arith.remsi %sub3A_395, %select_n3A_400 : i32
    %ne3A_402 = arith.constant 0 : i32
    %ne3A_403 = arith.cmpi ne, %rem3A_401, %ne3A_402 : i32
    %lt3A_404 = arith.constant 0 : i32
    %lt3A_405 = arith.cmpi slt, %rem3A_401, %lt3A_404 : i32
    %lt3A_406 = arith.constant 0 : i32
    %lt3A_407 = arith.cmpi slt, %select_n3A_400, %lt3A_406 : i32
    %ne3A_408 = arith.xori %lt3A_405, %lt3A_407 : i1
    %and3A_409 = arith.andi %ne3A_408, %ne3A_403 : i1
    %add3A_410 = arith.addi %rem3A_401, %select_n3A_400 : i32
    %select_n3A_411 = arith.select %and3A_409, %add3A_410, %rem3A_401 : i32
    %eq3A_412 = arith.constant 1 : i32
    %eq3A_413 = arith.cmpi eq, %select_n3A_411, %eq3A_412 : i32
    %and3A_414 = arith.andi %gt3A_393, %eq3A_413 : i1
    %convert_element_type3A_415 = arith.extui %and3A_414 : i1 to i32
    %cond3A_416 = arith.constant 0 : i32
    %cond3A_417 = arith.cmpi ne, %convert_element_type3A_415, %cond3A_416 : i32
    scf.if %cond3A_417 {
      %dma_wait3A = arith.constant 0 : i32
      %dma_wait3A_433 = arith.constant 0 : i32
      %dma_wait3A_434 = tpu.memref_slice %arg8[%dma_wait3A, %dma_wait3A_433] : memref<16384x768xf32, #tpu.memory_space<hbm>> -> memref<32x768xf32, #tpu.memory_space<hbm>>
      %dma_wait3A_435 = arith.constant 0 : i32
      %dma_wait3A_436 = arith.constant 0 : i32
      %dma_wait3A_437 = tpu.memref_slice %arg8[%dma_wait3A_435, %dma_wait3A_436] : memref<16384x768xf32, #tpu.memory_space<hbm>> -> memref<32x768xf32, #tpu.memory_space<hbm>>
      tpu.wait_dma2 semaphore(%arg30 : memref<!tpu.dma_semaphore, #tpu.memory_space<semaphore_mem>>) src(%dma_wait3A_437 : memref<32x768xf32, #tpu.memory_space<hbm>>) dst(%arg23 : memref<32x768xf32, #tpu.memory_space<vmem>>)
      %dma_start3A = arith.constant 0 : i32
      %dma_start3A_438 = arith.constant 0 : i32
      %dma_start3A_439 = tpu.memref_slice %arg8[%dma_start3A, %dma_start3A_438] : memref<16384x768xf32, #tpu.memory_space<hbm>> -> memref<16384x768xf32, #tpu.memory_space<hbm>>
      tpu.enqueue_indirect_dma source(%arg24 : memref<32x768xf32, #tpu.memory_space<vmem>>) target(%dma_start3A_439 : memref<16384x768xf32, #tpu.memory_space<hbm>>) offsets(%arg22 : memref<32xi32, #tpu.memory_space<vmem>>) semaphore(%arg32 : memref<!tpu.dma_semaphore, #tpu.memory_space<semaphore_mem>>)
    } else {
    }
    %gt3A_418 = arith.constant 0 : i32
    %gt3A_419 = arith.cmpi sgt, %reduce_max3A_33, %gt3A_418 : i32
    %convert_element_type3A_420 = arith.extui %gt3A_419 : i1 to i32
    %cond3A_421 = arith.constant 0 : i32
    %cond3A_422 = arith.cmpi ne, %convert_element_type3A_420, %cond3A_421 : i32
    scf.if %cond3A_422 {
      %dma_wait3A = arith.constant 0 : i32
      %dma_wait3A_433 = arith.constant 0 : i32
      %dma_wait3A_434 = tpu.memref_slice %arg8[%dma_wait3A, %dma_wait3A_433] : memref<16384x768xf32, #tpu.memory_space<hbm>> -> memref<32x768xf32, #tpu.memory_space<hbm>>
      %dma_wait3A_435 = arith.constant 0 : i32
      %dma_wait3A_436 = arith.constant 0 : i32
      %dma_wait3A_437 = tpu.memref_slice %arg8[%dma_wait3A_435, %dma_wait3A_436] : memref<16384x768xf32, #tpu.memory_space<hbm>> -> memref<32x768xf32, #tpu.memory_space<hbm>>
      tpu.wait_dma2 semaphore(%arg31 : memref<!tpu.dma_semaphore, #tpu.memory_space<semaphore_mem>>) src(%dma_wait3A_437 : memref<32x768xf32, #tpu.memory_space<hbm>>) dst(%arg23 : memref<32x768xf32, #tpu.memory_space<vmem>>)
    } else {
    }
    %gt3A_423 = arith.constant 32 : i32
    %gt3A_424 = arith.cmpi sgt, %reduce_max3A_33, %gt3A_423 : i32
    %convert_element_type3A_425 = arith.extui %gt3A_424 : i1 to i32
    %cond3A_426 = arith.constant 0 : i32
    %cond3A_427 = arith.cmpi ne, %convert_element_type3A_425, %cond3A_426 : i32
    scf.if %cond3A_427 {
      %dma_wait3A = arith.constant 0 : i32
      %dma_wait3A_433 = arith.constant 0 : i32
      %dma_wait3A_434 = tpu.memref_slice %arg8[%dma_wait3A, %dma_wait3A_433] : memref<16384x768xf32, #tpu.memory_space<hbm>> -> memref<32x768xf32, #tpu.memory_space<hbm>>
      %dma_wait3A_435 = arith.constant 0 : i32
      %dma_wait3A_436 = arith.constant 0 : i32
      %dma_wait3A_437 = tpu.memref_slice %arg8[%dma_wait3A_435, %dma_wait3A_436] : memref<16384x768xf32, #tpu.memory_space<hbm>> -> memref<32x768xf32, #tpu.memory_space<hbm>>
      tpu.wait_dma2 semaphore(%arg32 : memref<!tpu.dma_semaphore, #tpu.memory_space<semaphore_mem>>) src(%dma_wait3A_437 : memref<32x768xf32, #tpu.memory_space<hbm>>) dst(%arg23 : memref<32x768xf32, #tpu.memory_space<vmem>>)
    } else {
    }
    %lt3A_428 = arith.constant 16 : i32
    %lt3A_429 = arith.cmpi slt, %add3A, %lt3A_428 : i32
    %convert_element_type3A_430 = arith.extui %lt3A_429 : i1 to i32
    %cond3A_431 = arith.constant 0 : i32
    %cond3A_432 = arith.cmpi ne, %convert_element_type3A_430, %cond3A_431 : i32
    scf.if %cond3A_432 {
      %jit3A_433 = arith.constant 2 : i32
      %div3A_434 = arith.divsi %add3A, %jit3A_433 : i32
      %sign3A_435 = arith.constant 0 : i32
      %sign3A_436 = arith.cmpi sgt, %add3A, %sign3A_435 : i32
      %sign3A_437 = arith.extui %sign3A_436 : i1 to i32
      %sign3A_438 = arith.constant 0 : i32
      %sign3A_439 = arith.cmpi slt, %add3A, %sign3A_438 : i32
      %sign3A_440 = arith.extui %sign3A_439 : i1 to i32
      %sign3A_441 = arith.subi %sign3A_437, %sign3A_440 : i32
      %sign3A_442 = arith.constant 0 : i32
      %sign3A_443 = arith.cmpi sgt, %jit3A_433, %sign3A_442 : i32
      %sign3A_444 = arith.extui %sign3A_443 : i1 to i32
      %sign3A_445 = arith.constant 0 : i32
      %sign3A_446 = arith.cmpi slt, %jit3A_433, %sign3A_445 : i32
      %sign3A_447 = arith.extui %sign3A_446 : i1 to i32
      %sign3A_448 = arith.subi %sign3A_444, %sign3A_447 : i32
      %ne3A_449 = arith.cmpi ne, %sign3A_441, %sign3A_448 : i32
      %rem3A_450 = arith.remsi %add3A, %jit3A_433 : i32
      %ne3A_451 = arith.constant 0 : i32
      %ne3A_452 = arith.cmpi ne, %rem3A_450, %ne3A_451 : i32
      %and3A_453 = arith.andi %ne3A_449, %ne3A_452 : i1
      %sub3A_454 = arith.constant 1 : i32
      %sub3A_455 = arith.subi %div3A_434, %sub3A_454 : i32
      %select_n3A_456 = arith.select %and3A_453, %sub3A_455, %div3A_434 : i32
      %mul3A_457 = arith.constant 2 : i32
      %mul3A_458 = arith.muli %mul3A_457, %select_n3A_456 : i32
      %sub3A_459 = arith.subi %add3A, %mul3A_458 : i32
      %mul3A_460 = arith.constant 2048 : i32
      %mul3A_461 = arith.muli %select_n3A_456, %mul3A_460 : i32
      "tpu.region"() ({
        %run_scoped3A = tpu.sem_alloc : memref<!tpu.dma_semaphore, #tpu.memory_space<semaphore_mem>>
        %dma_start3A_517 = tpu.memref_slice %arg2[%mul3A_461] : memref<16384xi32, #tpu.memory_space<hbm>> -> memref<2048xi32, #tpu.memory_space<hbm>>
        %dma_start3A_518 = tpu.memref_slice %arg2[%mul3A_461] : memref<16384xi32, #tpu.memory_space<hbm>> -> memref<2048xi32, #tpu.memory_space<hbm>>
        tpu.enqueue_dma source(%dma_start3A_518 : memref<2048xi32, #tpu.memory_space<hbm>>) target(%arg25 : memref<2048xi32, #tpu.memory_space<vmem>>) target_semaphore(%run_scoped3A : memref<!tpu.dma_semaphore, #tpu.memory_space<semaphore_mem>>)
        %dma_wait3A_519 = tpu.memref_slice %arg2[%mul3A_461] : memref<16384xi32, #tpu.memory_space<hbm>> -> memref<2048xi32, #tpu.memory_space<hbm>>
        %dma_wait3A_520 = tpu.memref_slice %arg2[%mul3A_461] : memref<16384xi32, #tpu.memory_space<hbm>> -> memref<2048xi32, #tpu.memory_space<hbm>>
        tpu.wait_dma2 semaphore(%run_scoped3A : memref<!tpu.dma_semaphore, #tpu.memory_space<semaphore_mem>>) src(%dma_wait3A_520 : memref<2048xi32, #tpu.memory_space<hbm>>) dst(%arg25 : memref<2048xi32, #tpu.memory_space<vmem>>)
        tpu.yield
      }) : () -> ()
      %mul3A_462 = arith.constant 30000 : i32
      %mul3A_463 = arith.muli %sub3A_459, %mul3A_462 : i32
      "tpu.region"() ({
        %run_scoped3A = tpu.sem_alloc : memref<!tpu.dma_semaphore, #tpu.memory_space<semaphore_mem>>
        %dma_start3A_517 = tpu.memref_slice %arg7[%mul3A_463] : memref<60000xi32, #tpu.memory_space<hbm>> -> memref<30000xi32, #tpu.memory_space<hbm>>
        %dma_start3A_518 = tpu.memref_slice %arg7[%mul3A_463] : memref<60000xi32, #tpu.memory_space<hbm>> -> memref<30000xi32, #tpu.memory_space<hbm>>
        tpu.enqueue_dma source(%dma_start3A_518 : memref<30000xi32, #tpu.memory_space<hbm>>) target(%arg26 : memref<30000xi32, #tpu.memory_space<vmem>>) target_semaphore(%run_scoped3A : memref<!tpu.dma_semaphore, #tpu.memory_space<semaphore_mem>>)
        %dma_wait3A_519 = tpu.memref_slice %arg7[%mul3A_463] : memref<60000xi32, #tpu.memory_space<hbm>> -> memref<30000xi32, #tpu.memory_space<hbm>>
        %dma_wait3A_520 = tpu.memref_slice %arg7[%mul3A_463] : memref<60000xi32, #tpu.memory_space<hbm>> -> memref<30000xi32, #tpu.memory_space<hbm>>
        tpu.wait_dma2 semaphore(%run_scoped3A : memref<!tpu.dma_semaphore, #tpu.memory_space<semaphore_mem>>) src(%dma_wait3A_520 : memref<30000xi32, #tpu.memory_space<hbm>>) dst(%arg26 : memref<30000xi32, #tpu.memory_space<vmem>>)
        tpu.yield
      }) : () -> ()
      %broadcast_in_dim3A_464 = arith.constant 0 : i32
      %broadcast_in_dim3A_465 = vector.broadcast %broadcast_in_dim3A_464 : i32 to vector<16xi32>
      %swap3A = arith.constant 0 : index
      %swap3A_466 = tpu.vector_load %arg27[%swap3A] {strides = array<i32>} : memref<16xi32, #tpu.memory_space<vmem>>, vector<16xi32>,
      tpu.vector_store %arg27[%swap3A], %broadcast_in_dim3A_465 {strides = array<i32>} : memref<16xi32, #tpu.memory_space<vmem>>, vector<16xi32>,
      %broadcast_in_dim3A_467 = arith.constant 1 : i32
      %broadcast_in_dim3A_468 = vector.broadcast %broadcast_in_dim3A_467 : i32 to vector<16xi32>
      %scan3A_469 = arith.constant 0 : i32
      %scan3A_470 = arith.constant 0 : i32
      %scan3A_471 = arith.constant 128 : i32
      %scan3A_472 = arith.addi %scan3A_470, %scan3A_471 : i32
      %scan3A_473 = arith.constant 1 : i32
      %scan3A_474 = scf.for %scan3A_517 = %scan3A_470 to %scan3A_472 step %scan3A_473 iter_args(%scan3A_518 = %scan3A_469) -> (i32)  : i32 {
        %mul3A_519 = arith.constant 16 : i32
        %mul3A_520 = arith.muli %scan3A_517, %mul3A_519 : i32
        %get3A_521 = arith.index_cast %mul3A_520 : i32 to index
        %get3A_522 = tpu.vector_load %arg25[%get3A_521] {strides = array<i32>} : memref<2048xi32, #tpu.memory_space<vmem>>, vector<16xi32>,
        %ge3A = arith.constant 50257 : i32
        %ge3A_523 = vector.broadcast %ge3A : i32 to vector<16xi32>
        %ge3A_524 = arith.cmpi sge, %get3A_522, %ge3A_523 : vector<16xi32>
        %sub3A_525 = arith.constant 50257 : i32
        %sub3A_526 = vector.broadcast %sub3A_525 : i32 to vector<16xi32>
        %sub3A_527 = arith.subi %get3A_522, %sub3A_526 : vector<16xi32>
        %jit3A_528 = arith.constant 0 : i32
        %broadcast_in_dim3A_529 = vector.broadcast %jit3A_528 : i32 to vector<16xi32>
        %select_n3A_530 = arith.select %ge3A_524, %sub3A_527, %broadcast_in_dim3A_529 : vector<16xi1>, vector<16xi32>
        %gather3A_531 = tpu.vector_load_idx %arg26[%select_n3A_530] : memref<30000xi32, #tpu.memory_space<vmem>>[vector<16xi32>], vector<16xi32>,
        tpu.vector_store_idx %arg27[%gather3A_531], %broadcast_in_dim3A_468 masked %ge3A_524 : memref<16xi32, #tpu.memory_space<vmem>>[vector<16xi32>], vector<16xi32>, vector<16xi1>
        %scan3A_532 = arith.constant 0 : i32
        scf.yield %scan3A_532 : i32
      }
      %scan3A_475 = arith.constant 128 : i32
      %get3A = arith.constant 0 : index
      %get3A_476 = tpu.vector_load %arg27[%get3A] {strides = array<i32>} : memref<16xi32, #tpu.memory_space<vmem>>, vector<16xi32>,
      %broadcast_in_dim3A_477 = arith.constant true
      %broadcast_in_dim3A_478 = vector.broadcast %broadcast_in_dim3A_477 : i1 to vector<16xi1>
      %masked_cumsum3A = tpu.scan <sum>, %get3A_476 masked %broadcast_in_dim3A_478 : vector<16xi32>, vector<16xi1> -> vector<16xi32>
      %sub3A_479 = arith.subi %masked_cumsum3A, %get3A_476 : vector<16xi32>
      %mul3A_480 = arith.constant 32 : i32
      %mul3A_481 = arith.muli %select_n3A_456, %mul3A_480 : i32
      %mul3A_482 = arith.constant 16 : i32
      %mul3A_483 = arith.muli %sub3A_459, %mul3A_482 : i32
      %add3A_484 = arith.addi %mul3A_481, %mul3A_483 : i32
      %gt3A_485 = arith.constant 0 : i32
      %gt3A_486 = vector.broadcast %gt3A_485 : i32 to vector<16xi32>
      %gt3A_487 = arith.cmpi sgt, %get3A_476, %gt3A_486 : vector<16xi32>
      %add3A_488 = vector.broadcast %add3A_484 : i32 to vector<16xi32>
      %add3A_489 = arith.addi %add3A_488, %sub3A_479 : vector<16xi32>
      %add3A_490 = arith.constant 256 : i32
      %add3A_491 = vector.broadcast %add3A_490 : i32 to vector<16xi32>
      %add3A_492 = arith.addi %add3A_491, %iota3A : vector<16xi32>
      %select_n3A_493 = arith.select %gt3A_487, %add3A_489, %add3A_492 : vector<16xi1>, vector<16xi32>
      %swap3A_494 = arith.constant 0 : index
      %swap3A_495 = tpu.vector_load %arg28[%swap3A_494] {strides = array<i32>} : memref<16xi32, #tpu.memory_space<vmem>>, vector<16xi32>,
      tpu.vector_store %arg28[%swap3A_494], %select_n3A_493 {strides = array<i32>} : memref<16xi32, #tpu.memory_space<vmem>>, vector<16xi32>,
      %broadcast_in_dim3A_496 = arith.constant 0.000000e+00 : f32
      %broadcast_in_dim3A_497 = vector.broadcast %broadcast_in_dim3A_496 : f32 to vector<16xf32>
      %scan3A_498 = arith.constant 0 : i32
      %scan3A_499 = arith.constant 0 : i32
      %scan3A_500 = arith.constant 16 : i32
      %scan3A_501 = arith.addi %scan3A_499, %scan3A_500 : i32
      %scan3A_502 = arith.constant 1 : i32
      %scan3A_503 = scf.for %scan3A_517 = %scan3A_499 to %scan3A_501 step %scan3A_502 iter_args(%scan3A_518 = %scan3A_498) -> (i32)  : i32 {
        %swap3A_519 = arith.index_cast %scan3A_517 : i32 to index
        %swap3A_520 = arith.constant 0 : index
        %swap3A_521 = tpu.vector_load %arg23[%swap3A_519, %swap3A_520] {strides = array<i32>} : memref<32x768xf32, #tpu.memory_space<vmem>>, vector<16xf32>,
        tpu.vector_store %arg23[%swap3A_519, %swap3A_520], %broadcast_in_dim3A_497 {strides = array<i32>} : memref<32x768xf32, #tpu.memory_space<vmem>>, vector<16xf32>,
        %swap3A_522 = arith.index_cast %scan3A_517 : i32 to index
        %swap3A_523 = arith.constant 16 : index
        %swap3A_524 = tpu.vector_load %arg23[%swap3A_522, %swap3A_523] {strides = array<i32>} : memref<32x768xf32, #tpu.memory_space<vmem>>, vector<16xf32>,
        tpu.vector_store %arg23[%swap3A_522, %swap3A_523], %broadcast_in_dim3A_497 {strides = array<i32>} : memref<32x768xf32, #tpu.memory_space<vmem>>, vector<16xf32>,
        %swap3A_525 = arith.index_cast %scan3A_517 : i32 to index
        %swap3A_526 = arith.constant 32 : index
        %swap3A_527 = tpu.vector_load %arg23[%swap3A_525, %swap3A_526] {strides = array<i32>} : memref<32x768xf32, #tpu.memory_space<vmem>>, vector<16xf32>,
        tpu.vector_store %arg23[%swap3A_525, %swap3A_526], %broadcast_in_dim3A_497 {strides = array<i32>} : memref<32x768xf32, #tpu.memory_space<vmem>>, vector<16xf32>,
        %swap3A_528 = arith.index_cast %scan3A_517 : i32 to index
        %swap3A_529 = arith.constant 48 : index
        %swap3A_530 = tpu.vector_load %arg23[%swap3A_528, %swap3A_529] {strides = array<i32>} : memref<32x768xf32, #tpu.memory_space<vmem>>, vector<16xf32>,
        tpu.vector_store %arg23[%swap3A_528, %swap3A_529], %broadcast_in_dim3A_497 {strides = array<i32>} : memref<32x768xf32, #tpu.memory_space<vmem>>, vector<16xf32>,
        %swap3A_531 = arith.index_cast %scan3A_517 : i32 to index
        %swap3A_532 = arith.constant 64 : index
        %swap3A_533 = tpu.vector_load %arg23[%swap3A_531, %swap3A_532] {strides = array<i32>} : memref<32x768xf32, #tpu.memory_space<vmem>>, vector<16xf32>,
        tpu.vector_store %arg23[%swap3A_531, %swap3A_532], %broadcast_in_dim3A_497 {strides = array<i32>} : memref<32x768xf32, #tpu.memory_space<vmem>>, vector<16xf32>,
        %swap3A_534 = arith.index_cast %scan3A_517 : i32 to index
        %swap3A_535 = arith.constant 80 : index
        %swap3A_536 = tpu.vector_load %arg23[%swap3A_534, %swap3A_535] {strides = array<i32>} : memref<32x768xf32, #tpu.memory_space<vmem>>, vector<16xf32>,
        tpu.vector_store %arg23[%swap3A_534, %swap3A_535], %broadcast_in_dim3A_497 {strides = array<i32>} : memref<32x768xf32, #tpu.memory_space<vmem>>, vector<16xf32>,
        %swap3A_537 = arith.index_cast %scan3A_517 : i32 to index
        %swap3A_538 = arith.constant 96 : index
        %swap3A_539 = tpu.vector_load %arg23[%swap3A_537, %swap3A_538] {strides = array<i32>} : memref<32x768xf32, #tpu.memory_space<vmem>>, vector<16xf32>,
        tpu.vector_store %arg23[%swap3A_537, %swap3A_538], %broadcast_in_dim3A_497 {strides = array<i32>} : memref<32x768xf32, #tpu.memory_space<vmem>>, vector<16xf32>,
        %swap3A_540 = arith.index_cast %scan3A_517 : i32 to index
        %swap3A_541 = arith.constant 112 : index
        %swap3A_542 = tpu.vector_load %arg23[%swap3A_540, %swap3A_541] {strides = array<i32>} : memref<32x768xf32, #tpu.memory_space<vmem>>, vector<16xf32>,
        tpu.vector_store %arg23[%swap3A_540, %swap3A_541], %broadcast_in_dim3A_497 {strides = array<i32>} : memref<32x768xf32, #tpu.memory_space<vmem>>, vector<16xf32>,
        %swap3A_543 = arith.index_cast %scan3A_517 : i32 to index
        %swap3A_544 = arith.constant 128 : index
        %swap3A_545 = tpu.vector_load %arg23[%swap3A_543, %swap3A_544] {strides = array<i32>} : memref<32x768xf32, #tpu.memory_space<vmem>>, vector<16xf32>,
        tpu.vector_store %arg23[%swap3A_543, %swap3A_544], %broadcast_in_dim3A_497 {strides = array<i32>} : memref<32x768xf32, #tpu.memory_space<vmem>>, vector<16xf32>,
        %swap3A_546 = arith.index_cast %scan3A_517 : i32 to index
        %swap3A_547 = arith.constant 144 : index
        %swap3A_548 = tpu.vector_load %arg23[%swap3A_546, %swap3A_547] {strides = array<i32>} : memref<32x768xf32, #tpu.memory_space<vmem>>, vector<16xf32>,
        tpu.vector_store %arg23[%swap3A_546, %swap3A_547], %broadcast_in_dim3A_497 {strides = array<i32>} : memref<32x768xf32, #tpu.memory_space<vmem>>, vector<16xf32>,
        %swap3A_549 = arith.index_cast %scan3A_517 : i32 to index
        %swap3A_550 = arith.constant 160 : index
        %swap3A_551 = tpu.vector_load %arg23[%swap3A_549, %swap3A_550] {strides = array<i32>} : memref<32x768xf32, #tpu.memory_space<vmem>>, vector<16xf32>,
        tpu.vector_store %arg23[%swap3A_549, %swap3A_550], %broadcast_in_dim3A_497 {strides = array<i32>} : memref<32x768xf32, #tpu.memory_space<vmem>>, vector<16xf32>,
        %swap3A_552 = arith.index_cast %scan3A_517 : i32 to index
        %swap3A_553 = arith.constant 176 : index
        %swap3A_554 = tpu.vector_load %arg23[%swap3A_552, %swap3A_553] {strides = array<i32>} : memref<32x768xf32, #tpu.memory_space<vmem>>, vector<16xf32>,
        tpu.vector_store %arg23[%swap3A_552, %swap3A_553], %broadcast_in_dim3A_497 {strides = array<i32>} : memref<32x768xf32, #tpu.memory_space<vmem>>, vector<16xf32>,
        %swap3A_555 = arith.index_cast %scan3A_517 : i32 to index
        %swap3A_556 = arith.constant 192 : index
        %swap3A_557 = tpu.vector_load %arg23[%swap3A_555, %swap3A_556] {strides = array<i32>} : memref<32x768xf32, #tpu.memory_space<vmem>>, vector<16xf32>,
        tpu.vector_store %arg23[%swap3A_555, %swap3A_556], %broadcast_in_dim3A_497 {strides = array<i32>} : memref<32x768xf32, #tpu.memory_space<vmem>>, vector<16xf32>,
        %swap3A_558 = arith.index_cast %scan3A_517 : i32 to index
        %swap3A_559 = arith.constant 208 : index
        %swap3A_560 = tpu.vector_load %arg23[%swap3A_558, %swap3A_559] {strides = array<i32>} : memref<32x768xf32, #tpu.memory_space<vmem>>, vector<16xf32>,
        tpu.vector_store %arg23[%swap3A_558, %swap3A_559], %broadcast_in_dim3A_497 {strides = array<i32>} : memref<32x768xf32, #tpu.memory_space<vmem>>, vector<16xf32>,
        %swap3A_561 = arith.index_cast %scan3A_517 : i32 to index
        %swap3A_562 = arith.constant 224 : index
        %swap3A_563 = tpu.vector_load %arg23[%swap3A_561, %swap3A_562] {strides = array<i32>} : memref<32x768xf32, #tpu.memory_space<vmem>>, vector<16xf32>,
        tpu.vector_store %arg23[%swap3A_561, %swap3A_562], %broadcast_in_dim3A_497 {strides = array<i32>} : memref<32x768xf32, #tpu.memory_space<vmem>>, vector<16xf32>,
        %swap3A_564 = arith.index_cast %scan3A_517 : i32 to index
        %swap3A_565 = arith.constant 240 : index
        %swap3A_566 = tpu.vector_load %arg23[%swap3A_564, %swap3A_565] {strides = array<i32>} : memref<32x768xf32, #tpu.memory_space<vmem>>, vector<16xf32>,
        tpu.vector_store %arg23[%swap3A_564, %swap3A_565], %broadcast_in_dim3A_497 {strides = array<i32>} : memref<32x768xf32, #tpu.memory_space<vmem>>, vector<16xf32>,
        %swap3A_567 = arith.index_cast %scan3A_517 : i32 to index
        %swap3A_568 = arith.constant 256 : index
        %swap3A_569 = tpu.vector_load %arg23[%swap3A_567, %swap3A_568] {strides = array<i32>} : memref<32x768xf32, #tpu.memory_space<vmem>>, vector<16xf32>,
        tpu.vector_store %arg23[%swap3A_567, %swap3A_568], %broadcast_in_dim3A_497 {strides = array<i32>} : memref<32x768xf32, #tpu.memory_space<vmem>>, vector<16xf32>,
        %swap3A_570 = arith.index_cast %scan3A_517 : i32 to index
        %swap3A_571 = arith.constant 272 : index
        %swap3A_572 = tpu.vector_load %arg23[%swap3A_570, %swap3A_571] {strides = array<i32>} : memref<32x768xf32, #tpu.memory_space<vmem>>, vector<16xf32>,
        tpu.vector_store %arg23[%swap3A_570, %swap3A_571], %broadcast_in_dim3A_497 {strides = array<i32>} : memref<32x768xf32, #tpu.memory_space<vmem>>, vector<16xf32>,
        %swap3A_573 = arith.index_cast %scan3A_517 : i32 to index
        %swap3A_574 = arith.constant 288 : index
        %swap3A_575 = tpu.vector_load %arg23[%swap3A_573, %swap3A_574] {strides = array<i32>} : memref<32x768xf32, #tpu.memory_space<vmem>>, vector<16xf32>,
        tpu.vector_store %arg23[%swap3A_573, %swap3A_574], %broadcast_in_dim3A_497 {strides = array<i32>} : memref<32x768xf32, #tpu.memory_space<vmem>>, vector<16xf32>,
        %swap3A_576 = arith.index_cast %scan3A_517 : i32 to index
        %swap3A_577 = arith.constant 304 : index
        %swap3A_578 = tpu.vector_load %arg23[%swap3A_576, %swap3A_577] {strides = array<i32>} : memref<32x768xf32, #tpu.memory_space<vmem>>, vector<16xf32>,
        tpu.vector_store %arg23[%swap3A_576, %swap3A_577], %broadcast_in_dim3A_497 {strides = array<i32>} : memref<32x768xf32, #tpu.memory_space<vmem>>, vector<16xf32>,
        %swap3A_579 = arith.index_cast %scan3A_517 : i32 to index
        %swap3A_580 = arith.constant 320 : index
        %swap3A_581 = tpu.vector_load %arg23[%swap3A_579, %swap3A_580] {strides = array<i32>} : memref<32x768xf32, #tpu.memory_space<vmem>>, vector<16xf32>,
        tpu.vector_store %arg23[%swap3A_579, %swap3A_580], %broadcast_in_dim3A_497 {strides = array<i32>} : memref<32x768xf32, #tpu.memory_space<vmem>>, vector<16xf32>,
        %swap3A_582 = arith.index_cast %scan3A_517 : i32 to index
        %swap3A_583 = arith.constant 336 : index
        %swap3A_584 = tpu.vector_load %arg23[%swap3A_582, %swap3A_583] {strides = array<i32>} : memref<32x768xf32, #tpu.memory_space<vmem>>, vector<16xf32>,
        tpu.vector_store %arg23[%swap3A_582, %swap3A_583], %broadcast_in_dim3A_497 {strides = array<i32>} : memref<32x768xf32, #tpu.memory_space<vmem>>, vector<16xf32>,
        %swap3A_585 = arith.index_cast %scan3A_517 : i32 to index
        %swap3A_586 = arith.constant 352 : index
        %swap3A_587 = tpu.vector_load %arg23[%swap3A_585, %swap3A_586] {strides = array<i32>} : memref<32x768xf32, #tpu.memory_space<vmem>>, vector<16xf32>,
        tpu.vector_store %arg23[%swap3A_585, %swap3A_586], %broadcast_in_dim3A_497 {strides = array<i32>} : memref<32x768xf32, #tpu.memory_space<vmem>>, vector<16xf32>,
        %swap3A_588 = arith.index_cast %scan3A_517 : i32 to index
        %swap3A_589 = arith.constant 368 : index
        %swap3A_590 = tpu.vector_load %arg23[%swap3A_588, %swap3A_589] {strides = array<i32>} : memref<32x768xf32, #tpu.memory_space<vmem>>, vector<16xf32>,
        tpu.vector_store %arg23[%swap3A_588, %swap3A_589], %broadcast_in_dim3A_497 {strides = array<i32>} : memref<32x768xf32, #tpu.memory_space<vmem>>, vector<16xf32>,
        %swap3A_591 = arith.index_cast %scan3A_517 : i32 to index
        %swap3A_592 = arith.constant 384 : index
        %swap3A_593 = tpu.vector_load %arg23[%swap3A_591, %swap3A_592] {strides = array<i32>} : memref<32x768xf32, #tpu.memory_space<vmem>>, vector<16xf32>,
        tpu.vector_store %arg23[%swap3A_591, %swap3A_592], %broadcast_in_dim3A_497 {strides = array<i32>} : memref<32x768xf32, #tpu.memory_space<vmem>>, vector<16xf32>,
        %swap3A_594 = arith.index_cast %scan3A_517 : i32 to index
        %swap3A_595 = arith.constant 400 : index
        %swap3A_596 = tpu.vector_load %arg23[%swap3A_594, %swap3A_595] {strides = array<i32>} : memref<32x768xf32, #tpu.memory_space<vmem>>, vector<16xf32>,
        tpu.vector_store %arg23[%swap3A_594, %swap3A_595], %broadcast_in_dim3A_497 {strides = array<i32>} : memref<32x768xf32, #tpu.memory_space<vmem>>, vector<16xf32>,
        %swap3A_597 = arith.index_cast %scan3A_517 : i32 to index
        %swap3A_598 = arith.constant 416 : index
        %swap3A_599 = tpu.vector_load %arg23[%swap3A_597, %swap3A_598] {strides = array<i32>} : memref<32x768xf32, #tpu.memory_space<vmem>>, vector<16xf32>,
        tpu.vector_store %arg23[%swap3A_597, %swap3A_598], %broadcast_in_dim3A_497 {strides = array<i32>} : memref<32x768xf32, #tpu.memory_space<vmem>>, vector<16xf32>,
        %swap3A_600 = arith.index_cast %scan3A_517 : i32 to index
        %swap3A_601 = arith.constant 432 : index
        %swap3A_602 = tpu.vector_load %arg23[%swap3A_600, %swap3A_601] {strides = array<i32>} : memref<32x768xf32, #tpu.memory_space<vmem>>, vector<16xf32>,
        tpu.vector_store %arg23[%swap3A_600, %swap3A_601], %broadcast_in_dim3A_497 {strides = array<i32>} : memref<32x768xf32, #tpu.memory_space<vmem>>, vector<16xf32>,
        %swap3A_603 = arith.index_cast %scan3A_517 : i32 to index
        %swap3A_604 = arith.constant 448 : index
        %swap3A_605 = tpu.vector_load %arg23[%swap3A_603, %swap3A_604] {strides = array<i32>} : memref<32x768xf32, #tpu.memory_space<vmem>>, vector<16xf32>,
        tpu.vector_store %arg23[%swap3A_603, %swap3A_604], %broadcast_in_dim3A_497 {strides = array<i32>} : memref<32x768xf32, #tpu.memory_space<vmem>>, vector<16xf32>,
        %swap3A_606 = arith.index_cast %scan3A_517 : i32 to index
        %swap3A_607 = arith.constant 464 : index
        %swap3A_608 = tpu.vector_load %arg23[%swap3A_606, %swap3A_607] {strides = array<i32>} : memref<32x768xf32, #tpu.memory_space<vmem>>, vector<16xf32>,
        tpu.vector_store %arg23[%swap3A_606, %swap3A_607], %broadcast_in_dim3A_497 {strides = array<i32>} : memref<32x768xf32, #tpu.memory_space<vmem>>, vector<16xf32>,
        %swap3A_609 = arith.index_cast %scan3A_517 : i32 to index
        %swap3A_610 = arith.constant 480 : index
        %swap3A_611 = tpu.vector_load %arg23[%swap3A_609, %swap3A_610] {strides = array<i32>} : memref<32x768xf32, #tpu.memory_space<vmem>>, vector<16xf32>,
        tpu.vector_store %arg23[%swap3A_609, %swap3A_610], %broadcast_in_dim3A_497 {strides = array<i32>} : memref<32x768xf32, #tpu.memory_space<vmem>>, vector<16xf32>,
        %swap3A_612 = arith.index_cast %scan3A_517 : i32 to index
        %swap3A_613 = arith.constant 496 : index
        %swap3A_614 = tpu.vector_load %arg23[%swap3A_612, %swap3A_613] {strides = array<i32>} : memref<32x768xf32, #tpu.memory_space<vmem>>, vector<16xf32>,
        tpu.vector_store %arg23[%swap3A_612, %swap3A_613], %broadcast_in_dim3A_497 {strides = array<i32>} : memref<32x768xf32, #tpu.memory_space<vmem>>, vector<16xf32>,
        %swap3A_615 = arith.index_cast %scan3A_517 : i32 to index
        %swap3A_616 = arith.constant 512 : index
        %swap3A_617 = tpu.vector_load %arg23[%swap3A_615, %swap3A_616] {strides = array<i32>} : memref<32x768xf32, #tpu.memory_space<vmem>>, vector<16xf32>,
        tpu.vector_store %arg23[%swap3A_615, %swap3A_616], %broadcast_in_dim3A_497 {strides = array<i32>} : memref<32x768xf32, #tpu.memory_space<vmem>>, vector<16xf32>,
        %swap3A_618 = arith.index_cast %scan3A_517 : i32 to index
        %swap3A_619 = arith.constant 528 : index
        %swap3A_620 = tpu.vector_load %arg23[%swap3A_618, %swap3A_619] {strides = array<i32>} : memref<32x768xf32, #tpu.memory_space<vmem>>, vector<16xf32>,
        tpu.vector_store %arg23[%swap3A_618, %swap3A_619], %broadcast_in_dim3A_497 {strides = array<i32>} : memref<32x768xf32, #tpu.memory_space<vmem>>, vector<16xf32>,
        %swap3A_621 = arith.index_cast %scan3A_517 : i32 to index
        %swap3A_622 = arith.constant 544 : index
        %swap3A_623 = tpu.vector_load %arg23[%swap3A_621, %swap3A_622] {strides = array<i32>} : memref<32x768xf32, #tpu.memory_space<vmem>>, vector<16xf32>,
        tpu.vector_store %arg23[%swap3A_621, %swap3A_622], %broadcast_in_dim3A_497 {strides = array<i32>} : memref<32x768xf32, #tpu.memory_space<vmem>>, vector<16xf32>,
        %swap3A_624 = arith.index_cast %scan3A_517 : i32 to index
        %swap3A_625 = arith.constant 560 : index
        %swap3A_626 = tpu.vector_load %arg23[%swap3A_624, %swap3A_625] {strides = array<i32>} : memref<32x768xf32, #tpu.memory_space<vmem>>, vector<16xf32>,
        tpu.vector_store %arg23[%swap3A_624, %swap3A_625], %broadcast_in_dim3A_497 {strides = array<i32>} : memref<32x768xf32, #tpu.memory_space<vmem>>, vector<16xf32>,
        %swap3A_627 = arith.index_cast %scan3A_517 : i32 to index
        %swap3A_628 = arith.constant 576 : index
        %swap3A_629 = tpu.vector_load %arg23[%swap3A_627, %swap3A_628] {strides = array<i32>} : memref<32x768xf32, #tpu.memory_space<vmem>>, vector<16xf32>,
        tpu.vector_store %arg23[%swap3A_627, %swap3A_628], %broadcast_in_dim3A_497 {strides = array<i32>} : memref<32x768xf32, #tpu.memory_space<vmem>>, vector<16xf32>,
        %swap3A_630 = arith.index_cast %scan3A_517 : i32 to index
        %swap3A_631 = arith.constant 592 : index
        %swap3A_632 = tpu.vector_load %arg23[%swap3A_630, %swap3A_631] {strides = array<i32>} : memref<32x768xf32, #tpu.memory_space<vmem>>, vector<16xf32>,
        tpu.vector_store %arg23[%swap3A_630, %swap3A_631], %broadcast_in_dim3A_497 {strides = array<i32>} : memref<32x768xf32, #tpu.memory_space<vmem>>, vector<16xf32>,
        %swap3A_633 = arith.index_cast %scan3A_517 : i32 to index
        %swap3A_634 = arith.constant 608 : index
        %swap3A_635 = tpu.vector_load %arg23[%swap3A_633, %swap3A_634] {strides = array<i32>} : memref<32x768xf32, #tpu.memory_space<vmem>>, vector<16xf32>,
        tpu.vector_store %arg23[%swap3A_633, %swap3A_634], %broadcast_in_dim3A_497 {strides = array<i32>} : memref<32x768xf32, #tpu.memory_space<vmem>>, vector<16xf32>,
        %swap3A_636 = arith.index_cast %scan3A_517 : i32 to index
        %swap3A_637 = arith.constant 624 : index
        %swap3A_638 = tpu.vector_load %arg23[%swap3A_636, %swap3A_637] {strides = array<i32>} : memref<32x768xf32, #tpu.memory_space<vmem>>, vector<16xf32>,
        tpu.vector_store %arg23[%swap3A_636, %swap3A_637], %broadcast_in_dim3A_497 {strides = array<i32>} : memref<32x768xf32, #tpu.memory_space<vmem>>, vector<16xf32>,
        %swap3A_639 = arith.index_cast %scan3A_517 : i32 to index
        %swap3A_640 = arith.constant 640 : index
        %swap3A_641 = tpu.vector_load %arg23[%swap3A_639, %swap3A_640] {strides = array<i32>} : memref<32x768xf32, #tpu.memory_space<vmem>>, vector<16xf32>,
        tpu.vector_store %arg23[%swap3A_639, %swap3A_640], %broadcast_in_dim3A_497 {strides = array<i32>} : memref<32x768xf32, #tpu.memory_space<vmem>>, vector<16xf32>,
        %swap3A_642 = arith.index_cast %scan3A_517 : i32 to index
        %swap3A_643 = arith.constant 656 : index
        %swap3A_644 = tpu.vector_load %arg23[%swap3A_642, %swap3A_643] {strides = array<i32>} : memref<32x768xf32, #tpu.memory_space<vmem>>, vector<16xf32>,
        tpu.vector_store %arg23[%swap3A_642, %swap3A_643], %broadcast_in_dim3A_497 {strides = array<i32>} : memref<32x768xf32, #tpu.memory_space<vmem>>, vector<16xf32>,
        %swap3A_645 = arith.index_cast %scan3A_517 : i32 to index
        %swap3A_646 = arith.constant 672 : index
        %swap3A_647 = tpu.vector_load %arg23[%swap3A_645, %swap3A_646] {strides = array<i32>} : memref<32x768xf32, #tpu.memory_space<vmem>>, vector<16xf32>,
        tpu.vector_store %arg23[%swap3A_645, %swap3A_646], %broadcast_in_dim3A_497 {strides = array<i32>} : memref<32x768xf32, #tpu.memory_space<vmem>>, vector<16xf32>,
        %swap3A_648 = arith.index_cast %scan3A_517 : i32 to index
        %swap3A_649 = arith.constant 688 : index
        %swap3A_650 = tpu.vector_load %arg23[%swap3A_648, %swap3A_649] {strides = array<i32>} : memref<32x768xf32, #tpu.memory_space<vmem>>, vector<16xf32>,
        tpu.vector_store %arg23[%swap3A_648, %swap3A_649], %broadcast_in_dim3A_497 {strides = array<i32>} : memref<32x768xf32, #tpu.memory_space<vmem>>, vector<16xf32>,
        %swap3A_651 = arith.index_cast %scan3A_517 : i32 to index
        %swap3A_652 = arith.constant 704 : index
        %swap3A_653 = tpu.vector_load %arg23[%swap3A_651, %swap3A_652] {strides = array<i32>} : memref<32x768xf32, #tpu.memory_space<vmem>>, vector<16xf32>,
        tpu.vector_store %arg23[%swap3A_651, %swap3A_652], %broadcast_in_dim3A_497 {strides = array<i32>} : memref<32x768xf32, #tpu.memory_space<vmem>>, vector<16xf32>,
        %swap3A_654 = arith.index_cast %scan3A_517 : i32 to index
        %swap3A_655 = arith.constant 720 : index
        %swap3A_656 = tpu.vector_load %arg23[%swap3A_654, %swap3A_655] {strides = array<i32>} : memref<32x768xf32, #tpu.memory_space<vmem>>, vector<16xf32>,
        tpu.vector_store %arg23[%swap3A_654, %swap3A_655], %broadcast_in_dim3A_497 {strides = array<i32>} : memref<32x768xf32, #tpu.memory_space<vmem>>, vector<16xf32>,
        %swap3A_657 = arith.index_cast %scan3A_517 : i32 to index
        %swap3A_658 = arith.constant 736 : index
        %swap3A_659 = tpu.vector_load %arg23[%swap3A_657, %swap3A_658] {strides = array<i32>} : memref<32x768xf32, #tpu.memory_space<vmem>>, vector<16xf32>,
        tpu.vector_store %arg23[%swap3A_657, %swap3A_658], %broadcast_in_dim3A_497 {strides = array<i32>} : memref<32x768xf32, #tpu.memory_space<vmem>>, vector<16xf32>,
        %swap3A_660 = arith.index_cast %scan3A_517 : i32 to index
        %swap3A_661 = arith.constant 752 : index
        %swap3A_662 = tpu.vector_load %arg23[%swap3A_660, %swap3A_661] {strides = array<i32>} : memref<32x768xf32, #tpu.memory_space<vmem>>, vector<16xf32>,
        tpu.vector_store %arg23[%swap3A_660, %swap3A_661], %broadcast_in_dim3A_497 {strides = array<i32>} : memref<32x768xf32, #tpu.memory_space<vmem>>, vector<16xf32>,
        %scan3A_663 = arith.constant 0 : i32
        scf.yield %scan3A_663 : i32
      }
      %scan3A_504 = arith.constant 16 : i32
      "tpu.region"() ({
        %run_scoped3A = tpu.sem_alloc : memref<!tpu.dma_semaphore, #tpu.memory_space<semaphore_mem>>
        %dma_start3A_517 = arith.constant 0 : i32
        %dma_start3A_518 = arith.constant 0 : i32
        %dma_start3A_519 = tpu.memref_slice %arg23[%dma_start3A_517, %dma_start3A_518] : memref<32x768xf32, #tpu.memory_space<vmem>> -> memref<16x768xf32, #tpu.memory_space<vmem>>
        %dma_start3A_520 = arith.constant 0 : i32
        %dma_start3A_521 = tpu.memref_slice %arg10[%add3A_484, %dma_start3A_520] : memref<272x768xf32, #tpu.memory_space<hbm>> -> memref<16x768xf32, #tpu.memory_space<hbm>>
        %dma_start3A_522 = arith.constant 0 : i32
        %dma_start3A_523 = tpu.memref_slice %arg10[%add3A_484, %dma_start3A_522] : memref<272x768xf32, #tpu.memory_space<hbm>> -> memref<16x768xf32, #tpu.memory_space<hbm>>
        %dma_start3A_524 = arith.constant 0 : i32
        %dma_start3A_525 = arith.constant 0 : i32
        %dma_start3A_526 = tpu.memref_slice %arg23[%dma_start3A_524, %dma_start3A_525] : memref<32x768xf32, #tpu.memory_space<vmem>> -> memref<16x768xf32, #tpu.memory_space<vmem>>
        tpu.enqueue_dma source(%dma_start3A_526 : memref<16x768xf32, #tpu.memory_space<vmem>>) target(%dma_start3A_523 : memref<16x768xf32, #tpu.memory_space<hbm>>) target_semaphore(%run_scoped3A : memref<!tpu.dma_semaphore, #tpu.memory_space<semaphore_mem>>)
        %dma_wait3A_527 = arith.constant 0 : i32
        %dma_wait3A_528 = arith.constant 0 : i32
        %dma_wait3A_529 = tpu.memref_slice %arg23[%dma_wait3A_527, %dma_wait3A_528] : memref<32x768xf32, #tpu.memory_space<vmem>> -> memref<16x768xf32, #tpu.memory_space<vmem>>
        %dma_wait3A_530 = arith.constant 0 : i32
        %dma_wait3A_531 = tpu.memref_slice %arg10[%add3A_484, %dma_wait3A_530] : memref<272x768xf32, #tpu.memory_space<hbm>> -> memref<16x768xf32, #tpu.memory_space<hbm>>
        %dma_wait3A_532 = arith.constant 0 : i32
        %dma_wait3A_533 = tpu.memref_slice %arg10[%add3A_484, %dma_wait3A_532] : memref<272x768xf32, #tpu.memory_space<hbm>> -> memref<16x768xf32, #tpu.memory_space<hbm>>
        %dma_wait3A_534 = arith.constant 0 : i32
        %dma_wait3A_535 = arith.constant 0 : i32
        %dma_wait3A_536 = tpu.memref_slice %arg23[%dma_wait3A_534, %dma_wait3A_535] : memref<32x768xf32, #tpu.memory_space<vmem>> -> memref<16x768xf32, #tpu.memory_space<vmem>>
        tpu.wait_dma2 semaphore(%run_scoped3A : memref<!tpu.dma_semaphore, #tpu.memory_space<semaphore_mem>>) src(%dma_wait3A_536 : memref<16x768xf32, #tpu.memory_space<vmem>>) dst(%dma_wait3A_533 : memref<16x768xf32, #tpu.memory_space<hbm>>)
        tpu.yield
      }) : () -> ()
      %mul3A_505 = arith.constant 16 : i32
      %mul3A_506 = arith.muli %sub3A_459, %mul3A_505 : i32
      "tpu.region"() ({
        %run_scoped3A = tpu.sem_alloc : memref<!tpu.dma_semaphore, #tpu.memory_space<semaphore_mem>>
        %dma_start3A_517 = arith.constant 0 : i32
        %dma_start3A_518 = arith.constant 0 : i32
        %dma_start3A_519 = tpu.memref_slice %arg24[%dma_start3A_517, %dma_start3A_518] : memref<32x768xf32, #tpu.memory_space<vmem>> -> memref<16x768xf32, #tpu.memory_space<vmem>>
        %dma_start3A_520 = arith.constant 0 : i32
        %dma_start3A_521 = tpu.memref_slice %arg6[%mul3A_506, %dma_start3A_520] : memref<32x768xf32, #tpu.memory_space<hbm>> -> memref<16x768xf32, #tpu.memory_space<hbm>>
        %dma_start3A_522 = arith.constant 0 : i32
        %dma_start3A_523 = arith.constant 0 : i32
        %dma_start3A_524 = tpu.memref_slice %arg24[%dma_start3A_522, %dma_start3A_523] : memref<32x768xf32, #tpu.memory_space<vmem>> -> memref<16x768xf32, #tpu.memory_space<vmem>>
        %dma_start3A_525 = arith.constant 0 : i32
        %dma_start3A_526 = tpu.memref_slice %arg6[%mul3A_506, %dma_start3A_525] : memref<32x768xf32, #tpu.memory_space<hbm>> -> memref<16x768xf32, #tpu.memory_space<hbm>>
        tpu.enqueue_dma source(%dma_start3A_526 : memref<16x768xf32, #tpu.memory_space<hbm>>) target(%dma_start3A_524 : memref<16x768xf32, #tpu.memory_space<vmem>>) target_semaphore(%run_scoped3A : memref<!tpu.dma_semaphore, #tpu.memory_space<semaphore_mem>>)
        %dma_wait3A_527 = arith.constant 0 : i32
        %dma_wait3A_528 = arith.constant 0 : i32
        %dma_wait3A_529 = tpu.memref_slice %arg24[%dma_wait3A_527, %dma_wait3A_528] : memref<32x768xf32, #tpu.memory_space<vmem>> -> memref<16x768xf32, #tpu.memory_space<vmem>>
        %dma_wait3A_530 = arith.constant 0 : i32
        %dma_wait3A_531 = tpu.memref_slice %arg6[%mul3A_506, %dma_wait3A_530] : memref<32x768xf32, #tpu.memory_space<hbm>> -> memref<16x768xf32, #tpu.memory_space<hbm>>
        %dma_wait3A_532 = arith.constant 0 : i32
        %dma_wait3A_533 = arith.constant 0 : i32
        %dma_wait3A_534 = tpu.memref_slice %arg24[%dma_wait3A_532, %dma_wait3A_533] : memref<32x768xf32, #tpu.memory_space<vmem>> -> memref<16x768xf32, #tpu.memory_space<vmem>>
        %dma_wait3A_535 = arith.constant 0 : i32
        %dma_wait3A_536 = tpu.memref_slice %arg6[%mul3A_506, %dma_wait3A_535] : memref<32x768xf32, #tpu.memory_space<hbm>> -> memref<16x768xf32, #tpu.memory_space<hbm>>
        tpu.wait_dma2 semaphore(%run_scoped3A : memref<!tpu.dma_semaphore, #tpu.memory_space<semaphore_mem>>) src(%dma_wait3A_536 : memref<16x768xf32, #tpu.memory_space<hbm>>) dst(%dma_wait3A_534 : memref<16x768xf32, #tpu.memory_space<vmem>>)
        tpu.yield
      }) : () -> ()
      %dma_start3A = arith.constant 0 : i32
      %dma_start3A_507 = arith.constant 0 : i32
      %dma_start3A_508 = tpu.memref_slice %arg24[%dma_start3A, %dma_start3A_507] : memref<32x768xf32, #tpu.memory_space<vmem>> -> memref<16x768xf32, #tpu.memory_space<vmem>>
      %dma_start3A_509 = arith.constant 0 : i32
      %dma_start3A_510 = arith.constant 0 : i32
      %dma_start3A_511 = tpu.memref_slice %arg10[%dma_start3A_509, %dma_start3A_510] : memref<272x768xf32, #tpu.memory_space<hbm>> -> memref<272x768xf32, #tpu.memory_space<hbm>>
      tpu.enqueue_indirect_dma source(%dma_start3A_508 : memref<16x768xf32, #tpu.memory_space<vmem>>) target(%dma_start3A_511 : memref<272x768xf32, #tpu.memory_space<hbm>>) offsets(%arg28 : memref<16xi32, #tpu.memory_space<vmem>>) semaphore(%arg29 : memref<!tpu.dma_semaphore, #tpu.memory_space<semaphore_mem>>)
      %dma_wait3A = arith.constant 0 : i32
      %dma_wait3A_512 = arith.constant 0 : i32
      %dma_wait3A_513 = tpu.memref_slice %arg24[%dma_wait3A, %dma_wait3A_512] : memref<32x768xf32, #tpu.memory_space<vmem>> -> memref<16x768xf32, #tpu.memory_space<vmem>>
      %dma_wait3A_514 = arith.constant 0 : i32
      %dma_wait3A_515 = arith.constant 0 : i32
      %dma_wait3A_516 = tpu.memref_slice %arg10[%dma_wait3A_514, %dma_wait3A_515] : memref<272x768xf32, #tpu.memory_space<hbm>> -> memref<272x768xf32, #tpu.memory_space<hbm>>
      tpu.wait_indirect_dma semaphore(%arg29 : memref<!tpu.dma_semaphore, #tpu.memory_space<semaphore_mem>>) src(%dma_wait3A_513 : memref<16x768xf32, #tpu.memory_space<vmem>>) dst(%dma_wait3A_516 : memref<272x768xf32, #tpu.memory_space<hbm>>)
    } else {
    }
    return
  }
}

</mosaic_0001>

<sc_bundles>
// kernel: kernel.3.cloned.1.call-start
scs
__scs_entry_jumppad:
0x0: {  	(pc) =	sbr.rel $0x88, $3  }
0x1: {  	(tag) =	ssettag $0x0;
	lr =	simm.s32 $0x1  }
0x2: {  	[smem:$0x3F99] =	sst lr;
	_ =	strace $0xD0000000  }
0x3: {  	_ = 	snop  }
0x4: {  	_ = 	snop  }
0x5: {  	_ = 	snop  }
0x6: {  	_ = 	snop  }
0x7: {  	_ = 	snop  }
__scs_overlays_trampoline_lowered:
0x8: {  	[smem:$0x3FA8] =	sst s0  }
0x9: {  	[smem:$0x3FA9] =	sst s1  }
0xa: {  	[smem:$0x3FAA] =	sst s2  }
0xb: {  	[smem:$0x3FAB] =	sst s3  }
0xc: {  	[smem:$0x3FAC] =	sst s4  }
0xd: {  	[smem:$0x3FAD] =	sst s5  }
0xe: {  	[smem:$0x3FAE] =	sst s6  }
0xf: {  	[smem:$0x3FAF] =	sst s7  }
0x10: {  	[smem:$0x3FB0] =	sst s8  }
0x11: {  	[smem:$0x3FB1] =	sst s9;
	s0 =	simm.s32 @!p0 $0x0  }
0x12: {  	s1 =	sld [smem:$0x3F97];
	s0 =	simm.s32 @p0 $0x1  }
0x13: {  	[smem:$0x3FB2] =	sst s0;
	s0 =	simm.s32 @!p1 $0x0  }
0x14: {  	s2 =	sld [smem:$0x3F96];
	s0 =	simm.s32 @p1 $0x1  }
0x15: {  	[smem:$0x3FB3] =	sst s0;
	s0 =	simm.s32 @!p2 $0x0  }
0x16: {  	s3 =	sld [smem:$0x3FDB];
	s0 =	simm.s32 @p2 $0x1  }
0x17: {  	s4 =	simm.s32 $0x1BF5;
	[smem:$0x3FB5] =	sst s0  }
0x18: {  	s0 =	sld [smem:$0x3F98];
	_ =	swait.ge [sflag:s4], $0x0  }
0x19: {  	s7 =	sld [smem:$0x3F99]  }
0x1a: {  	s8 =	sadd.s32 $0xFFFFE003, lr  }
0x1b: {  	s9 =	sadd.s32 $0xFFFFFEF7, lr;
	s5 =	simm.s32 $0xFFFFFFFF;
	p2 =	slt.u32 s8, $0xFFFFF086  }
0x1c: {  	p1 =	slt.u32 s9, $0xF7A;
	s5 =	simm.s32 @!p2 $0x0  }
0x1d: {  	s5 =	simm.s32 @p1 $0x1;
	p0 =	seq.s32 s7, s2  }
0x1e: {  	s7 =	smul.u32 @!p0 $0xF7A, s2;
	p2 =	seq.s32 @!p0 s5, $0x0  }
0x1f: {  	s9 =	smul.u32 $0xF7A, s1;
	s8 =	simm.s32 @!p0 $0x1BF5;
	p2 =	por !p2, p0  }
0x20: {  	[sflag:s8] =	ssyncset.s32 @!p0 $0xFFFFF086;
	s6 =	sadd.s32 @!p0 s3, s7;
	s7 =	simm.s32 @!p0 $0x108  }
0x21: {  	s3 =	sadd.s32 s3, s9;
	s6 =	sadd.s32 @!p0 $0x88, s6;
	s7 =	simm.s32 @p2 $0x1082  }
0x22: {  	[simem:s7], [sflag:s8] =	dma.local @!p0 [hbm:s6], $0xF7A  }
0x23: {  	s9 =	sor.u32 $0xD0000000, s2;
	s6 =	simm.s32 $0x108;
	_ =	swait.ge @!p0 [sflag:s8], $0x0  }
0x24: {  	s3 =	sadd.s32 $0x88, s3;
	s6 =	simm.s32 @!p1 $0x1082;
	[sflag:s4] =	ssyncset.s32 $0xFFFFF086  }
0x25: {  	[simem:s6], [sflag:s4] =	dma.local [hbm:s3], $0xF7A  }
0x26: {  	[smem:$0x3F99] =	sst s1;
	(tag) =	ssettag s2;
	_ =	strace s9  }
0x27: {  	s1 =	sld [smem:$0x3FA9]  }
0x28: {  	s2 =	sld [smem:$0x3FAA]  }
0x29: {  	s4 =	sld [smem:$0x3FAC]  }
0x2a: {  	p0 =	seq.s32 s5, $0x0;
	s5 =	sld [smem:$0x3FAD]  }
0x2b: {  	s6 =	sld [smem:$0x3FAE]  }
0x2c: {  	s7 =	sld [smem:$0x3FAF]  }
0x2d: {  	s3 =	simm.s32 $0x108;
	s8 =	sld [smem:$0x3FB0]  }
0x2e: {  	s3 =	simm.s32 @!p0 $0x1082;
	s9 =	sld [smem:$0x3FB1]  }
0x2f: {  	lr =	sadd.s32 s0, s3;
	s0 =	sld [smem:$0x3FA8]  }
0x30: {  	s3 =	sld [smem:$0x3FAB]  }
0x31: {  	[smem:$0x3FB4] =	sst s10  }
0x32: {  	s10 =	sld [smem:$0x3FB2];
	_ =	sdelay $0x3  }
0x33: {  	p0 =	seq.s32 s10, $0x1;
	s10 =	sld [smem:$0x3FB4];
	_ =	sdelay $0x3  }
0x34: {  	[smem:$0x3FB4] =	sst s10  }
0x35: {  	s10 =	sld [smem:$0x3FB3];
	_ =	sdelay $0x3  }
0x36: {  	p1 =	seq.s32 s10, $0x1;
	s10 =	sld [smem:$0x3FB4];
	_ =	sdelay $0x3  }
0x37: {  	[smem:$0x3FB4] =	sst s10  }
0x38: {  	s10 =	sld [smem:$0x3FB5]  }
0x39: {  	_ = 	snop;
	(pc) =	sbr.ind lr, $3  }
0x3a: {  	_ = 	snop  }
0x3b: {  	_ = 	snop  }
0x3c: {  	p2 =	seq.s32 s10, $0x1;
	s10 =	sld [smem:$0x3FB4]  }
0x3d: {  	_ =	shalt  }
0x3e: {  	_ =	shalt  }
0x3f: {  	_ =	shalt  }
0x40: {  	_ =	shalt  }
0x41: {  	_ =	shalt  }
0x42: {  	_ =	shalt  }
0x43: {  	_ =	shalt  }
0x44: {  	_ =	shalt  }
0x45: {  	_ =	shalt  }
0x46: {  	_ =	shalt  }
0x47: {  	_ =	shalt  }
0x48: {  	_ =	shalt  }
0x49: {  	_ =	shalt  }
0x4a: {  	_ =	shalt  }
0x4b: {  	_ =	shalt  }
0x4c: {  	_ =	shalt  }
0x4d: {  	_ =	shalt  }
0x4e: {  	_ =	shalt  }
0x4f: {  	_ =	shalt  }
0x50: {  	_ =	shalt  }
0x51: {  	_ =	shalt  }
0x52: {  	_ =	shalt  }
0x53: {  	_ =	shalt  }
0x54: {  	_ =	shalt  }
0x55: {  	_ =	shalt  }
0x56: {  	_ =	shalt  }
0x57: {  	_ =	shalt  }
0x58: {  	_ =	shalt  }
0x59: {  	_ =	shalt  }
0x5a: {  	_ =	shalt  }
0x5b: {  	_ =	shalt  }
0x5c: {  	_ =	shalt  }
0x5d: {  	_ =	shalt  }
0x5e: {  	_ =	shalt  }
0x5f: {  	_ =	shalt  }
0x60: {  	_ =	shalt  }
0x61: {  	_ =	shalt  }
0x62: {  	_ =	shalt  }
0x63: {  	_ =	shalt  }
0x64: {  	_ =	shalt  }
0x65: {  	_ =	shalt  }
0x66: {  	_ =	shalt  }
0x67: {  	_ =	shalt  }
0x68: {  	_ =	shalt  }
0x69: {  	_ =	shalt  }
0x6a: {  	_ =	shalt  }
0x6b: {  	_ =	shalt  }
0x6c: {  	_ =	shalt  }
0x6d: {  	_ =	shalt  }
0x6e: {  	_ =	shalt  }
0x6f: {  	_ =	shalt  }
0x70: {  	_ =	shalt  }
0x71: {  	_ =	shalt  }
0x72: {  	_ =	shalt  }
0x73: {  	_ =	shalt  }
0x74: {  	_ =	shalt  }
0x75: {  	_ =	shalt  }
0x76: {  	_ =	shalt  }
0x77: {  	_ =	shalt  }
0x78: {  	_ =	shalt  }
0x79: {  	_ =	shalt  }
0x7a: {  	_ =	shalt  }
0x7b: {  	_ =	shalt  }
0x7c: {  	_ =	shalt  }
0x7d: {  	_ =	shalt  }
0x7e: {  	_ =	shalt  }
0x7f: {  	_ =	shalt  }
0x80: {  	_ =	shalt  }
0x81: {  	_ =	shalt  }
0x82: {  	_ =	shalt  }
0x83: {  	_ =	shalt  }
0x84: {  	_ =	shalt  }
0x85: {  	_ =	shalt  }
0x86: {  	_ =	shalt  }
0x87: {  	_ =	shalt  }
.Lfunc_end0:
.L_simem_size_0:
called_computation_lowered:
.L_overlay_start_0:
0x88: {  	s2 =	sld [smem:$0x3FD9]  }
0x89: {  	s3 =	sld [smem:$0x3FFE];
	_ =	sdelay $0x1  }
0x8a: {  	s1 =	srdreg.scid  }
0x8b: {  	s0 =	sand.u32 $0x1, s1  }
0x8c: {  	s14 =	sshll.u32 s0, $0xA;
	s2 =	sadd.s32 s3, s2  }
0x8d: {  	s2 =	sadd.s32 s2, s14  }
0x8e: {  	[smem:$0x3FC0] =	sst s2  }
0x8f: {  	_ = 	snop  }
0x90: {  	s2 =	sld [smem:$0x3FD0]  }
0x91: {  	s15 =	sld [smem:$0x3FC8]  }
0x92: {  	s4 =	sld [smem:$0x3FC7]  }
0x93: {  	s6 =	simm.s32 $0xA;
	s7 =	simm.s32 $0x10;
	s5 =	sld [smem:$0x3FC6]  }
0x94: {  	[smem:s7], [sflag:s6] =	dma.local [hbm:s2], $0x1  }
0x95: {  	_ =	swait.eq [sflag:s6], $0x1  }
0x96: {  	s16 =	sld [smem:$0x10];
	[sflag:s6] =	ssyncset.done $0x0  }
0x97: {  	s17 =	sld [smem:$0x11];
	[sflag:s6] =	ssyncadd.s32 $0xFFFFFFFF  }
0x98: {  	s18 =	sld [smem:$0x12];
	(tm) =	ssettm $0x1  }
0x99: {  	s8 =	sld [smem:$0x3FFB];
	_ =	sdelay $0x3  }
0x9a: {  	_ =	strace s8  }
0x9b: {  	s8 =	sld [smem:$0x3FFC];
	_ =	sdelay $0x3  }
0x9c: {  	_ =	strace s8  }
0x9d: {  	s8 =	sld [smem:$0x3FFD];
	_ =	sdelay $0x3  }
0x9e: {  	_ =	strace s8  }
0x9f: {  	_ =	strace $0x8FFFFFFF  }
0xa0: {  	s19 =	sld [smem:$0x3FDB];
	_ =	sdelay $0x1  }
0xa1: {  	s9 =	simm.s32 $_scs_section_size  }
0xa2: {  	s10 =	simm.s32 $_size__tile_overlayer_lowered;
	s11 =	simm.s32 $_tile_overlayer_lowered  }
0xa3: {  	s22 =	simm.s32 $0x1BFF;
	s21 =	sshll.u32 s11, $0x1;
	s8 =	sadd.s32 s9, s19  }
0xa4: {  	s12 =	simm.s32 $0x0;
	s20 =	sshll.u32 s10, $0x1;
	s10 =	sadd.s32 s21, s8  }
0xa5: {  	[timem:s12], [sflag:s22] =	dma.local [hbm:s10], s20  }
0xa6: {  	_ =	swait.ge [sflag:s22], s20  }
0xa7: {  	s9 =	ssub.s32 $0x0, s20;
	[sflag:s22] =	ssyncset.done $0x0  }
0xa8: {  	[sflag:s22] =	ssyncadd.s32 s9;
	_ =	sdelay $0x1  }
0xa9: {  	s23 =	simm.s32 $0x1B8B  }
0xaa: {  	_ =	swait.ge [sflag:s23], $0x1  }
0xab: {  	[sflag:s23] =	ssyncset.done $0x0  }
0xac: {  	s25 =	simm.s32 $0x1B8E;
	s24 =	sld [smem:$0x3FFE];
	[sflag:s23] =	ssyncadd.s32 $0xFFFFFFFF  }
0xad: {  	s26 =	simm.s32 $execute0_lowered;
	[smem:$0x3FD2] =	sst s25  }
0xae: {  	s10 =	sshll.u32 s26, $0x1;
	_ =	strace $0x80000046;
	[dreg:$0x1] =	wrdreg $0xFFFFFFFF  }
0xaf: {  	s28 =	simm.s32 $_size_execute0_lowered;
	s8 =	sadd.s32 s8, s10;
	[dreg:$0x0] =	wrdreg $0x0  }
0xb0: {  	s10 =	sshll.u32 s28, $0x1;
	[dreg:$0x2] =	wrdreg s8  }
0xb1: {  	[dreg:$0x3] =	wrdreg s10  }
0xb2: {  	[dreg:$0x4] =	wrdreg $0xC0  }
0xb3: {  	_ =	task [dreg:s12], $0x5FFFF  }
0xb4: {  	[dreg:$0x1] =	wrdreg $0xFFFFFFFF  }
0xb5: {  	[dreg:$0x0] =	wrdreg $0x60  }
0xb6: {  	[dreg:$0x2] =	wrdreg s17  }
0xb7: {  	[dreg:$0x3] =	wrdreg s15  }
0xb8: {  	[dreg:$0x4] =	wrdreg s4  }
0xb9: {  	[dreg:$0x5] =	wrdreg s5  }
0xba: {  	[dreg:$0x6] =	wrdreg s24  }
0xbb: {  	[dreg:$0x7] =	wrdreg s18  }
0xbc: {  	[dreg:$0x8] =	wrdreg s16  }
0xbd: {  	[dreg:$0x9] =	wrdreg $0x9  }
0xbe: {  	_ =	task.clear_ibuf [dreg:s12], $0xAFFFF;
	_ =	strace $0x90000046  }
0xbf: {  	s29 =	simm.s32 $0x9;
	_ =	strace $0x80000048  }
0xc0: {  	_ =	swait.ge [sflag:s29], $0x1  }
0xc1: {  	[sflag:s29] =	ssyncadd.s32 $0xFFFFFFFF  }
0xc2: {  	_ =	strace $0x90000048  }
0xc3: {  	_ =	sfence  }
0xc4: {  	s30 =	sld [smem:$0x0];
	_ =	sdelay $0x2  }
0xc5: {  	s31 =	sshll.u32 s1, $0xD;
	s1 =	sshrl.u32 s1, $0x2  }
0xc6: {  	s3 =	sand.u32 $0x4000, s31;
	s1 =	sadd.s32 s1, s30  }
0xc7: {  	s0 =	sor.u32 s3, s0;
	s1 =	sshll.u32 s1, $0x11  }
0xc8: {  	s0 =	sor.u32 s1, s0  }
0xc9: {  	s0 =	sadd.s32 $0x8F2B, s0  }
0xca: {  	[sflag:s0] =	ssyncadd.remote.s32 $0x1  }
0xcb: {  	_ =	sfence.sel $0xFFFF  }
0xcc: {  	[dreg:$0x0] =	wrdreg $0xFFFFFFFF;
	(pc) =	sbr.abs _section_cstart, $3  }
0xcd: {  	[dreg:$0x1] =	wrdreg $0xFFFFFFFF  }
0xce: {  	_ =	task.clear_ibuf [dreg:s12], $0x2FFFF;
	_ =	strace $0x9FFFFFFF  }
0xcf: {  	(tm) =	ssettm $0x7FFFFFFF  }
tec
execute0_lowered:
.L_overlay_start_1:
0x0: {  	(tag) =	ssettag $0x1  }
0x1: {  	s4 =	rddreg [dreg:$0x0]  }
0x2: {  	s2 =	rddreg [dreg:$0x2]  }
0x3: {  	s0 =	srdreg.scid;
	s3 =	rddreg [dreg:$0x3]  }
0x4: {  	s21 =	stileid.u32;
	s5 =	simm.s32 $0x1;
	s9 =	rddreg [dreg:$0x4]  }
0x5: {  	s10 =	rddreg [dreg:$0x5];
	s6 =	simm.s32 $0x0;
	s29 =	simm.s32 $0x400  }
0x6: {  	s30 =	simm.s32 $0xA00;
	s0 =	sand.u32 $0x1, s0;
	s1 =	sshll.u32 s21, $0x1  }
0x7: {  	s31 =	simm.s32 $0x600;
	[smem:$0x7FF] =	sst s6;
	s8 =	sor.u32 s0, s1  }
0x8: {  	s22 =	sadd.s32 $0x1C00, s9;
	p1 =	seq.s32 s0, $0x1;
	p0 =	seq.s32 s8, $0x0  }
0x9: {  	s1 =	rddreg [dreg:$0x1];
	s23 =	ssub.s32 $0x2, s0;
	p0 =	por !p0, !p1  }
0xa: {  	s0 =	sshll.u32 s0, $0x9;
	s13 =	sshrl.u32 s23, $0x1;
	p0 =	por !p0, !p0  }
0xb: {  	s18 =	ssub.s32 s23, s13;
	s5 =	simm.s32 @!p0 $0x0;
	p0 =	sgt.u32 s21, $0x7  }
0xc: {  	s14 =	ssub.s32 s21, s5;
	s5 =	rddreg [dreg:$0x6];
	_ =	strace $0x80000047  }
0xd: {  	[dreg:$0x8] =	wrdreg s22;
	s7 =	sshll.u32 s14, $0x1;
	s25 =	sshll.u32 s14, $0x5  }
0xe: {  	s13 =	sadd.s32 $0x100, s5;
	s26 =	sshll.u32 s14, $0x8;
	s14 =	sadd.s32 $0x200, s5  }
0xf: {  	s15 =	ssub.s32 s8, s7;
	s7 =	simm.s32 $0x1;
	s8 =	sshll.u32 s8, $0x6  }
0x10: {  	s11 =	smul.u32 $0x600, s15;
	s12 =	sadd.s32 s8, s9;
	s8 =	sadd.s32 s4, s8  }
0x11: {  	s17 =	sshll.u32 s15, $0x4;
	s19 =	smul.u32 $0x7530, s15;
	s15 =	sadd.s32 $0x100, s2  }
0x12: {  	[dreg:$0x9] =	wrdreg s8;
	s24 =	sadd.s32 $0x1400, s12;
	s12 =	sadd.s32 $0x200, s1  }
0x13: {  	s8 =	sadd.s32 s25, s17;
	s17 =	sand.u32 $0x1FFFFF00, s26;
	s25 =	sadd.s32 $0x1D00, s9  }
0x14: {  	s26 =	sadd.s32 $0x1E00, s9;
	s16 =	sadd.s32 s11, s9;
	[dreg:$0xa] =	wrdreg s24  }
0x15: {  	s11 =	sadd.s32 $0x100, s1;
	s28 =	sshrl.u32 s8, $0x3;
	s4 =	sadd.s32 s4, s17  }
0x16: {  	s19 =	sshrl.u32 s19, $0x3;
	s17 =	sadd.s32 $0x200, s2;
	[dreg:$0x10] =	wrdreg s25  }
0x17: {  	s24 =	sshll.u32 s21, $0xA;
	[dreg:$0x11] =	wrdreg s26;
	s25 =	sadd.s32 $0x100, s3  }
0x18: {  	s26 =	sadd.s32 $0x200, s3;
	[dreg:$0xb] =	wrdreg s4;
	s4 =	sadd.s32 s10, s19  }
0x19: {  	s9 =	simm.s32 $0xDA00;
	s23 =	sadd.s32 $0x800, s16;
	[dreg:$0xc] =	wrdreg s4  }
.Ltmp0:
0x1a: {  	s0 =	sor.u32 s0, s24;
	[dreg:$0xe] =	wrdreg s23;
	(pc) =	sbr.rel .LBB2_1-.Ltmp0, $4  }
0x1b: {  	v0 =	vlaneseq.u32;
	s20 =	smul.u32 $0x300, s28;
	s28 =	smax.u32 s18, $0x1;
	[dreg:$0xf] =	wrdreg s0  }
0x1c: {  	v2 =	vimm.s32 $0x0;
	vm0 =	vmmov $0xffff;
	v6 =	vimm.s32 $0x1;
	s16 =	simm.s32 $0xE00;
	s10 =	simm.s32 $0x14F80;
	[dreg:$0x12] =	wrdreg s28  }
0x1d: {  	v7 =	vimm.f32 $0.0e+00;
	v4 =	vshrl.u32 v0, $0x3;
	v3 =	vand.u32 $0x7, v0;
	s4 =	simm.s32 $0xC00;
	s0 =	simm.s32 $0x800;
	s22 =	sadd.s32 s22, s20  }
0x1e: {  	v5 =	vor.u32 $0x8, v0;
	v4 =	vmul.u32 $0x8, v4;
	v1 =	vmov s8;
	s23 =	simm.s32 $0x0;
	s20 =	simm.s32 $0x7200;
	[dreg:$0xd] =	wrdreg s22  }
.LBB2_50:
0x1f: {  	s19 =	smul.u32 $0x6000, s19;
	[tilespmem:s18+$0x2630] =	vst v7  }
0x20: {  	[tilespmem:s18+$0x2640] =	vst v7;
	s8 =	sadd.s32 $0x80, s8  }
0x21: {  	[tilespmem:s18+$0x2650] =	vst v7;
	s8 =	sand.u32 $0x380, s8;
	s19 =	sshra.s32 s19, $0x2  }
0x22: {  	[tilespmem:s18+$0x2660] =	vst v7;
	s8 =	sor.u32 s8, s19  }
0x23: {  	[tilespmem:s8+$0x2670] =	vst v7  }
0x24: {  	[tilespmem:s8+$0x1200] =	vst v7  }
0x25: {  	[tilespmem:s8+$0x1210] =	vst v7  }
0x26: {  	[tilespmem:s8+$0x1220] =	vst v7  }
0x27: {  	[tilespmem:s8+$0x1230] =	vst v7  }
0x28: {  	[tilespmem:s8+$0x1240] =	vst v7  }
0x29: {  	[tilespmem:s8+$0x1250] =	vst v7  }
0x2a: {  	[tilespmem:s8+$0x1260] =	vst v7  }
0x2b: {  	[tilespmem:s8+$0x1270] =	vst v7  }
0x2c: {  	[tilespmem:s8+$0x1600] =	vst v7  }
0x2d: {  	[tilespmem:s8+$0x1610] =	vst v7  }
0x2e: {  	[tilespmem:s8+$0x1620] =	vst v7  }
0x2f: {  	[tilespmem:s8+$0x1630] =	vst v7  }
0x30: {  	[tilespmem:s8+$0x1640] =	vst v7  }
0x31: {  	[tilespmem:s8+$0x1650] =	vst v7  }
0x32: {  	[tilespmem:s8+$0x1660] =	vst v7  }
0x33: {  	[tilespmem:s8+$0x1670] =	vst v7  }
0x34: {  	[tilespmem:s8+$0x1A00] =	vst v7  }
0x35: {  	[tilespmem:s8+$0x1A10] =	vst v7  }
0x36: {  	[tilespmem:s8+$0x1A20] =	vst v7  }
0x37: {  	[tilespmem:s8+$0x1A30] =	vst v7  }
0x38: {  	[tilespmem:s8+$0x1A40] =	vst v7  }
0x39: {  	[tilespmem:s8+$0x1A50] =	vst v7  }
0x3a: {  	[tilespmem:s8+$0x1A60] =	vst v7  }
0x3b: {  	[tilespmem:s8+$0x1A70] =	vst v7  }
0x3c: {  	[tilespmem:s8+$0x1E00] =	vst v7  }
0x3d: {  	[tilespmem:s8+$0x1E10] =	vst v7  }
0x3e: {  	[tilespmem:s8+$0x1E20] =	vst v7  }
0x3f: {  	[tilespmem:s8+$0x1E30] =	vst v7  }
0x40: {  	[tilespmem:s8+$0x1E40] =	vst v7  }
0x41: {  	[tilespmem:s8+$0x1E50] =	vst v7  }
0x42: {  	[tilespmem:s8+$0x1E60] =	vst v7  }
0x43: {  	[tilespmem:s8+$0x1E70] =	vst v7  }
0x44: {  	[tilespmem:s8+$0x2200] =	vst v7  }
0x45: {  	[tilespmem:s8+$0x2210] =	vst v7  }
0x46: {  	[tilespmem:s8+$0x2220] =	vst v7  }
0x47: {  	[tilespmem:s8+$0x2230] =	vst v7  }
0x48: {  	[tilespmem:s8+$0x2240] =	vst v7  }
0x49: {  	[tilespmem:s8+$0x2250] =	vst v7  }
0x4a: {  	[tilespmem:s8+$0x2260] =	vst v7  }
0x4b: {  	[tilespmem:s8+$0x2270] =	vst v7  }
0x4c: {  	[tilespmem:s8+$0x2600] =	vst v7  }
0x4d: {  	[tilespmem:s8+$0x2610] =	vst v7  }
0x4e: {  	[tilespmem:s8+$0x2620] =	vst v7  }
0x4f: {  	[tilespmem:s8+$0x2630] =	vst v7  }
0x50: {  	[tilespmem:s8+$0x2640] =	vst v7  }
0x51: {  	[tilespmem:s8+$0x2650] =	vst v7  }
0x52: {  	s20 =	simm.s32 $0x5;
	s19 =	rddreg [dreg:$0xd];
	[tilespmem:s8+$0x2660] =	vst v7  }
0x53: {  	[hbm4b:s19+s6] =	stream.linear.scatter [tilespmem:s28], [sflag:$0x5], $0x3000, $0x38;
	[tilespmem:$0x15080] =	vst v63  }
0x54: {  	_ =	swait.ge [sflag:s20], $0x3000  }
0x55: {  	[sflag:s20] =	ssyncset.done $0x0  }
0x56: {  	s22 =	simm.s32 $0x7200;
	s21 =	rddreg [dreg:$0xe];
	[sflag:s20] =	ssyncadd.s32 $0xFFFFD000  }
0x57: {  	[tilespmem:s22], [sflag:$0x5] =	stream.linear.gather [hbm4b:s21+s6], $0x3000, $0x38;
	[tilespmem:$0x15080] =	vst v63  }
0x58: {  	_ =	swait.ge [sflag:s20], $0x3000  }
0x59: {  	[sflag:s20] =	ssyncset.done $0x0  }
0x5a: {  	[sflag:s20] =	ssyncadd.s32 $0xFFFFD000  }
0x5b: {  	v8 =	vld [tilespmem:$0x15000];
	_ =	sdelay $0x4  }
0x5c: {  	v9 =	vshrl.u32 v8, $0x3  }
0x5d: {  	v9 =	vmul.u32 $0x30, v9  }
0x5e: {  	v8 =	vand.u32 $0x7, v8  }
0x5f: {  	v8 =	vor.u32 v8, v9  }
0x60: {  	v9 =	vperm.xlane v8, v3;
	_ =	sdelay $0x1  }
0x61: {  	v9 =	vadd.s32 v4, v9;
	_ =	sdelay $0x3  }
0x62: {  	s24 =	rddreg [dreg:$0x8];
	v8 =	vperm.xlane v8, v5  }
0x63: {  	[hbm4b:s24+s6] =	stream.indirect_vreg.scatter [tilespmem:s22], [sflag:$0x1], $0x80, v9, vm0, $0xb8;
	[tilespmem:$0x15080] =	vst v63  }
0x64: {  	s21 =	simm.s32 $0x7A00;
	s28 =	rddreg [dreg:$0x10];
	v8 =	vadd.s32 v4, v8  }
0x65: {  	[hbm4b:s28+s6] =	stream.indirect_vreg.scatter [tilespmem:s21], [sflag:$0x1], $0x80, v9, vm0, $0xb8;
	[tilespmem:$0x15080] =	vst v63  }
0x66: {  	s19 =	rddreg [dreg:$0x11];
	s21 =	simm.s32 $0x8200  }
0x67: {  	[hbm4b:s19+s6] =	stream.indirect_vreg.scatter [tilespmem:s21], [sflag:$0x1], $0x80, v9, vm0, $0xb8;
	[tilespmem:$0x15080] =	vst v63  }
0x68: {  	s22 =	simm.s32 $0x8A00  }
0x69: {  	[hbm4b:s24+s6] =	stream.indirect_vreg.scatter [tilespmem:s22], [sflag:$0x1], $0x80, v8, vm0, $0xb8;
	[tilespmem:$0x15080] =	vst v63  }
0x6a: {  	s24 =	simm.s32 $0x9200  }
0x6b: {  	[hbm4b:s28+s6] =	stream.indirect_vreg.scatter [tilespmem:s24], [sflag:$0x1], $0x80, v8, vm0, $0xb8;
	[tilespmem:$0x15080] =	vst v63  }
0x6c: {  	s28 =	simm.s32 $0x9A00  }
0x6d: {  	[hbm4b:s19+s6] =	stream.indirect_vreg.scatter [tilespmem:s28], [sflag:$0x1], $0x80, v8, vm0, $0xb8;
	[tilespmem:$0x15080] =	vst v63  }
0x6e: {  	_ =	swait.ge [sflag:s7], $0x3000  }
0x6f: {  	[sflag:s7] =	ssyncset.done $0x0  }
0x70: {  	s20 =	simm.s32 $0x7200;
	[sflag:s7] =	ssyncadd.s32 $0xFFFFD000  }
.LBB2_51:
0x71: {  	s23 =	sadd.s32 $0x1, s23;
	s8 =	rddreg [dreg:$0x12]  }
0x72: {  	p1 =	sne.s32 s23, s8  }
.Ltmp1:
0x73: {  	_ = 	snop;
	(pc) =	sbr.rel @!p1 .LBB2_52-.Ltmp1, $1  }
0x74: {  	_ =	sdelay $0x3  }
.LBB2_1:
0x75: {  	[dreg:$0x13] =	wrdreg s23  }
0x76: {  	s8 =	rddreg [dreg:$0x9];
	s24 =	simm.s32 $0x5  }
0x77: {  	[tilespmem:s6], [sflag:$0x5] =	stream.linear.gather [hbm4b:s8+s6], $0x200, $0x38;
	[tilespmem:$0x15080] =	vst v63  }
0x78: {  	_ =	swait.ge [sflag:s24], $0x200  }
0x79: {  	[sflag:s24] =	ssyncset.done $0x0  }
0x7a: {  	s28 =	simm.s32 $0x0;
	[sflag:s24] =	ssyncadd.s32 $0xFFFFFE00  }
0x7b: {  	v10 =	vld [tilespmem:s28+$0x0];
	_ =	sdelay $0x4  }
0x7c: {  	vm2 =	vlt.s32 v10, $0xC451  }
0x7d: {  	v8 =	vadd.s32 $0xFFFF3BAF, v10;
	v9 =	vsel vm2, $0x1, v2  }
0x7e: {  	vm3 =	vlt.u32 v8, $0x2710;
	(xrf0) =	vadd.scan.msk.s32 $0xffff, v9  }
0x7f: {  	v9 =	vsel vm3, $0x1, v2  }
0x80: {  	vm1 =	vgt.s32 v10, $0xEB60;
	(xrf0) =	vadd.scan.msk.s32 $0xffff, v9  }
0x81: {  	v9 =	vsel vm1, $0x1, v2  }
0x82: {  	(xrf0) =	vadd.scan.msk.s32 $0xffff, v9;
	_ =	sdelay $0x1  }
0x83: {  	v9, _, _ =	vpop (xrf0)  }
0x84: {  	v9 =	vadd.s32 v9, v2  }
0x85: {  	v11, _, _ =	vpop (xrf0);
	v9 =	vadd.s32 $0xFFFFFFFF, v9  }
0x86: {  	v11 =	vadd.s32 v11, v2  }
0x87: {  	vm4 =	vge.s32 v10, $0xC451;
	v12, _, _ =	vpop (xrf0);
	v11 =	vadd.s32 $0xFFFFFFFF, v11  }
0x88: {  	v13 =	vsel vm4, $0x1, v2;
	v12 =	vadd.s32 v12, v2  }
0x89: {  	s8 =	rddreg [dreg:$0xf];
	[tilespmem:s28+$0x200] =	vst v13;
	v14 =	vadd.s32 $0xFFFFFFFF, v12  }
0x8a: {  	v15 =	vor.u32 s8, v0;
	v12 =	vmpcnt.ones.xlane vm2;
	[tilespmem:v9+s29+$0x0] =	vst.idx.msk vm2, v10  }
0x8b: {  	v17 =	vmpcnt.ones.xlane vm1;
	v16 =	vmpcnt.ones.xlane vm3;
	v10 =	vadd.s32 $0xFFFF149F, v10;
	[tilespmem:v9+s30+$0x0] =	vst.idx.msk vm2, v15  }
0x8c: {  	v13 =	vadd.s32 v2, v12;
	[tilespmem:v11+s31+$0x0] =	vst.idx.msk vm3, v8  }
0x8d: {  	v9 =	vadd.s32 v2, v16;
	v8 =	vadd.s32 v2, v17;
	[tilespmem:v11+s4+$0x0] =	vst.idx.msk vm3, v15  }
0x8e: {  	s18 =	simm.s32 $0x40;
	s19 =	simm.s32 $0x80;
	v12 =	vmov v13;
	v11 =	vmov v9;
	[tilespmem:v14+s0+$0x0] =	vst.idx.msk vm1, v10;
	v10 =	vmov v8  }
.LBB2_2:
0x8f: {  	s22 =	sshra.s32 s18, $0x2  }
0x90: {  	[tilespmem:v14+s16+$0x0] =	vst.idx.msk vm1, v15;
	s8 =	sadd.s32 $0x10, s8;
	s18 =	smov.u32 s19;
	s21 =	sadd.s32 $0x40, s19  }
0x91: {  	p1 =	sne.s32 s19, $0x7C0;
	v16 =	vld [tilespmem:s22+$0x0];
	_ =	sdelay $0x4  }
0x92: {  	vm2 =	vlt.s32 v16, $0xC451;
	vm1 =	vge.s32 v16, $0xC451  }
0x93: {  	v17 =	vadd.s32 $0xFFFF3BAF, v16;
	v14 =	vsel vm1, $0x1, v2;
	v15 =	vsel vm2, $0x1, v2  }
0x94: {  	vm3 =	vlt.u32 v17, $0x2710;
	v18 =	vmpcnt.ones.xlane vm2;
	(xrf0) =	vadd.scan.msk.s32 $0xffff, v15  }
0x95: {  	v15 =	vsel vm3, $0x1, v2;
	v19 =	vmpcnt.ones.xlane vm3  }
0x96: {  	vm1 =	vgt.s32 v16, $0xEB60;
	v13 =	vadd.s32 v13, v18;
	(xrf0) =	vadd.scan.msk.s32 $0xffff, v15  }
0x97: {  	v18 =	vmpcnt.ones.xlane vm1;
	v9 =	vadd.s32 v9, v19;
	v15 =	vsel vm1, $0x1, v2  }
0x98: {  	(xrf0) =	vadd.scan.msk.s32 $0xffff, v15  }
0x99: {  	v8 =	vadd.s32 v8, v18  }
0x9a: {  	v15, _, _ =	vpop (xrf0)  }
0x9b: {  	v19 =	vadd.s32 v15, v12;
	v12 =	vmov v13  }
0x9c: {  	v18 =	vadd.s32 $0xFFFFFFFF, v19;
	v15, _, _ =	vpop (xrf0)  }
0x9d: {  	v20 =	vadd.s32 v15, v11;
	v11 =	vmov v9  }
0x9e: {  	v19 =	vadd.s32 $0xFFFFFFFF, v20;
	v15, _, _ =	vpop (xrf0)  }
0x9f: {  	v15 =	vadd.s32 v15, v10;
	v10 =	vmov v8  }
0xa0: {  	[tilespmem:s22+$0x200] =	vst v14;
	v14 =	vadd.s32 $0xFFFFFFFF, v15  }
.Ltmp2:
0xa1: {  	v15 =	vor.u32 s8, v0;
	[tilespmem:v18+s29+$0x0] =	vst.idx.msk vm2, v16;
	(pc) =	sbr.rel @p1 .LBB2_2-.Ltmp2, $4  }
0xa2: {  	[tilespmem:v18+s30+$0x0] =	vst.idx.msk vm2, v15  }
0xa3: {  	[tilespmem:v19+s31+$0x0] =	vst.idx.msk vm3, v17  }
0xa4: {  	v16 =	vadd.s32 $0xFFFF149F, v16;
	[tilespmem:v19+s4+$0x0] =	vst.idx.msk vm3, v15  }
0xa5: {  	s19 =	smov.u32 s21;
	[tilespmem:v14+s0+$0x0] =	vst.idx.msk vm1, v16  }
0xa6: {  	_ =	sdelay $0x4  }
0xa7: {  	s18 =	sshra.s32 s18, $0x2;
	[tilespmem:v14+s16+$0x0] =	vst.idx.msk vm1, v15  }
0xa8: {  	v14 =	vld [tilespmem:s18+$0x0];
	_ =	sdelay $0x4  }
0xa9: {  	vm3 =	vlt.s32 v14, $0xC451;
	v15 =	vadd.s32 $0xFFFF3BAF, v14  }
0xaa: {  	v16 =	vsel vm3, $0x1, v2;
	vm2 =	vlt.u32 v15, $0x2710;
	v17 =	vmpcnt.ones.xlane vm3  }
0xab: {  	vm1 =	vgt.s32 v14, $0xEB60;
	(xrf0) =	vadd.scan.msk.s32 $0xffff, v16;
	v16 =	vsel vm2, $0x1, v2  }
0xac: {  	v13 =	vadd.s32 v13, v17;
	(xrf0) =	vadd.scan.msk.s32 $0xffff, v16;
	v16 =	vsel vm1, $0x1, v2  }
0xad: {  	(xrf0) =	vadd.scan.msk.s32 $0xffff, v16;
	v13 =	vxor.u32 $0x80000000, v13  }
0xae: {  	(xrf0) =	vmax.scan.msk.u32 $0xffff, v13;
	_ =	sdelay $0x2  }
0xaf: {  	v13, _, _ =	vpop (xrf0)  }
0xb0: {  	v16, _, _ =	vpop (xrf0)  }
0xb1: {  	v17, _, _ =	vpop (xrf0)  }
0xb2: {  	v18, _, _ =	vpop (xrf0)  }
0xb3: {  	(v2sf) =	vpush v18, $0xF;
	_ =	sdelay $0x1  }
0xb4: {  	v12 =	vadd.s32 v13, v12  }
0xb5: {  	v12 =	vadd.s32 $0xFFFFFFFF, v12  }
0xb6: {  	v11 =	vadd.s32 v16, v11  }
0xb7: {  	vm4 =	vge.s32 v14, $0xC451;
	v11 =	vadd.s32 $0xFFFFFFFF, v11  }
0xb8: {  	v13 =	vsel vm4, $0x1, v2;
	v10 =	vadd.s32 v17, v10  }
0xb9: {  	s8 =	sadd.s32 $0x10, s8;
	[tilespmem:s18+$0x200] =	vst v13;
	v10 =	vadd.s32 $0xFFFFFFFF, v10  }
0xba: {  	v13 =	vor.u32 s8, v0;
	[tilespmem:v12+s29+$0x0] =	vst.idx.msk vm3, v14  }
0xbb: {  	[tilespmem:v12+s30+$0x0] =	vst.idx.msk vm3, v13  }
0xbc: {  	[tilespmem:v11+s31+$0x0] =	vst.idx.msk vm2, v15  }
0xbd: {  	v12 =	vadd.s32 $0xFFFF149F, v14;
	[tilespmem:v11+s4+$0x0] =	vst.idx.msk vm2, v13  }
0xbe: {  	[tilespmem:v10+s0+$0x0] =	vst.idx.msk vm1, v12  }
0xbf: {  	s28 =	rddreg [dreg:$0xa];
	s21 =	simm.s32 $0x200;
	s18 =	simm.s32 $0x0;
	[tilespmem:v10+s16+$0x0] =	vst.idx.msk vm1, v13  }
0xc0: {  	[hbm4b:s28+s18] =	stream.linear.scatter [tilespmem:s21], [sflag:$0x5], $0x200, $0x38;
	[tilespmem:$0x15080] =	vst v63  }
0xc1: {  	s22 =	simm.s32 $0x5;
	s19 =	spop (v2sf)  }
0xc2: {  	_ =	swait.ge [sflag:s22], $0x200;
	s23 =	sadd.s32 $0x8000001F, s19  }
0xc3: {  	[sflag:s22] =	ssyncset.done $0x0;
	s24 =	sand.u32 $0x1F, s23;
	p1 =	slt.s32 s23, $0x1  }
0xc4: {  	[sflag:s22] =	ssyncadd.s32 $0xFFFFFE00;
	s22 =	sshra.s32 s23, $0x1F;
	p2 =	sne.s32 s24, $0x0  }
0xc5: {  	s8 =	simm.s32 $0x400;
	s22 =	sshrl.u32 s22, $0x1B;
	p1 =	por !p1, !p2  }
0xc6: {  	s22 =	sadd.s32 s22, s23;
	p1 =	por !p1, !p1;
	s23 =	simm.s32 $0x1  }
0xc7: {  	v12 =	vmpcnt.ones.xlane vm2;
	s21 =	simm.s32 $0xA00;
	v10 =	vld.msk [tilespmem:s8+$0x0], $0xffff;
	s22 =	sshra.s32 s22, $0x5;
	s23 =	simm.s32 @!p1 $0x0  }
0xc8: {  	v13 =	vmpcnt.ones.xlane vm1;
	v11 =	vld.msk [tilespmem:s21+$0x0], $0xffff;
	s22 =	ssub.s32 s22, s23  }
0xc9: {  	v14 =	vadd.s32 v9, v12;
	s24 =	sxor.u32 $0x80000000, s19;
	v15 =	vld [tilespmem:s8+$0x0];
	s28 =	sshll.u32 s22, $0x5  }
0xca: {  	v8 =	vadd.s32 v8, v13;
	v9 =	vmov s24;
	v13 =	vld [tilespmem:s21+$0x0];
	[dreg:$0x16] =	wrdreg s22;
	s22 =	simm.s32 $0x10;
	v12 =	vmov s28  }
.LBB2_4:
0xcb: {  	p1 =	sne.s32 s22, $0x1F0;
	v16 =	vor.u32 s18, v0;
	s18 =	smov.u32 s22  }
0xcc: {  	vm1 =	vge.s32 v16, v9;
	vm2 =	vlt.s32 v16, v12  }
0xcd: {  	vm1 =	vmand vm1, vm2  }
.Ltmp3:
0xce: {  	v15 =	vsel vm1, v10, v15;
	(pc) =	sbr.rel @p1 .LBB2_4-.Ltmp3, $4  }
0xcf: {  	[tilespmem:s8+$0x0] =	vst v15;
	v13 =	vsel vm1, v11, v13  }
0xd0: {  	s8 =	sadd.s32 $0x10, s8;
	[tilespmem:s21+$0x0] =	vst v13  }
0xd1: {  	s21 =	sadd.s32 $0x10, s21;
	v15 =	vld [tilespmem:s8+$0x0]  }
0xd2: {  	s22 =	sadd.s32 $0x10, s22;
	v13 =	vld [tilespmem:s21+$0x0]  }
0xd3: {  	v14 =	vxor.u32 $0x80000000, v14  }
0xd4: {  	(xrf0) =	vmax.scan.msk.u32 $0xffff, v14;
	_ =	sdelay $0x5  }
0xd5: {  	v14, _, _ =	vpop (xrf0)  }
0xd6: {  	(v2sf) =	vpush v14, $0xF;
	_ =	sdelay $0xe  }
0xd7: {  	v14 =	vor.u32 s18, v0;
	s19 =	spop (v2sf)  }
0xd8: {  	vm1 =	vge.s32 v14, v9;
	vm2 =	vlt.s32 v14, v12;
	s18 =	sadd.s32 $0x8000001F, s19  }
0xd9: {  	vm1 =	vmand vm1, vm2;
	s22 =	sand.u32 $0x1F, s18  }
0xda: {  	v9 =	vsel vm1, v10, v15;
	s23 =	sshra.s32 s18, $0x1F;
	p1 =	slt.s32 s18, $0x1;
	p2 =	sne.s32 s22, $0x0  }
0xdb: {  	[tilespmem:s8+$0x0] =	vst v9;
	v9 =	vsel vm1, v11, v13;
	s8 =	simm.s32 $0x600;
	s28 =	sshrl.u32 s23, $0x1B;
	p1 =	por !p1, !p2  }
0xdc: {  	[tilespmem:s21+$0x0] =	vst v9;
	s22 =	simm.s32 $0x1;
	s23 =	sadd.s32 s28, s18;
	p1 =	por !p1, !p1  }
0xdd: {  	v10 =	vld.msk [tilespmem:s8+$0x0], $0xffff;
	s21 =	sshra.s32 s23, $0x5;
	s22 =	simm.s32 @!p1 $0x0  }
0xde: {  	v14 =	vld [tilespmem:s8+$0x0];
	s18 =	simm.s32 $0xC00;
	s21 =	ssub.s32 s21, s22  }
0xdf: {  	v9 =	vld.msk [tilespmem:s18+$0x0], $0xffff;
	s23 =	sxor.u32 $0x80000000, s19;
	s28 =	sshll.u32 s21, $0x5  }
0xe0: {  	v13 =	vld [tilespmem:s18+$0x0];
	v11 =	vmov s23;
	s22 =	simm.s32 $0x10;
	[dreg:$0x15] =	wrdreg s21;
	s21 =	simm.s32 $0x0;
	v12 =	vmov s28  }
.LBB2_6:
0xe1: {  	p1 =	sne.s32 s22, $0x1F0;
	v15 =	vor.u32 s21, v0;
	s21 =	smov.u32 s22  }
0xe2: {  	vm1 =	vge.s32 v15, v11;
	vm2 =	vlt.s32 v15, v12  }
0xe3: {  	vm1 =	vmand vm1, vm2  }
.Ltmp4:
0xe4: {  	v14 =	vsel vm1, v10, v14;
	(pc) =	sbr.rel @p1 .LBB2_6-.Ltmp4, $4  }
0xe5: {  	[tilespmem:s8+$0x0] =	vst v14;
	v13 =	vsel vm1, v9, v13  }
0xe6: {  	s8 =	sadd.s32 $0x10, s8;
	[tilespmem:s18+$0x0] =	vst v13  }
0xe7: {  	s18 =	sadd.s32 $0x10, s18;
	v14 =	vld [tilespmem:s8+$0x0]  }
0xe8: {  	s22 =	sadd.s32 $0x10, s22;
	v13 =	vld [tilespmem:s18+$0x0]  }
0xe9: {  	v8 =	vxor.u32 $0x80000000, v8  }
0xea: {  	(xrf0) =	vmax.scan.msk.u32 $0xffff, v8;
	_ =	sdelay $0x5  }
0xeb: {  	v8, _, _ =	vpop (xrf0)  }
0xec: {  	(v2sf) =	vpush v8, $0xF;
	_ =	sdelay $0xd  }
0xed: {  	v8 =	vor.u32 s21, v0  }
0xee: {  	vm1 =	vge.s32 v8, v11;
	vm2 =	vlt.s32 v8, v12;
	s19 =	spop (v2sf)  }
0xef: {  	vm1 =	vmand vm1, vm2;
	s22 =	sadd.s32 $0x8000001F, s19  }
0xf0: {  	v8 =	vsel vm1, v10, v14;
	s21 =	sand.u32 $0x1F, s22  }
0xf1: {  	[tilespmem:s8+$0x0] =	vst v8;
	v8 =	vsel vm1, v9, v13;
	s28 =	sshra.s32 s22, $0x1F;
	p1 =	slt.s32 s22, $0x1;
	p2 =	sne.s32 s21, $0x0  }
0xf2: {  	[tilespmem:s18+$0x0] =	vst v8;
	s18 =	simm.s32 $0xE00;
	s8 =	sshrl.u32 s28, $0x1B;
	p1 =	por !p1, !p2  }
0xf3: {  	s8 =	sadd.s32 s8, s22;
	s22 =	simm.s32 $0x1;
	p1 =	por !p1, !p1  }
0xf4: {  	v9 =	vld.msk [tilespmem:s18+$0x0], $0xffff;
	s21 =	simm.s32 $0x800;
	s8 =	sshra.s32 s8, $0x5;
	s22 =	simm.s32 @!p1 $0x0  }
0xf5: {  	v8 =	vld.msk [tilespmem:s21+$0x0], $0xffff;
	s8 =	ssub.s32 s8, s22  }
0xf6: {  	v12 =	vld [tilespmem:s21+$0x0];
	s22 =	sxor.u32 $0x80000000, s19;
	[dreg:$0x14] =	wrdreg s8;
	s8 =	sshll.u32 s8, $0x5  }
0xf7: {  	v13 =	vld [tilespmem:s18+$0x0];
	s28 =	simm.s32 $0x10;
	s19 =	simm.s32 $0x0;
	v10 =	vmov s22;
	v11 =	vmov s8;
	s8 =	simm.s32 $0x0  }
.LBB2_8:
0xf8: {  	p1 =	sne.s32 s28, $0x1F0;
	v14 =	vor.u32 s19, v0;
	s19 =	smov.u32 s28  }
0xf9: {  	vm1 =	vge.s32 v14, v10;
	vm2 =	vlt.s32 v14, v11  }
0xfa: {  	vm1 =	vmand vm1, vm2  }
.Ltmp5:
0xfb: {  	v12 =	vsel vm1, v8, v12;
	(pc) =	sbr.rel @p1 .LBB2_8-.Ltmp5, $4  }
0xfc: {  	[tilespmem:s21+$0x0] =	vst v12;
	v12 =	vsel vm1, v9, v13  }
0xfd: {  	s21 =	sadd.s32 $0x10, s21;
	[tilespmem:s18+$0x0] =	vst v12  }
0xfe: {  	s18 =	sadd.s32 $0x10, s18;
	v12 =	vld [tilespmem:s21+$0x0]  }
0xff: {  	s28 =	sadd.s32 $0x10, s28;
	v13 =	vld [tilespmem:s18+$0x0]  }
0x100: {  	v14 =	vor.u32 s19, v0  }
.Ltmp6:
0x101: {  	vm1 =	vge.s32 v14, v10;
	vm2 =	vlt.s32 v14, v11;
	(pc) =	sbr.rel .LBB2_10-.Ltmp6, $4  }
0x102: {  	vm1 =	vmand vm1, vm2  }
0x103: {  	v8 =	vsel vm1, v8, v12  }
0x104: {  	[tilespmem:s21+$0x0] =	vst v8;
	v8 =	vsel vm1, v9, v13  }
0x105: {  	s28 =	simm.s32 $0x1200;
	s21 =	simm.s32 $0xA30;
	[tilespmem:s18+$0x0] =	vst v8;
	s18 =	simm.s32 $0x430  }
.LBB2_15:
0x106: {  	v8 =	vld [tilespmem:s19+$0x400];
	_ =	sdelay $0x4  }
0x107: {  	[tilespmem:$0x1080] =	vst v8  }
0x108: {  	v8 =	vld [tilespmem:s19+$0xA00];
	_ =	sdelay $0x1  }
0x109: {  	v9 =	vld [tilespmem:$0x1080];
	_ =	sdelay $0x2  }
0x10a: {  	[tilespmem:$0x1180] =	vst v8  }
0x10b: {  	v8 =	vld [tilespmem:s18+$0x0]  }
0x10c: {  	v10 =	vshrl.u32 v9, $0x3  }
0x10d: {  	v10 =	vmul.u32 $0x30, v10  }
0x10e: {  	v9 =	vand.u32 $0x7, v9  }
0x10f: {  	v9 =	vor.u32 v9, v10  }
0x110: {  	[tilespmem:$0x1090] =	vst v8;
	v8 =	vperm.xlane v9, v3  }
0x111: {  	v60 =	vld [tilespmem:s21+$0x0]  }
0x112: {  	v8 =	vadd.s32 v4, v8;
	_ =	sdelay $0x3  }
0x113: {  	v9 =	vperm.xlane v9, v5;
	[tilespmem:$0x1190] =	vst v60  }
0x114: {  	[tilespmem:s20], [sflag:$0x2] =	stream.indirect_vreg.gather [hbm4b:s1+s6], $0x80, v8, vm0, $0xb8;
	[tilespmem:$0x15080] =	vst v63  }
0x115: {  	s19 =	simm.s32 $0x7A00;
	v9 =	vadd.s32 v4, v9  }
0x116: {  	[tilespmem:s19], [sflag:$0x2] =	stream.indirect_vreg.gather [hbm4b:s11+s6], $0x80, v8, vm0, $0xb8;
	[tilespmem:$0x15080] =	vst v63  }
0x117: {  	s19 =	simm.s32 $0x8200  }
0x118: {  	[tilespmem:s19], [sflag:$0x2] =	stream.indirect_vreg.gather [hbm4b:s12+s6], $0x80, v8, vm0, $0xb8;
	[tilespmem:$0x15080] =	vst v63  }
0x119: {  	s19 =	simm.s32 $0x8A00  }
0x11a: {  	[tilespmem:s19], [sflag:$0x2] =	stream.indirect_vreg.gather [hbm4b:s1+s6], $0x80, v9, vm0, $0xb8;
	[tilespmem:$0x15080] =	vst v63  }
0x11b: {  	s19 =	simm.s32 $0x9200  }
0x11c: {  	[tilespmem:s19], [sflag:$0x2] =	stream.indirect_vreg.gather [hbm4b:s11+s6], $0x80, v9, vm0, $0xb8;
	[tilespmem:$0x15080] =	vst v63  }
0x11d: {  	s19 =	simm.s32 $0x9A00  }
0x11e: {  	[tilespmem:s19], [sflag:$0x2] =	stream.indirect_vreg.gather [hbm4b:s12+s6], $0x80, v9, vm0, $0xb8;
	[tilespmem:$0x15080] =	vst v63  }
0x11f: {  	v8 =	vld [tilespmem:$0x1090];
	_ =	sdelay $0x4  }
0x120: {  	v61 =	vshrl.u32 v8, $0x3  }
0x121: {  	v9 =	vmul.u32 $0x30, v61  }
0x122: {  	v8 =	vand.u32 $0x7, v8  }
0x123: {  	v8 =	vor.u32 v8, v9  }
0x124: {  	v9 =	vperm.xlane v8, v3;
	_ =	sdelay $0x1  }
0x125: {  	v9 =	vadd.s32 v4, v9;
	_ =	sdelay $0x3  }
0x126: {  	s19 =	simm.s32 $0xA200;
	v8 =	vperm.xlane v8, v5  }
0x127: {  	[tilespmem:s19], [sflag:$0x2] =	stream.indirect_vreg.gather [hbm4b:s1+s6], $0x80, v9, vm0, $0xb8;
	[tilespmem:$0x15080] =	vst v63  }
0x128: {  	v8 =	vadd.s32 v4, v8;
	s19 =	simm.s32 $0xAA00  }
0x129: {  	[tilespmem:s19], [sflag:$0x2] =	stream.indirect_vreg.gather [hbm4b:s11+s6], $0x80, v9, vm0, $0xb8;
	[tilespmem:$0x15080] =	vst v63  }
0x12a: {  	s19 =	simm.s32 $0xB200  }
0x12b: {  	[tilespmem:s19], [sflag:$0x2] =	stream.indirect_vreg.gather [hbm4b:s12+s6], $0x80, v9, vm0, $0xb8;
	[tilespmem:$0x15080] =	vst v63  }
0x12c: {  	s19 =	simm.s32 $0xBA00  }
0x12d: {  	[tilespmem:s19], [sflag:$0x2] =	stream.indirect_vreg.gather [hbm4b:s1+s6], $0x80, v8, vm0, $0xb8;
	[tilespmem:$0x15080] =	vst v63  }
0x12e: {  	s19 =	simm.s32 $0xC200  }
0x12f: {  	[tilespmem:s19], [sflag:$0x2] =	stream.indirect_vreg.gather [hbm4b:s11+s6], $0x80, v8, vm0, $0xb8;
	[tilespmem:$0x15080] =	vst v63  }
0x130: {  	s19 =	simm.s32 $0xCA00  }
0x131: {  	[tilespmem:s19], [sflag:$0x2] =	stream.indirect_vreg.gather [hbm4b:s12+s6], $0x80, v8, vm0, $0xb8;
	[tilespmem:$0x15080] =	vst v63  }
0x132: {  	_ =	swait.ge [sflag:s7], $0x6000  }
0x133: {  	[sflag:s7] =	ssyncset.done $0x0  }
0x134: {  	[sflag:s7] =	ssyncadd.s32 $0xFFFFA000  }
0x135: {  	v8 =	vld [tilespmem:$0x1100];
	_ =	sdelay $0x4  }
0x136: {  	v62 =	vshrl.u32 v8, $0x3  }
0x137: {  	v9 =	vmul.u32 $0x30, v62  }
0x138: {  	v8 =	vand.u32 $0x7, v8  }
0x139: {  	v8 =	vor.u32 v8, v9  }
0x13a: {  	v9 =	vperm.xlane v8, v3;
	_ =	sdelay $0x1  }
0x13b: {  	v9 =	vadd.s32 v4, v9;
	_ =	sdelay $0x3  }
0x13c: {  	v8 =	vperm.xlane v8, v5  }
0x13d: {  	[hbm4b:s5+s6] =	stream.indirect_vreg.scatter [tilespmem:s28], [sflag:$0x3], $0x80, v9, vm0, $0xb8;
	[tilespmem:$0x15080] =	vst v63  }
0x13e: {  	s19 =	simm.s32 $0x1A00;
	v8 =	vadd.s32 v4, v8  }
0x13f: {  	[hbm4b:s13+s6] =	stream.indirect_vreg.scatter [tilespmem:s19], [sflag:$0x3], $0x80, v9, vm0, $0xb8;
	[tilespmem:$0x15080] =	vst v63  }
0x140: {  	s19 =	simm.s32 $0x2200  }
0x141: {  	[hbm4b:s14+s6] =	stream.indirect_vreg.scatter [tilespmem:s19], [sflag:$0x3], $0x80, v9, vm0, $0xb8;
	[tilespmem:$0x15080] =	vst v63  }
0x142: {  	s19 =	simm.s32 $0x2A00  }
0x143: {  	[hbm4b:s5+s6] =	stream.indirect_vreg.scatter [tilespmem:s19], [sflag:$0x3], $0x80, v8, vm0, $0xb8;
	[tilespmem:$0x15080] =	vst v63  }
0x144: {  	s19 =	simm.s32 $0x3200  }
0x145: {  	[hbm4b:s13+s6] =	stream.indirect_vreg.scatter [tilespmem:s19], [sflag:$0x3], $0x80, v8, vm0, $0xb8;
	[tilespmem:$0x15080] =	vst v63  }
0x146: {  	s19 =	simm.s32 $0x3A00  }
0x147: {  	[hbm4b:s14+s6] =	stream.indirect_vreg.scatter [tilespmem:s19], [sflag:$0x3], $0x80, v8, vm0, $0xb8;
	[tilespmem:$0x15080] =	vst v63  }
0x148: {  	v8 =	vld [tilespmem:$0x1110];
	_ =	sdelay $0x4  }
0x149: {  	v63 =	vshrl.u32 v8, $0x3  }
0x14a: {  	v9 =	vmul.u32 $0x30, v63  }
0x14b: {  	v8 =	vand.u32 $0x7, v8  }
0x14c: {  	v8 =	vor.u32 v8, v9  }
0x14d: {  	v9 =	vperm.xlane v8, v3;
	_ =	sdelay $0x1  }
0x14e: {  	v9 =	vadd.s32 v4, v9;
	_ =	sdelay $0x3  }
0x14f: {  	s19 =	simm.s32 $0x4200;
	v8 =	vperm.xlane v8, v5  }
0x150: {  	[hbm4b:s5+s6] =	stream.indirect_vreg.scatter [tilespmem:s19], [sflag:$0x3], $0x80, v9, vm0, $0xb8;
	[tilespmem:$0x15080] =	vst v63  }
0x151: {  	v8 =	vadd.s32 v4, v8;
	s19 =	simm.s32 $0x4A00  }
0x152: {  	[hbm4b:s13+s6] =	stream.indirect_vreg.scatter [tilespmem:s19], [sflag:$0x3], $0x80, v9, vm0, $0xb8;
	[tilespmem:$0x15080] =	vst v63  }
0x153: {  	s19 =	simm.s32 $0x5200  }
0x154: {  	[hbm4b:s14+s6] =	stream.indirect_vreg.scatter [tilespmem:s19], [sflag:$0x3], $0x80, v9, vm0, $0xb8;
	[tilespmem:$0x15080] =	vst v63  }
0x155: {  	s19 =	simm.s32 $0x5A00  }
0x156: {  	[hbm4b:s5+s6] =	stream.indirect_vreg.scatter [tilespmem:s19], [sflag:$0x3], $0x80, v8, vm0, $0xb8;
	[tilespmem:$0x15080] =	vst v63  }
0x157: {  	s19 =	simm.s32 $0x6200  }
0x158: {  	[hbm4b:s13+s6] =	stream.indirect_vreg.scatter [tilespmem:s19], [sflag:$0x3], $0x80, v8, vm0, $0xb8;
	[tilespmem:$0x15080] =	vst v63  }
0x159: {  	s19 =	simm.s32 $0x6A00  }
0x15a: {  	[hbm4b:s14+s6] =	stream.indirect_vreg.scatter [tilespmem:s19], [sflag:$0x3], $0x80, v8, vm0, $0xb8;
	[tilespmem:$0x15080] =	vst v63  }
.LBB2_16:
0x15b: {  	s8 =	sadd.s32 $0x40, s8  }
0x15c: {  	p1 =	sne.s32 s8, $0x200  }
.Ltmp7:
0x15d: {  	_ = 	snop;
	(pc) =	sbr.rel @!p1 .LBB2_17-.Ltmp7, $2  }
0x15e: {  	_ =	sdelay $0x2  }
0x15f: {  	s18 =	sadd.s32 $0x40, s18;
	s21 =	sadd.s32 $0x40, s21  }
.LBB2_10:
0x160: {  	p1 =	sge.s32 s8, s24  }
.Ltmp8:
0x161: {  	_ = 	snop;
	(pc) =	sbr.rel @p1 .LBB2_13-.Ltmp8, $1  }
0x162: {  	_ =	sdelay $0x3  }
0x163: {  	p1 =	seq.s32 s8, $0x0  }
0x164: {  	s19 =	simm.s32 @!p1 $0x3  }
0x165: {  	_ =	swait.ge @!p1 [sflag:s19], $0x6000  }
0x166: {  	[sflag:s19] =	ssyncset.done @!p1 $0x0  }
0x167: {  	[sflag:s19] =	ssyncadd.s32 @!p1 $0xFFFFA000  }
0x168: {  	v8 =	vld [tilespmem:s18+$0xFFFFFFD0];
	_ =	sdelay $0x4  }
0x169: {  	[tilespmem:$0x1000] =	vst v8  }
0x16a: {  	v8 =	vld [tilespmem:s21+$0xFFFFFFD0];
	_ =	sdelay $0x1  }
0x16b: {  	v9 =	vld [tilespmem:$0x1000];
	_ =	sdelay $0x2  }
0x16c: {  	[tilespmem:$0x1100] =	vst v8  }
0x16d: {  	v8 =	vld [tilespmem:s18+$0xFFFFFFE0]  }
0x16e: {  	v10 =	vshrl.u32 v9, $0x3  }
0x16f: {  	v10 =	vmul.u32 $0x30, v10  }
0x170: {  	v9 =	vand.u32 $0x7, v9  }
0x171: {  	v9 =	vor.u32 v9, v10  }
0x172: {  	[tilespmem:$0x1010] =	vst v8;
	v8 =	vperm.xlane v9, v3  }
0x173: {  	v62 =	vld [tilespmem:s21+$0xFFFFFFE0]  }
0x174: {  	v8 =	vadd.s32 v4, v8;
	_ =	sdelay $0x3  }
0x175: {  	v9 =	vperm.xlane v9, v5;
	[tilespmem:$0x1110] =	vst v62  }
0x176: {  	[tilespmem:s28], [sflag:$0x1] =	stream.indirect_vreg.gather [hbm4b:s1+s6], $0x80, v8, vm0, $0xb8;
	[tilespmem:$0x15080] =	vst v63  }
0x177: {  	s19 =	simm.s32 $0x1A00;
	v9 =	vadd.s32 v4, v9  }
0x178: {  	[tilespmem:s19], [sflag:$0x1] =	stream.indirect_vreg.gather [hbm4b:s11+s6], $0x80, v8, vm0, $0xb8;
	[tilespmem:$0x15080] =	vst v63  }
0x179: {  	s19 =	simm.s32 $0x2200  }
0x17a: {  	[tilespmem:s19], [sflag:$0x1] =	stream.indirect_vreg.gather [hbm4b:s12+s6], $0x80, v8, vm0, $0xb8;
	[tilespmem:$0x15080] =	vst v63  }
0x17b: {  	s19 =	simm.s32 $0x2A00  }
0x17c: {  	[tilespmem:s19], [sflag:$0x1] =	stream.indirect_vreg.gather [hbm4b:s1+s6], $0x80, v9, vm0, $0xb8;
	[tilespmem:$0x15080] =	vst v63  }
0x17d: {  	s19 =	simm.s32 $0x3200  }
0x17e: {  	[tilespmem:s19], [sflag:$0x1] =	stream.indirect_vreg.gather [hbm4b:s11+s6], $0x80, v9, vm0, $0xb8;
	[tilespmem:$0x15080] =	vst v63  }
0x17f: {  	s19 =	simm.s32 $0x3A00  }
0x180: {  	[tilespmem:s19], [sflag:$0x1] =	stream.indirect_vreg.gather [hbm4b:s12+s6], $0x80, v9, vm0, $0xb8;
	[tilespmem:$0x15080] =	vst v63  }
0x181: {  	v8 =	vld [tilespmem:$0x1010];
	_ =	sdelay $0x4  }
0x182: {  	v63 =	vshrl.u32 v8, $0x3  }
0x183: {  	v9 =	vmul.u32 $0x30, v63  }
0x184: {  	v8 =	vand.u32 $0x7, v8  }
0x185: {  	v8 =	vor.u32 v8, v9  }
0x186: {  	v9 =	vperm.xlane v8, v3;
	_ =	sdelay $0x1  }
0x187: {  	v9 =	vadd.s32 v4, v9;
	_ =	sdelay $0x3  }
0x188: {  	s19 =	simm.s32 $0x4200;
	v8 =	vperm.xlane v8, v5  }
0x189: {  	[tilespmem:s19], [sflag:$0x1] =	stream.indirect_vreg.gather [hbm4b:s1+s6], $0x80, v9, vm0, $0xb8;
	[tilespmem:$0x15080] =	vst v63  }
0x18a: {  	v8 =	vadd.s32 v4, v8;
	s19 =	simm.s32 $0x4A00  }
0x18b: {  	[tilespmem:s19], [sflag:$0x1] =	stream.indirect_vreg.gather [hbm4b:s11+s6], $0x80, v9, vm0, $0xb8;
	[tilespmem:$0x15080] =	vst v63  }
0x18c: {  	s19 =	simm.s32 $0x5200  }
0x18d: {  	[tilespmem:s19], [sflag:$0x1] =	stream.indirect_vreg.gather [hbm4b:s12+s6], $0x80, v9, vm0, $0xb8;
	[tilespmem:$0x15080] =	vst v63  }
0x18e: {  	s19 =	simm.s32 $0x5A00  }
0x18f: {  	[tilespmem:s19], [sflag:$0x1] =	stream.indirect_vreg.gather [hbm4b:s1+s6], $0x80, v8, vm0, $0xb8;
	[tilespmem:$0x15080] =	vst v63  }
.Ltmp9:
0x190: {  	_ = 	snop;
	(pc) =	sbr.rel @p1 .LBB2_53-.Ltmp9, $4  }
0x191: {  	s19 =	simm.s32 $0x6200  }
0x192: {  	[tilespmem:s19], [sflag:$0x1] =	stream.indirect_vreg.gather [hbm4b:s11+s6], $0x80, v8, vm0, $0xb8;
	[tilespmem:$0x15080] =	vst v63  }
0x193: {  	s19 =	simm.s32 $0x6A00  }
0x194: {  	[tilespmem:s19], [sflag:$0x1] =	stream.indirect_vreg.gather [hbm4b:s12+s6], $0x80, v8, vm0, $0xb8;
	[tilespmem:$0x15080] =	vst v63  }
0x195: {  	s19 =	simm.s32 $0x2  }
0x196: {  	_ =	swait.ge [sflag:s19], $0x6000  }
0x197: {  	[sflag:s19] =	ssyncset.done $0x0  }
0x198: {  	[sflag:s19] =	ssyncadd.s32 $0xFFFFA000  }
0x199: {  	v8 =	vld [tilespmem:$0x1180];
	_ =	sdelay $0x4  }
0x19a: {  	v9 =	vshrl.u32 v8, $0x3  }
0x19b: {  	v9 =	vmul.u32 $0x30, v9  }
0x19c: {  	v8 =	vand.u32 $0x7, v8  }
0x19d: {  	v8 =	vor.u32 v8, v9  }
0x19e: {  	v9 =	vperm.xlane v8, v3;
	_ =	sdelay $0x1  }
0x19f: {  	v9 =	vadd.s32 v4, v9;
	_ =	sdelay $0x3  }
0x1a0: {  	v8 =	vperm.xlane v8, v5  }
0x1a1: {  	[hbm4b:s5+s6] =	stream.indirect_vreg.scatter [tilespmem:s20], [sflag:$0x4], $0x80, v9, vm0, $0xb8;
	[tilespmem:$0x15080] =	vst v63  }
0x1a2: {  	s19 =	simm.s32 $0x7A00;
	v8 =	vadd.s32 v4, v8  }
0x1a3: {  	[hbm4b:s13+s6] =	stream.indirect_vreg.scatter [tilespmem:s19], [sflag:$0x4], $0x80, v9, vm0, $0xb8;
	[tilespmem:$0x15080] =	vst v63  }
0x1a4: {  	s19 =	simm.s32 $0x8200  }
0x1a5: {  	[hbm4b:s14+s6] =	stream.indirect_vreg.scatter [tilespmem:s19], [sflag:$0x4], $0x80, v9, vm0, $0xb8;
	[tilespmem:$0x15080] =	vst v63  }
0x1a6: {  	s19 =	simm.s32 $0x8A00  }
0x1a7: {  	[hbm4b:s5+s6] =	stream.indirect_vreg.scatter [tilespmem:s19], [sflag:$0x4], $0x80, v8, vm0, $0xb8;
	[tilespmem:$0x15080] =	vst v63  }
0x1a8: {  	s19 =	simm.s32 $0x9200  }
0x1a9: {  	[hbm4b:s13+s6] =	stream.indirect_vreg.scatter [tilespmem:s19], [sflag:$0x4], $0x80, v8, vm0, $0xb8;
	[tilespmem:$0x15080] =	vst v63  }
0x1aa: {  	s19 =	simm.s32 $0x9A00  }
0x1ab: {  	[hbm4b:s14+s6] =	stream.indirect_vreg.scatter [tilespmem:s19], [sflag:$0x4], $0x80, v8, vm0, $0xb8;
	[tilespmem:$0x15080] =	vst v63  }
0x1ac: {  	v8 =	vld [tilespmem:$0x1190];
	_ =	sdelay $0x4  }
0x1ad: {  	v63 =	vshrl.u32 v8, $0x3  }
0x1ae: {  	v9 =	vmul.u32 $0x30, v63  }
0x1af: {  	v8 =	vand.u32 $0x7, v8  }
0x1b0: {  	v8 =	vor.u32 v8, v9  }
0x1b1: {  	v9 =	vperm.xlane v8, v3;
	_ =	sdelay $0x1  }
0x1b2: {  	v9 =	vadd.s32 v4, v9;
	_ =	sdelay $0x3  }
0x1b3: {  	s19 =	simm.s32 $0xA200;
	v8 =	vperm.xlane v8, v5  }
0x1b4: {  	[hbm4b:s5+s6] =	stream.indirect_vreg.scatter [tilespmem:s19], [sflag:$0x4], $0x80, v9, vm0, $0xb8;
	[tilespmem:$0x15080] =	vst v63  }
0x1b5: {  	v8 =	vadd.s32 v4, v8;
	s19 =	simm.s32 $0xAA00  }
0x1b6: {  	[hbm4b:s13+s6] =	stream.indirect_vreg.scatter [tilespmem:s19], [sflag:$0x4], $0x80, v9, vm0, $0xb8;
	[tilespmem:$0x15080] =	vst v63  }
0x1b7: {  	s19 =	simm.s32 $0xB200  }
0x1b8: {  	[hbm4b:s14+s6] =	stream.indirect_vreg.scatter [tilespmem:s19], [sflag:$0x4], $0x80, v9, vm0, $0xb8;
	[tilespmem:$0x15080] =	vst v63  }
0x1b9: {  	s19 =	simm.s32 $0xBA00  }
0x1ba: {  	[hbm4b:s5+s6] =	stream.indirect_vreg.scatter [tilespmem:s19], [sflag:$0x4], $0x80, v8, vm0, $0xb8;
	[tilespmem:$0x15080] =	vst v63  }
0x1bb: {  	s19 =	simm.s32 $0xC200  }
0x1bc: {  	[hbm4b:s13+s6] =	stream.indirect_vreg.scatter [tilespmem:s19], [sflag:$0x4], $0x80, v8, vm0, $0xb8;
	[tilespmem:$0x15080] =	vst v63  }
0x1bd: {  	s19 =	simm.s32 $0xCA00  }
0x1be: {  	[hbm4b:s14+s6] =	stream.indirect_vreg.scatter [tilespmem:s19], [sflag:$0x4], $0x80, v8, vm0, $0xb8;
	[tilespmem:$0x15080] =	vst v63  }
.LBB2_13:
0x1bf: {  	s19 =	sadd.s32 $0x20, s8  }
0x1c0: {  	p1 =	slt.s32 s19, s24  }
.Ltmp10:
0x1c1: {  	_ = 	snop;
	(pc) =	sbr.rel @!p1 .LBB2_16-.Ltmp10, $1  }
0x1c2: {  	_ =	sdelay $0x3  }
.Ltmp11:
0x1c3: {  	p1 =	seq.s32 s8, $0x0;
	(pc) =	sbr.rel .LBB2_15-.Ltmp11, $4  }
0x1c4: {  	s28 =	simm.s32 @!p1 $0x4  }
0x1c5: {  	_ =	swait.ge @!p1 [sflag:s28], $0x6000  }
0x1c6: {  	[sflag:s28] =	ssyncset.done @!p1 $0x0  }
0x1c7: {  	[sflag:s28] =	ssyncadd.s32 @!p1 $0xFFFFA000;
	s28 =	simm.s32 $0x1200  }
.LBB2_53:
0x1c8: {  	p1 =	sgt.u32 s24, $0x20  }
.Ltmp12:
0x1c9: {  	_ = 	snop;
	(pc) =	sbr.rel @p1 .LBB2_15-.Ltmp12, $4  }
.Ltmp13:
0x1ca: {  	_ = 	snop;
	(pc) =	sbr.rel @!p1 .LBB2_16-.Ltmp13, $4  }
0x1cb: {  	_ = 	snop  }
0x1cc: {  	_ = 	snop  }
0x1cd: {  	s19 =	simm.s32 $0x20  }
0x1ce: {  	_ = 	snop  }
.LBB2_17:
0x1cf: {  	s8 =	rddreg [dreg:$0x16]  }
0x1d0: {  	s8 =	sand.u32 $0x1, s8  }
0x1d1: {  	p1 =	slt.s32 s24, $0x1;
	p2 =	seq.s32 s8, $0x1  }
0x1d2: {  	p2 =	por !p2, p1  }
0x1d3: {  	s18 =	simm.s32 @!p2 $0x1  }
0x1d4: {  	_ =	swait.ge @!p2 [sflag:s18], $0x6000  }
0x1d5: {  	[sflag:s18] =	ssyncset.done @!p2 $0x0  }
0x1d6: {  	[sflag:s18] =	ssyncadd.s32 @!p2 $0xFFFFA000  }
0x1d7: {  	v8 =	vld @!p2 [tilespmem:$0x1100];
	_ =	sdelay $0x4  }
0x1d8: {  	v9 =	vshrl.u32 @!p2 v8, $0x3  }
0x1d9: {  	v9 =	vmul.u32 @!p2 $0x30, v9  }
0x1da: {  	v10 =	vlaneseq.u32 @!p2;
	v8 =	vand.u32 @!p2 $0x7, v8  }
0x1db: {  	v11 =	vshrl.u32 @!p2 v10, $0x3;
	v8 =	vor.u32 @!p2 v8, v9;
	v9 =	vand.u32 @!p2 $0x7, v10  }
0x1dc: {  	v11 =	vmul.u32 @!p2 $0x8, v11;
	v12 =	vperm.xlane @!p2 v8, v9;
	_ =	sdelay $0x1  }
0x1dd: {  	v12 =	vadd.s32 @!p2 v11, v12;
	_ =	sdelay $0x2  }
0x1de: {  	v10 =	vor.u32 @!p2 $0x8, v10  }
0x1df: {  	vm1 =	vmmov @!p2 $0xffff;
	s19 =	simm.s32 @!p2 $0x1200;
	s18 =	simm.s32 @!p2 $0x0;
	v8 =	vperm.xlane @!p2 v8, v10  }
0x1e0: {  	[hbm4b:s5+s18] =	stream.indirect_vreg.scatter @!p2 [tilespmem:s19], [sflag:$0x3], $0x80, v12, vm1, $0xb8;
	[tilespmem:$0x15080] =	vst v63  }
0x1e1: {  	v8 =	vadd.s32 @!p2 v11, v8;
	s19 =	simm.s32 @!p2 $0x1A00  }
0x1e2: {  	[hbm4b:s13+s18] =	stream.indirect_vreg.scatter @!p2 [tilespmem:s19], [sflag:$0x3], $0x80, v12, vm1, $0xb8;
	[tilespmem:$0x15080] =	vst v63  }
0x1e3: {  	s19 =	simm.s32 @!p2 $0x2200  }
0x1e4: {  	[hbm4b:s14+s18] =	stream.indirect_vreg.scatter @!p2 [tilespmem:s19], [sflag:$0x3], $0x80, v12, vm1, $0xb8;
	[tilespmem:$0x15080] =	vst v63  }
0x1e5: {  	s19 =	simm.s32 @!p2 $0x2A00  }
0x1e6: {  	[hbm4b:s5+s18] =	stream.indirect_vreg.scatter @!p2 [tilespmem:s19], [sflag:$0x3], $0x80, v8, vm1, $0xb8;
	[tilespmem:$0x15080] =	vst v63  }
0x1e7: {  	s19 =	simm.s32 @!p2 $0x3200  }
0x1e8: {  	[hbm4b:s13+s18] =	stream.indirect_vreg.scatter @!p2 [tilespmem:s19], [sflag:$0x3], $0x80, v8, vm1, $0xb8;
	[tilespmem:$0x15080] =	vst v63  }
0x1e9: {  	s19 =	simm.s32 @!p2 $0x3A00  }
0x1ea: {  	[hbm4b:s14+s18] =	stream.indirect_vreg.scatter @!p2 [tilespmem:s19], [sflag:$0x3], $0x80, v8, vm1, $0xb8;
	[tilespmem:$0x15080] =	vst v63  }
0x1eb: {  	v8 =	vld @!p2 [tilespmem:$0x1110];
	_ =	sdelay $0x4  }
0x1ec: {  	v12 =	vshrl.u32 @!p2 v8, $0x3  }
0x1ed: {  	v12 =	vmul.u32 @!p2 $0x30, v12  }
0x1ee: {  	v8 =	vand.u32 @!p2 $0x7, v8  }
0x1ef: {  	v8 =	vor.u32 @!p2 v8, v12  }
0x1f0: {  	v9 =	vperm.xlane @!p2 v8, v9;
	_ =	sdelay $0x1  }
0x1f1: {  	v9 =	vadd.s32 @!p2 v11, v9;
	_ =	sdelay $0x3  }
0x1f2: {  	s19 =	simm.s32 @!p2 $0x4200;
	v8 =	vperm.xlane @!p2 v8, v10  }
0x1f3: {  	[hbm4b:s5+s18] =	stream.indirect_vreg.scatter @!p2 [tilespmem:s19], [sflag:$0x3], $0x80, v9, vm1, $0xb8;
	[tilespmem:$0x15080] =	vst v63  }
0x1f4: {  	v8 =	vadd.s32 @!p2 v11, v8;
	s19 =	simm.s32 @!p2 $0x4A00  }
0x1f5: {  	[hbm4b:s13+s18] =	stream.indirect_vreg.scatter @!p2 [tilespmem:s19], [sflag:$0x3], $0x80, v9, vm1, $0xb8;
	[tilespmem:$0x15080] =	vst v63  }
0x1f6: {  	s19 =	simm.s32 @!p2 $0x5200  }
0x1f7: {  	[hbm4b:s14+s18] =	stream.indirect_vreg.scatter @!p2 [tilespmem:s19], [sflag:$0x3], $0x80, v9, vm1, $0xb8;
	[tilespmem:$0x15080] =	vst v63  }
0x1f8: {  	s19 =	simm.s32 @!p2 $0x5A00  }
0x1f9: {  	[hbm4b:s5+s18] =	stream.indirect_vreg.scatter @!p2 [tilespmem:s19], [sflag:$0x3], $0x80, v8, vm1, $0xb8;
	[tilespmem:$0x15080] =	vst v63  }
0x1fa: {  	s19 =	simm.s32 @!p2 $0x6200  }
0x1fb: {  	[hbm4b:s13+s18] =	stream.indirect_vreg.scatter @!p2 [tilespmem:s19], [sflag:$0x3], $0x80, v8, vm1, $0xb8;
	[tilespmem:$0x15080] =	vst v63  }
0x1fc: {  	s19 =	simm.s32 @!p2 $0x6A00  }
0x1fd: {  	[hbm4b:s14+s18] =	stream.indirect_vreg.scatter @!p2 [tilespmem:s19], [sflag:$0x3], $0x80, v8, vm1, $0xb8;
	[tilespmem:$0x15080] =	vst v63  }
0x1fe: {  	p2 =	sne.s32 @!p1 s8, $0x0  }
0x1ff: {  	p2 =	por p1, p2  }
.Ltmp14:
0x200: {  	_ = 	snop;
	(pc) =	sbr.rel @p2 .LBB2_19-.Ltmp14, $1  }
0x201: {  	_ =	sdelay $0x3  }
0x202: {  	s8 =	simm.s32 $0x2  }
0x203: {  	_ =	swait.ge [sflag:s8], $0x6000  }
0x204: {  	[sflag:s8] =	ssyncset.done $0x0  }
0x205: {  	[sflag:s8] =	ssyncadd.s32 $0xFFFFA000  }
0x206: {  	v8 =	vld [tilespmem:$0x1180];
	_ =	sdelay $0x4  }
0x207: {  	v9 =	vshrl.u32 v8, $0x3  }
0x208: {  	v9 =	vmul.u32 $0x30, v9  }
0x209: {  	v8 =	vand.u32 $0x7, v8  }
0x20a: {  	v8 =	vor.u32 v8, v9  }
0x20b: {  	v9 =	vperm.xlane v8, v3;
	_ =	sdelay $0x1  }
0x20c: {  	v9 =	vadd.s32 v4, v9;
	_ =	sdelay $0x3  }
0x20d: {  	v8 =	vperm.xlane v8, v5  }
0x20e: {  	[hbm4b:s5+s6] =	stream.indirect_vreg.scatter [tilespmem:s20], [sflag:$0x4], $0x80, v9, vm0, $0xb8;
	[tilespmem:$0x15080] =	vst v63  }
0x20f: {  	s19 =	simm.s32 $0x7A00;
	v8 =	vadd.s32 v4, v8  }
0x210: {  	[hbm4b:s13+s6] =	stream.indirect_vreg.scatter [tilespmem:s19], [sflag:$0x4], $0x80, v9, vm0, $0xb8;
	[tilespmem:$0x15080] =	vst v63  }
0x211: {  	s21 =	simm.s32 $0x8200  }
0x212: {  	[hbm4b:s14+s6] =	stream.indirect_vreg.scatter [tilespmem:s21], [sflag:$0x4], $0x80, v9, vm0, $0xb8;
	[tilespmem:$0x15080] =	vst v63  }
0x213: {  	s18 =	simm.s32 $0x8A00  }
0x214: {  	[hbm4b:s5+s6] =	stream.indirect_vreg.scatter [tilespmem:s18], [sflag:$0x4], $0x80, v8, vm0, $0xb8;
	[tilespmem:$0x15080] =	vst v63  }
0x215: {  	s19 =	simm.s32 $0x9200  }
0x216: {  	[hbm4b:s13+s6] =	stream.indirect_vreg.scatter [tilespmem:s19], [sflag:$0x4], $0x80, v8, vm0, $0xb8;
	[tilespmem:$0x15080] =	vst v63  }
0x217: {  	s21 =	simm.s32 $0x9A00  }
0x218: {  	[hbm4b:s14+s6] =	stream.indirect_vreg.scatter [tilespmem:s21], [sflag:$0x4], $0x80, v8, vm0, $0xb8;
	[tilespmem:$0x15080] =	vst v63  }
0x219: {  	v8 =	vld [tilespmem:$0x1190];
	_ =	sdelay $0x4  }
0x21a: {  	v63 =	vshrl.u32 v8, $0x3  }
0x21b: {  	v9 =	vmul.u32 $0x30, v63  }
0x21c: {  	v8 =	vand.u32 $0x7, v8  }
0x21d: {  	v8 =	vor.u32 v8, v9  }
0x21e: {  	v9 =	vperm.xlane v8, v3;
	_ =	sdelay $0x1  }
0x21f: {  	v9 =	vadd.s32 v4, v9;
	_ =	sdelay $0x3  }
0x220: {  	s18 =	simm.s32 $0xA200;
	v8 =	vperm.xlane v8, v5  }
0x221: {  	[hbm4b:s5+s6] =	stream.indirect_vreg.scatter [tilespmem:s18], [sflag:$0x4], $0x80, v9, vm0, $0xb8;
	[tilespmem:$0x15080] =	vst v63  }
0x222: {  	s19 =	simm.s32 $0xAA00;
	v8 =	vadd.s32 v4, v8  }
0x223: {  	[hbm4b:s13+s6] =	stream.indirect_vreg.scatter [tilespmem:s19], [sflag:$0x4], $0x80, v9, vm0, $0xb8;
	[tilespmem:$0x15080] =	vst v63  }
0x224: {  	s21 =	simm.s32 $0xB200  }
0x225: {  	[hbm4b:s14+s6] =	stream.indirect_vreg.scatter [tilespmem:s21], [sflag:$0x4], $0x80, v9, vm0, $0xb8;
	[tilespmem:$0x15080] =	vst v63  }
0x226: {  	s18 =	simm.s32 $0xBA00  }
0x227: {  	[hbm4b:s5+s6] =	stream.indirect_vreg.scatter [tilespmem:s18], [sflag:$0x4], $0x80, v8, vm0, $0xb8;
	[tilespmem:$0x15080] =	vst v63  }
.Ltmp15:
0x228: {  	_ = 	snop;
	(pc) =	sbr.rel .LBB2_20-.Ltmp15, $4  }
0x229: {  	s19 =	simm.s32 $0xC200  }
0x22a: {  	[hbm4b:s13+s6] =	stream.indirect_vreg.scatter [tilespmem:s19], [sflag:$0x4], $0x80, v8, vm0, $0xb8;
	[tilespmem:$0x15080] =	vst v63  }
0x22b: {  	s21 =	simm.s32 $0xCA00  }
0x22c: {  	[hbm4b:s14+s6] =	stream.indirect_vreg.scatter [tilespmem:s21], [sflag:$0x4], $0x80, v8, vm0, $0xb8;
	[tilespmem:$0x15080] =	vst v63  }
.LBB2_19:
.Ltmp16:
0x22d: {  	(pc) =	sbr.rel @p1 .LBB2_21-.Ltmp16, $1  }
0x22e: {  	_ =	sdelay $0x3  }
.LBB2_20:
0x22f: {  	s8 =	simm.s32 $0x3  }
0x230: {  	_ =	swait.ge [sflag:s8], $0x6000  }
0x231: {  	p1 =	slt.u32 s24, $0x21;
	[sflag:s8] =	ssyncset.done $0x0  }
0x232: {  	[sflag:s8] =	ssyncadd.s32 $0xFFFFA000;
	s8 =	simm.s32 @!p1 $0x4  }
0x233: {  	_ =	swait.ge @!p1 [sflag:s8], $0x6000  }
0x234: {  	[sflag:s8] =	ssyncset.done @!p1 $0x0  }
0x235: {  	[sflag:s8] =	ssyncadd.s32 @!p1 $0xFFFFA000  }
.LBB2_21:
.Ltmp17:
0x236: {  	(pc) =	sbr.rel .LBB2_22-.Ltmp17, $3  }
0x237: {  	_ =	sdelay $0x1  }
0x238: {  	s8 =	simm.s32 $0x0;
	s18 =	simm.s32 $0x630  }
0x239: {  	s21 =	simm.s32 $0xC30;
	p1 =	sgt.u32 s23, $0x20;
	s24 =	simm.s32 $0x1A00  }
.LBB2_27:
0x23a: {  	v8 =	vld [tilespmem:s19+$0x600];
	_ =	sdelay $0x4  }
0x23b: {  	[tilespmem:$0x1080] =	vst v8  }
0x23c: {  	v8 =	vld [tilespmem:s19+$0xC00];
	_ =	sdelay $0x1  }
0x23d: {  	v9 =	vld [tilespmem:$0x1080];
	_ =	sdelay $0x2  }
0x23e: {  	[tilespmem:$0x1180] =	vst v8  }
0x23f: {  	v8 =	vld [tilespmem:s18+$0x0]  }
0x240: {  	v10 =	vshrl.u32 v9, $0x3  }
0x241: {  	v10 =	vmul.u32 $0x30, v10  }
0x242: {  	v9 =	vand.u32 $0x7, v9  }
0x243: {  	v9 =	vor.u32 v9, v10  }
0x244: {  	[tilespmem:$0x1090] =	vst v8;
	v8 =	vperm.xlane v9, v3  }
0x245: {  	v60 =	vld [tilespmem:s21+$0x0]  }
0x246: {  	v8 =	vadd.s32 v4, v8;
	_ =	sdelay $0x3  }
0x247: {  	v9 =	vperm.xlane v9, v5;
	[tilespmem:$0x1190] =	vst v60  }
0x248: {  	[tilespmem:s20], [sflag:$0x2] =	stream.indirect_vreg.gather [hbm4b:s2+s6], $0x80, v8, vm0, $0xb8;
	[tilespmem:$0x15080] =	vst v63  }
0x249: {  	s19 =	simm.s32 $0x7A00;
	v9 =	vadd.s32 v4, v9  }
0x24a: {  	[tilespmem:s19], [sflag:$0x2] =	stream.indirect_vreg.gather [hbm4b:s15+s6], $0x80, v8, vm0, $0xb8;
	[tilespmem:$0x15080] =	vst v63  }
0x24b: {  	s19 =	simm.s32 $0x8200  }
0x24c: {  	[tilespmem:s19], [sflag:$0x2] =	stream.indirect_vreg.gather [hbm4b:s17+s6], $0x80, v8, vm0, $0xb8;
	[tilespmem:$0x15080] =	vst v63  }
0x24d: {  	s19 =	simm.s32 $0x8A00  }
0x24e: {  	[tilespmem:s19], [sflag:$0x2] =	stream.indirect_vreg.gather [hbm4b:s2+s6], $0x80, v9, vm0, $0xb8;
	[tilespmem:$0x15080] =	vst v63  }
0x24f: {  	s19 =	simm.s32 $0x9200  }
0x250: {  	[tilespmem:s19], [sflag:$0x2] =	stream.indirect_vreg.gather [hbm4b:s15+s6], $0x80, v9, vm0, $0xb8;
	[tilespmem:$0x15080] =	vst v63  }
0x251: {  	s19 =	simm.s32 $0x9A00  }
0x252: {  	[tilespmem:s19], [sflag:$0x2] =	stream.indirect_vreg.gather [hbm4b:s17+s6], $0x80, v9, vm0, $0xb8;
	[tilespmem:$0x15080] =	vst v63  }
0x253: {  	v8 =	vld [tilespmem:$0x1090];
	_ =	sdelay $0x4  }
0x254: {  	v61 =	vshrl.u32 v8, $0x3  }
0x255: {  	v9 =	vmul.u32 $0x30, v61  }
0x256: {  	v8 =	vand.u32 $0x7, v8  }
0x257: {  	v8 =	vor.u32 v8, v9  }
0x258: {  	v9 =	vperm.xlane v8, v3;
	_ =	sdelay $0x1  }
0x259: {  	v9 =	vadd.s32 v4, v9;
	_ =	sdelay $0x3  }
0x25a: {  	s19 =	simm.s32 $0xA200;
	v8 =	vperm.xlane v8, v5  }
0x25b: {  	[tilespmem:s19], [sflag:$0x2] =	stream.indirect_vreg.gather [hbm4b:s2+s6], $0x80, v9, vm0, $0xb8;
	[tilespmem:$0x15080] =	vst v63  }
0x25c: {  	v8 =	vadd.s32 v4, v8;
	s19 =	simm.s32 $0xAA00  }
0x25d: {  	[tilespmem:s19], [sflag:$0x2] =	stream.indirect_vreg.gather [hbm4b:s15+s6], $0x80, v9, vm0, $0xb8;
	[tilespmem:$0x15080] =	vst v63  }
0x25e: {  	s19 =	simm.s32 $0xB200  }
0x25f: {  	[tilespmem:s19], [sflag:$0x2] =	stream.indirect_vreg.gather [hbm4b:s17+s6], $0x80, v9, vm0, $0xb8;
	[tilespmem:$0x15080] =	vst v63  }
0x260: {  	s19 =	simm.s32 $0xBA00  }
0x261: {  	[tilespmem:s19], [sflag:$0x2] =	stream.indirect_vreg.gather [hbm4b:s2+s6], $0x80, v8, vm0, $0xb8;
	[tilespmem:$0x15080] =	vst v63  }
0x262: {  	s19 =	simm.s32 $0xC200  }
0x263: {  	[tilespmem:s19], [sflag:$0x2] =	stream.indirect_vreg.gather [hbm4b:s15+s6], $0x80, v8, vm0, $0xb8;
	[tilespmem:$0x15080] =	vst v63  }
0x264: {  	s19 =	simm.s32 $0xCA00  }
0x265: {  	[tilespmem:s19], [sflag:$0x2] =	stream.indirect_vreg.gather [hbm4b:s17+s6], $0x80, v8, vm0, $0xb8;
	[tilespmem:$0x15080] =	vst v63  }
0x266: {  	_ =	swait.ge [sflag:s7], $0x6000  }
0x267: {  	[sflag:s7] =	ssyncset.done $0x0  }
0x268: {  	[sflag:s7] =	ssyncadd.s32 $0xFFFFA000  }
0x269: {  	v8 =	vld [tilespmem:$0x1100];
	_ =	sdelay $0x4  }
0x26a: {  	v62 =	vshrl.u32 v8, $0x3  }
0x26b: {  	v9 =	vmul.u32 $0x30, v62  }
0x26c: {  	v8 =	vand.u32 $0x7, v8  }
0x26d: {  	v8 =	vor.u32 v8, v9  }
0x26e: {  	v9 =	vperm.xlane v8, v3;
	_ =	sdelay $0x1  }
0x26f: {  	v9 =	vadd.s32 v4, v9;
	_ =	sdelay $0x3  }
0x270: {  	v8 =	vperm.xlane v8, v5  }
0x271: {  	[hbm4b:s5+s6] =	stream.indirect_vreg.scatter [tilespmem:s28], [sflag:$0x3], $0x80, v9, vm0, $0xb8;
	[tilespmem:$0x15080] =	vst v63  }
0x272: {  	v8 =	vadd.s32 v4, v8  }
0x273: {  	[hbm4b:s13+s6] =	stream.indirect_vreg.scatter [tilespmem:s24], [sflag:$0x3], $0x80, v9, vm0, $0xb8;
	[tilespmem:$0x15080] =	vst v63  }
0x274: {  	s19 =	simm.s32 $0x2200  }
0x275: {  	[hbm4b:s14+s6] =	stream.indirect_vreg.scatter [tilespmem:s19], [sflag:$0x3], $0x80, v9, vm0, $0xb8;
	[tilespmem:$0x15080] =	vst v63  }
0x276: {  	s19 =	simm.s32 $0x2A00  }
0x277: {  	[hbm4b:s5+s6] =	stream.indirect_vreg.scatter [tilespmem:s19], [sflag:$0x3], $0x80, v8, vm0, $0xb8;
	[tilespmem:$0x15080] =	vst v63  }
0x278: {  	s19 =	simm.s32 $0x3200  }
0x279: {  	[hbm4b:s13+s6] =	stream.indirect_vreg.scatter [tilespmem:s19], [sflag:$0x3], $0x80, v8, vm0, $0xb8;
	[tilespmem:$0x15080] =	vst v63  }
0x27a: {  	s19 =	simm.s32 $0x3A00  }
0x27b: {  	[hbm4b:s14+s6] =	stream.indirect_vreg.scatter [tilespmem:s19], [sflag:$0x3], $0x80, v8, vm0, $0xb8;
	[tilespmem:$0x15080] =	vst v63  }
0x27c: {  	v8 =	vld [tilespmem:$0x1110];
	_ =	sdelay $0x4  }
0x27d: {  	v63 =	vshrl.u32 v8, $0x3  }
0x27e: {  	v9 =	vmul.u32 $0x30, v63  }
0x27f: {  	v8 =	vand.u32 $0x7, v8  }
0x280: {  	v8 =	vor.u32 v8, v9  }
0x281: {  	v9 =	vperm.xlane v8, v3;
	_ =	sdelay $0x1  }
0x282: {  	v9 =	vadd.s32 v4, v9;
	_ =	sdelay $0x3  }
0x283: {  	s19 =	simm.s32 $0x4200;
	v8 =	vperm.xlane v8, v5  }
0x284: {  	[hbm4b:s5+s6] =	stream.indirect_vreg.scatter [tilespmem:s19], [sflag:$0x3], $0x80, v9, vm0, $0xb8;
	[tilespmem:$0x15080] =	vst v63  }
0x285: {  	v8 =	vadd.s32 v4, v8;
	s19 =	simm.s32 $0x4A00  }
0x286: {  	[hbm4b:s13+s6] =	stream.indirect_vreg.scatter [tilespmem:s19], [sflag:$0x3], $0x80, v9, vm0, $0xb8;
	[tilespmem:$0x15080] =	vst v63  }
0x287: {  	s19 =	simm.s32 $0x5200  }
0x288: {  	[hbm4b:s14+s6] =	stream.indirect_vreg.scatter [tilespmem:s19], [sflag:$0x3], $0x80, v9, vm0, $0xb8;
	[tilespmem:$0x15080] =	vst v63  }
0x289: {  	s19 =	simm.s32 $0x5A00  }
0x28a: {  	[hbm4b:s5+s6] =	stream.indirect_vreg.scatter [tilespmem:s19], [sflag:$0x3], $0x80, v8, vm0, $0xb8;
	[tilespmem:$0x15080] =	vst v63  }
0x28b: {  	s19 =	simm.s32 $0x6200  }
0x28c: {  	[hbm4b:s13+s6] =	stream.indirect_vreg.scatter [tilespmem:s19], [sflag:$0x3], $0x80, v8, vm0, $0xb8;
	[tilespmem:$0x15080] =	vst v63  }
0x28d: {  	s19 =	simm.s32 $0x6A00  }
0x28e: {  	[hbm4b:s14+s6] =	stream.indirect_vreg.scatter [tilespmem:s19], [sflag:$0x3], $0x80, v8, vm0, $0xb8;
	[tilespmem:$0x15080] =	vst v63  }
.LBB2_28:
0x28f: {  	s8 =	sadd.s32 $0x40, s8  }
0x290: {  	p2 =	sne.s32 s8, $0x200  }
.Ltmp18:
0x291: {  	_ = 	snop;
	(pc) =	sbr.rel @!p2 .LBB2_29-.Ltmp18, $2  }
0x292: {  	_ =	sdelay $0x2  }
0x293: {  	s18 =	sadd.s32 $0x40, s18;
	s21 =	sadd.s32 $0x40, s21  }
.LBB2_22:
0x294: {  	p2 =	sge.s32 s8, s23  }
.Ltmp19:
0x295: {  	_ = 	snop;
	(pc) =	sbr.rel @p2 .LBB2_25-.Ltmp19, $1  }
0x296: {  	_ =	sdelay $0x3  }
0x297: {  	p2 =	seq.s32 s8, $0x0  }
0x298: {  	s19 =	simm.s32 @!p2 $0x3  }
0x299: {  	_ =	swait.ge @!p2 [sflag:s19], $0x6000  }
0x29a: {  	[sflag:s19] =	ssyncset.done @!p2 $0x0  }
0x29b: {  	[sflag:s19] =	ssyncadd.s32 @!p2 $0xFFFFA000  }
0x29c: {  	v8 =	vld [tilespmem:s18+$0xFFFFFFD0];
	_ =	sdelay $0x4  }
0x29d: {  	[tilespmem:$0x1000] =	vst v8  }
0x29e: {  	v8 =	vld [tilespmem:s21+$0xFFFFFFD0];
	_ =	sdelay $0x1  }
0x29f: {  	v9 =	vld [tilespmem:$0x1000];
	_ =	sdelay $0x2  }
0x2a0: {  	[tilespmem:$0x1100] =	vst v8  }
0x2a1: {  	v8 =	vld [tilespmem:s18+$0xFFFFFFE0]  }
0x2a2: {  	v10 =	vshrl.u32 v9, $0x3  }
0x2a3: {  	v10 =	vmul.u32 $0x30, v10  }
0x2a4: {  	v9 =	vand.u32 $0x7, v9  }
0x2a5: {  	v9 =	vor.u32 v9, v10  }
0x2a6: {  	[tilespmem:$0x1010] =	vst v8;
	v8 =	vperm.xlane v9, v3  }
0x2a7: {  	v62 =	vld [tilespmem:s21+$0xFFFFFFE0]  }
0x2a8: {  	v8 =	vadd.s32 v4, v8;
	_ =	sdelay $0x3  }
0x2a9: {  	v9 =	vperm.xlane v9, v5;
	[tilespmem:$0x1110] =	vst v62  }
0x2aa: {  	[tilespmem:s28], [sflag:$0x1] =	stream.indirect_vreg.gather [hbm4b:s2+s6], $0x80, v8, vm0, $0xb8;
	[tilespmem:$0x15080] =	vst v63  }
0x2ab: {  	v9 =	vadd.s32 v4, v9  }
0x2ac: {  	[tilespmem:s24], [sflag:$0x1] =	stream.indirect_vreg.gather [hbm4b:s15+s6], $0x80, v8, vm0, $0xb8;
	[tilespmem:$0x15080] =	vst v63  }
0x2ad: {  	s19 =	simm.s32 $0x2200  }
0x2ae: {  	[tilespmem:s19], [sflag:$0x1] =	stream.indirect_vreg.gather [hbm4b:s17+s6], $0x80, v8, vm0, $0xb8;
	[tilespmem:$0x15080] =	vst v63  }
0x2af: {  	s19 =	simm.s32 $0x2A00  }
0x2b0: {  	[tilespmem:s19], [sflag:$0x1] =	stream.indirect_vreg.gather [hbm4b:s2+s6], $0x80, v9, vm0, $0xb8;
	[tilespmem:$0x15080] =	vst v63  }
0x2b1: {  	s19 =	simm.s32 $0x3200  }
0x2b2: {  	[tilespmem:s19], [sflag:$0x1] =	stream.indirect_vreg.gather [hbm4b:s15+s6], $0x80, v9, vm0, $0xb8;
	[tilespmem:$0x15080] =	vst v63  }
0x2b3: {  	s19 =	simm.s32 $0x3A00  }
0x2b4: {  	[tilespmem:s19], [sflag:$0x1] =	stream.indirect_vreg.gather [hbm4b:s17+s6], $0x80, v9, vm0, $0xb8;
	[tilespmem:$0x15080] =	vst v63  }
0x2b5: {  	v8 =	vld [tilespmem:$0x1010];
	_ =	sdelay $0x4  }
0x2b6: {  	v63 =	vshrl.u32 v8, $0x3  }
0x2b7: {  	v9 =	vmul.u32 $0x30, v63  }
0x2b8: {  	v8 =	vand.u32 $0x7, v8  }
0x2b9: {  	v8 =	vor.u32 v8, v9  }
0x2ba: {  	v9 =	vperm.xlane v8, v3;
	_ =	sdelay $0x1  }
0x2bb: {  	v9 =	vadd.s32 v4, v9;
	_ =	sdelay $0x3  }
0x2bc: {  	s19 =	simm.s32 $0x4200;
	v8 =	vperm.xlane v8, v5  }
0x2bd: {  	[tilespmem:s19], [sflag:$0x1] =	stream.indirect_vreg.gather [hbm4b:s2+s6], $0x80, v9, vm0, $0xb8;
	[tilespmem:$0x15080] =	vst v63  }
0x2be: {  	v8 =	vadd.s32 v4, v8;
	s19 =	simm.s32 $0x4A00  }
0x2bf: {  	[tilespmem:s19], [sflag:$0x1] =	stream.indirect_vreg.gather [hbm4b:s15+s6], $0x80, v9, vm0, $0xb8;
	[tilespmem:$0x15080] =	vst v63  }
0x2c0: {  	s19 =	simm.s32 $0x5200  }
0x2c1: {  	[tilespmem:s19], [sflag:$0x1] =	stream.indirect_vreg.gather [hbm4b:s17+s6], $0x80, v9, vm0, $0xb8;
	[tilespmem:$0x15080] =	vst v63  }
0x2c2: {  	s19 =	simm.s32 $0x5A00  }
0x2c3: {  	[tilespmem:s19], [sflag:$0x1] =	stream.indirect_vreg.gather [hbm4b:s2+s6], $0x80, v8, vm0, $0xb8;
	[tilespmem:$0x15080] =	vst v63  }
.Ltmp20:
0x2c4: {  	_ = 	snop;
	(pc) =	sbr.rel @p2 .LBB2_54-.Ltmp20, $4  }
0x2c5: {  	s19 =	simm.s32 $0x6200  }
0x2c6: {  	[tilespmem:s19], [sflag:$0x1] =	stream.indirect_vreg.gather [hbm4b:s15+s6], $0x80, v8, vm0, $0xb8;
	[tilespmem:$0x15080] =	vst v63  }
0x2c7: {  	s19 =	simm.s32 $0x6A00  }
0x2c8: {  	[tilespmem:s19], [sflag:$0x1] =	stream.indirect_vreg.gather [hbm4b:s17+s6], $0x80, v8, vm0, $0xb8;
	[tilespmem:$0x15080] =	vst v63  }
0x2c9: {  	s19 =	simm.s32 $0x2  }
0x2ca: {  	_ =	swait.ge [sflag:s19], $0x6000  }
0x2cb: {  	[sflag:s19] =	ssyncset.done $0x0  }
0x2cc: {  	[sflag:s19] =	ssyncadd.s32 $0xFFFFA000  }
0x2cd: {  	v8 =	vld [tilespmem:$0x1180];
	_ =	sdelay $0x4  }
0x2ce: {  	v9 =	vshrl.u32 v8, $0x3  }
0x2cf: {  	v9 =	vmul.u32 $0x30, v9  }
0x2d0: {  	v8 =	vand.u32 $0x7, v8  }
0x2d1: {  	v8 =	vor.u32 v8, v9  }
0x2d2: {  	v9 =	vperm.xlane v8, v3;
	_ =	sdelay $0x1  }
0x2d3: {  	v9 =	vadd.s32 v4, v9;
	_ =	sdelay $0x3  }
0x2d4: {  	v8 =	vperm.xlane v8, v5  }
0x2d5: {  	[hbm4b:s5+s6] =	stream.indirect_vreg.scatter [tilespmem:s20], [sflag:$0x4], $0x80, v9, vm0, $0xb8;
	[tilespmem:$0x15080] =	vst v63  }
0x2d6: {  	s19 =	simm.s32 $0x7A00;
	v8 =	vadd.s32 v4, v8  }
0x2d7: {  	[hbm4b:s13+s6] =	stream.indirect_vreg.scatter [tilespmem:s19], [sflag:$0x4], $0x80, v9, vm0, $0xb8;
	[tilespmem:$0x15080] =	vst v63  }
0x2d8: {  	s19 =	simm.s32 $0x8200  }
0x2d9: {  	[hbm4b:s14+s6] =	stream.indirect_vreg.scatter [tilespmem:s19], [sflag:$0x4], $0x80, v9, vm0, $0xb8;
	[tilespmem:$0x15080] =	vst v63  }
0x2da: {  	s19 =	simm.s32 $0x8A00  }
0x2db: {  	[hbm4b:s5+s6] =	stream.indirect_vreg.scatter [tilespmem:s19], [sflag:$0x4], $0x80, v8, vm0, $0xb8;
	[tilespmem:$0x15080] =	vst v63  }
0x2dc: {  	s19 =	simm.s32 $0x9200  }
0x2dd: {  	[hbm4b:s13+s6] =	stream.indirect_vreg.scatter [tilespmem:s19], [sflag:$0x4], $0x80, v8, vm0, $0xb8;
	[tilespmem:$0x15080] =	vst v63  }
0x2de: {  	s19 =	simm.s32 $0x9A00  }
0x2df: {  	[hbm4b:s14+s6] =	stream.indirect_vreg.scatter [tilespmem:s19], [sflag:$0x4], $0x80, v8, vm0, $0xb8;
	[tilespmem:$0x15080] =	vst v63  }
0x2e0: {  	v8 =	vld [tilespmem:$0x1190];
	_ =	sdelay $0x4  }
0x2e1: {  	v63 =	vshrl.u32 v8, $0x3  }
0x2e2: {  	v9 =	vmul.u32 $0x30, v63  }
0x2e3: {  	v8 =	vand.u32 $0x7, v8  }
0x2e4: {  	v8 =	vor.u32 v8, v9  }
0x2e5: {  	v9 =	vperm.xlane v8, v3;
	_ =	sdelay $0x1  }
0x2e6: {  	v9 =	vadd.s32 v4, v9;
	_ =	sdelay $0x3  }
0x2e7: {  	s19 =	simm.s32 $0xA200;
	v8 =	vperm.xlane v8, v5  }
0x2e8: {  	[hbm4b:s5+s6] =	stream.indirect_vreg.scatter [tilespmem:s19], [sflag:$0x4], $0x80, v9, vm0, $0xb8;
	[tilespmem:$0x15080] =	vst v63  }
0x2e9: {  	v8 =	vadd.s32 v4, v8;
	s19 =	simm.s32 $0xAA00  }
0x2ea: {  	[hbm4b:s13+s6] =	stream.indirect_vreg.scatter [tilespmem:s19], [sflag:$0x4], $0x80, v9, vm0, $0xb8;
	[tilespmem:$0x15080] =	vst v63  }
0x2eb: {  	s19 =	simm.s32 $0xB200  }
0x2ec: {  	[hbm4b:s14+s6] =	stream.indirect_vreg.scatter [tilespmem:s19], [sflag:$0x4], $0x80, v9, vm0, $0xb8;
	[tilespmem:$0x15080] =	vst v63  }
0x2ed: {  	s19 =	simm.s32 $0xBA00  }
0x2ee: {  	[hbm4b:s5+s6] =	stream.indirect_vreg.scatter [tilespmem:s19], [sflag:$0x4], $0x80, v8, vm0, $0xb8;
	[tilespmem:$0x15080] =	vst v63  }
0x2ef: {  	s19 =	simm.s32 $0xC200  }
0x2f0: {  	[hbm4b:s13+s6] =	stream.indirect_vreg.scatter [tilespmem:s19], [sflag:$0x4], $0x80, v8, vm0, $0xb8;
	[tilespmem:$0x15080] =	vst v63  }
0x2f1: {  	s19 =	simm.s32 $0xCA00  }
0x2f2: {  	[hbm4b:s14+s6] =	stream.indirect_vreg.scatter [tilespmem:s19], [sflag:$0x4], $0x80, v8, vm0, $0xb8;
	[tilespmem:$0x15080] =	vst v63  }
.LBB2_25:
0x2f3: {  	s19 =	sadd.s32 $0x20, s8  }
0x2f4: {  	p2 =	slt.s32 s19, s23  }
.Ltmp21:
0x2f5: {  	_ = 	snop;
	(pc) =	sbr.rel @!p2 .LBB2_28-.Ltmp21, $1  }
0x2f6: {  	_ =	sdelay $0x3  }
.Ltmp22:
0x2f7: {  	p2 =	seq.s32 s8, $0x0;
	(pc) =	sbr.rel .LBB2_27-.Ltmp22, $4  }
0x2f8: {  	s24 =	simm.s32 @!p2 $0x4  }
0x2f9: {  	_ =	swait.ge @!p2 [sflag:s24], $0x6000  }
0x2fa: {  	[sflag:s24] =	ssyncset.done @!p2 $0x0  }
0x2fb: {  	[sflag:s24] =	ssyncadd.s32 @!p2 $0xFFFFA000;
	s24 =	simm.s32 $0x1A00  }
.LBB2_54:
.Ltmp23:
0x2fc: {  	(pc) =	sbr.rel @p1 .LBB2_27-.Ltmp23, $4  }
.Ltmp24:
0x2fd: {  	(pc) =	sbr.rel @!p1 .LBB2_28-.Ltmp24, $4  }
0x2fe: {  	_ = 	snop  }
0x2ff: {  	_ = 	snop  }
0x300: {  	s19 =	simm.s32 $0x20  }
0x301: {  	_ = 	snop  }
.LBB2_29:
0x302: {  	s8 =	rddreg [dreg:$0x15]  }
0x303: {  	s8 =	sand.u32 $0x1, s8  }
0x304: {  	p1 =	slt.s32 s23, $0x1;
	p2 =	seq.s32 s8, $0x1  }
0x305: {  	p2 =	por !p2, p1  }
0x306: {  	s18 =	simm.s32 @!p2 $0x1  }
0x307: {  	_ =	swait.ge @!p2 [sflag:s18], $0x6000  }
0x308: {  	[sflag:s18] =	ssyncset.done @!p2 $0x0  }
0x309: {  	[sflag:s18] =	ssyncadd.s32 @!p2 $0xFFFFA000  }
0x30a: {  	v8 =	vld @!p2 [tilespmem:$0x1100];
	_ =	sdelay $0x4  }
0x30b: {  	v9 =	vshrl.u32 @!p2 v8, $0x3  }
0x30c: {  	v9 =	vmul.u32 @!p2 $0x30, v9  }
0x30d: {  	v10 =	vlaneseq.u32 @!p2;
	v8 =	vand.u32 @!p2 $0x7, v8  }
0x30e: {  	v11 =	vshrl.u32 @!p2 v10, $0x3;
	v8 =	vor.u32 @!p2 v8, v9;
	v9 =	vand.u32 @!p2 $0x7, v10  }
0x30f: {  	v11 =	vmul.u32 @!p2 $0x8, v11;
	v12 =	vperm.xlane @!p2 v8, v9;
	_ =	sdelay $0x1  }
0x310: {  	v12 =	vadd.s32 @!p2 v11, v12;
	_ =	sdelay $0x2  }
0x311: {  	v10 =	vor.u32 @!p2 $0x8, v10  }
0x312: {  	vm1 =	vmmov @!p2 $0xffff;
	s19 =	simm.s32 @!p2 $0x1200;
	s18 =	simm.s32 @!p2 $0x0;
	v8 =	vperm.xlane @!p2 v8, v10  }
0x313: {  	[hbm4b:s5+s18] =	stream.indirect_vreg.scatter @!p2 [tilespmem:s19], [sflag:$0x3], $0x80, v12, vm1, $0xb8;
	[tilespmem:$0x15080] =	vst v63  }
0x314: {  	v8 =	vadd.s32 @!p2 v11, v8;
	s19 =	simm.s32 @!p2 $0x1A00  }
0x315: {  	[hbm4b:s13+s18] =	stream.indirect_vreg.scatter @!p2 [tilespmem:s19], [sflag:$0x3], $0x80, v12, vm1, $0xb8;
	[tilespmem:$0x15080] =	vst v63  }
0x316: {  	s19 =	simm.s32 @!p2 $0x2200  }
0x317: {  	[hbm4b:s14+s18] =	stream.indirect_vreg.scatter @!p2 [tilespmem:s19], [sflag:$0x3], $0x80, v12, vm1, $0xb8;
	[tilespmem:$0x15080] =	vst v63  }
0x318: {  	s19 =	simm.s32 @!p2 $0x2A00  }
0x319: {  	[hbm4b:s5+s18] =	stream.indirect_vreg.scatter @!p2 [tilespmem:s19], [sflag:$0x3], $0x80, v8, vm1, $0xb8;
	[tilespmem:$0x15080] =	vst v63  }
0x31a: {  	s19 =	simm.s32 @!p2 $0x3200  }
0x31b: {  	[hbm4b:s13+s18] =	stream.indirect_vreg.scatter @!p2 [tilespmem:s19], [sflag:$0x3], $0x80, v8, vm1, $0xb8;
	[tilespmem:$0x15080] =	vst v63  }
0x31c: {  	s19 =	simm.s32 @!p2 $0x3A00  }
0x31d: {  	[hbm4b:s14+s18] =	stream.indirect_vreg.scatter @!p2 [tilespmem:s19], [sflag:$0x3], $0x80, v8, vm1, $0xb8;
	[tilespmem:$0x15080] =	vst v63  }
0x31e: {  	v8 =	vld @!p2 [tilespmem:$0x1110];
	_ =	sdelay $0x4  }
0x31f: {  	v12 =	vshrl.u32 @!p2 v8, $0x3  }
0x320: {  	v12 =	vmul.u32 @!p2 $0x30, v12  }
0x321: {  	v8 =	vand.u32 @!p2 $0x7, v8  }
0x322: {  	v8 =	vor.u32 @!p2 v8, v12  }
0x323: {  	v9 =	vperm.xlane @!p2 v8, v9;
	_ =	sdelay $0x1  }
0x324: {  	v9 =	vadd.s32 @!p2 v11, v9;
	_ =	sdelay $0x3  }
0x325: {  	s19 =	simm.s32 @!p2 $0x4200;
	v8 =	vperm.xlane @!p2 v8, v10  }
0x326: {  	[hbm4b:s5+s18] =	stream.indirect_vreg.scatter @!p2 [tilespmem:s19], [sflag:$0x3], $0x80, v9, vm1, $0xb8;
	[tilespmem:$0x15080] =	vst v63  }
0x327: {  	v8 =	vadd.s32 @!p2 v11, v8;
	s19 =	simm.s32 @!p2 $0x4A00  }
0x328: {  	[hbm4b:s13+s18] =	stream.indirect_vreg.scatter @!p2 [tilespmem:s19], [sflag:$0x3], $0x80, v9, vm1, $0xb8;
	[tilespmem:$0x15080] =	vst v63  }
0x329: {  	s19 =	simm.s32 @!p2 $0x5200  }
0x32a: {  	[hbm4b:s14+s18] =	stream.indirect_vreg.scatter @!p2 [tilespmem:s19], [sflag:$0x3], $0x80, v9, vm1, $0xb8;
	[tilespmem:$0x15080] =	vst v63  }
0x32b: {  	s19 =	simm.s32 @!p2 $0x5A00  }
0x32c: {  	[hbm4b:s5+s18] =	stream.indirect_vreg.scatter @!p2 [tilespmem:s19], [sflag:$0x3], $0x80, v8, vm1, $0xb8;
	[tilespmem:$0x15080] =	vst v63  }
0x32d: {  	s19 =	simm.s32 @!p2 $0x6200  }
0x32e: {  	[hbm4b:s13+s18] =	stream.indirect_vreg.scatter @!p2 [tilespmem:s19], [sflag:$0x3], $0x80, v8, vm1, $0xb8;
	[tilespmem:$0x15080] =	vst v63  }
0x32f: {  	s19 =	simm.s32 @!p2 $0x6A00  }
0x330: {  	[hbm4b:s14+s18] =	stream.indirect_vreg.scatter @!p2 [tilespmem:s19], [sflag:$0x3], $0x80, v8, vm1, $0xb8;
	[tilespmem:$0x15080] =	vst v63  }
0x331: {  	p2 =	sne.s32 @!p1 s8, $0x0  }
0x332: {  	p2 =	por p1, p2  }
.Ltmp25:
0x333: {  	_ = 	snop;
	(pc) =	sbr.rel @p2 .LBB2_31-.Ltmp25, $1  }
0x334: {  	_ =	sdelay $0x3  }
0x335: {  	s8 =	simm.s32 $0x2  }
0x336: {  	_ =	swait.ge [sflag:s8], $0x6000  }
0x337: {  	[sflag:s8] =	ssyncset.done $0x0  }
0x338: {  	[sflag:s8] =	ssyncadd.s32 $0xFFFFA000  }
0x339: {  	v8 =	vld [tilespmem:$0x1180];
	_ =	sdelay $0x4  }
0x33a: {  	v9 =	vshrl.u32 v8, $0x3  }
0x33b: {  	v9 =	vmul.u32 $0x30, v9  }
0x33c: {  	v8 =	vand.u32 $0x7, v8  }
0x33d: {  	v8 =	vor.u32 v8, v9  }
0x33e: {  	v9 =	vperm.xlane v8, v3;
	_ =	sdelay $0x1  }
0x33f: {  	v9 =	vadd.s32 v4, v9;
	_ =	sdelay $0x3  }
0x340: {  	v8 =	vperm.xlane v8, v5  }
0x341: {  	[hbm4b:s5+s6] =	stream.indirect_vreg.scatter [tilespmem:s20], [sflag:$0x4], $0x80, v9, vm0, $0xb8;
	[tilespmem:$0x15080] =	vst v63  }
0x342: {  	s19 =	simm.s32 $0x7A00;
	v8 =	vadd.s32 v4, v8  }
0x343: {  	[hbm4b:s13+s6] =	stream.indirect_vreg.scatter [tilespmem:s19], [sflag:$0x4], $0x80, v9, vm0, $0xb8;
	[tilespmem:$0x15080] =	vst v63  }
0x344: {  	s21 =	simm.s32 $0x8200  }
0x345: {  	[hbm4b:s14+s6] =	stream.indirect_vreg.scatter [tilespmem:s21], [sflag:$0x4], $0x80, v9, vm0, $0xb8;
	[tilespmem:$0x15080] =	vst v63  }
0x346: {  	s18 =	simm.s32 $0x8A00  }
0x347: {  	[hbm4b:s5+s6] =	stream.indirect_vreg.scatter [tilespmem:s18], [sflag:$0x4], $0x80, v8, vm0, $0xb8;
	[tilespmem:$0x15080] =	vst v63  }
0x348: {  	s19 =	simm.s32 $0x9200  }
0x349: {  	[hbm4b:s13+s6] =	stream.indirect_vreg.scatter [tilespmem:s19], [sflag:$0x4], $0x80, v8, vm0, $0xb8;
	[tilespmem:$0x15080] =	vst v63  }
0x34a: {  	s21 =	simm.s32 $0x9A00  }
0x34b: {  	[hbm4b:s14+s6] =	stream.indirect_vreg.scatter [tilespmem:s21], [sflag:$0x4], $0x80, v8, vm0, $0xb8;
	[tilespmem:$0x15080] =	vst v63  }
0x34c: {  	v8 =	vld [tilespmem:$0x1190];
	_ =	sdelay $0x4  }
0x34d: {  	v63 =	vshrl.u32 v8, $0x3  }
0x34e: {  	v9 =	vmul.u32 $0x30, v63  }
0x34f: {  	v8 =	vand.u32 $0x7, v8  }
0x350: {  	v8 =	vor.u32 v8, v9  }
0x351: {  	v9 =	vperm.xlane v8, v3;
	_ =	sdelay $0x1  }
0x352: {  	v9 =	vadd.s32 v4, v9;
	_ =	sdelay $0x3  }
0x353: {  	s18 =	simm.s32 $0xA200;
	v8 =	vperm.xlane v8, v5  }
0x354: {  	[hbm4b:s5+s6] =	stream.indirect_vreg.scatter [tilespmem:s18], [sflag:$0x4], $0x80, v9, vm0, $0xb8;
	[tilespmem:$0x15080] =	vst v63  }
0x355: {  	s19 =	simm.s32 $0xAA00;
	v8 =	vadd.s32 v4, v8  }
0x356: {  	[hbm4b:s13+s6] =	stream.indirect_vreg.scatter [tilespmem:s19], [sflag:$0x4], $0x80, v9, vm0, $0xb8;
	[tilespmem:$0x15080] =	vst v63  }
0x357: {  	s21 =	simm.s32 $0xB200  }
0x358: {  	[hbm4b:s14+s6] =	stream.indirect_vreg.scatter [tilespmem:s21], [sflag:$0x4], $0x80, v9, vm0, $0xb8;
	[tilespmem:$0x15080] =	vst v63  }
0x359: {  	s18 =	simm.s32 $0xBA00  }
0x35a: {  	[hbm4b:s5+s6] =	stream.indirect_vreg.scatter [tilespmem:s18], [sflag:$0x4], $0x80, v8, vm0, $0xb8;
	[tilespmem:$0x15080] =	vst v63  }
.Ltmp26:
0x35b: {  	_ = 	snop;
	(pc) =	sbr.rel .LBB2_32-.Ltmp26, $4  }
0x35c: {  	s19 =	simm.s32 $0xC200  }
0x35d: {  	[hbm4b:s13+s6] =	stream.indirect_vreg.scatter [tilespmem:s19], [sflag:$0x4], $0x80, v8, vm0, $0xb8;
	[tilespmem:$0x15080] =	vst v63  }
0x35e: {  	s21 =	simm.s32 $0xCA00  }
0x35f: {  	[hbm4b:s14+s6] =	stream.indirect_vreg.scatter [tilespmem:s21], [sflag:$0x4], $0x80, v8, vm0, $0xb8;
	[tilespmem:$0x15080] =	vst v63  }
.LBB2_31:
.Ltmp27:
0x360: {  	(pc) =	sbr.rel @p1 .LBB2_33-.Ltmp27, $1  }
0x361: {  	_ =	sdelay $0x3  }
.LBB2_32:
0x362: {  	s8 =	simm.s32 $0x3  }
0x363: {  	_ =	swait.ge [sflag:s8], $0x6000  }
0x364: {  	p1 =	slt.u32 s23, $0x21;
	[sflag:s8] =	ssyncset.done $0x0  }
0x365: {  	[sflag:s8] =	ssyncadd.s32 $0xFFFFA000;
	s8 =	simm.s32 @!p1 $0x4  }
0x366: {  	_ =	swait.ge @!p1 [sflag:s8], $0x6000  }
0x367: {  	[sflag:s8] =	ssyncset.done @!p1 $0x0  }
0x368: {  	[sflag:s8] =	ssyncadd.s32 @!p1 $0xFFFFA000  }
.LBB2_33:
.Ltmp28:
0x369: {  	(pc) =	sbr.rel .LBB2_34-.Ltmp28, $3  }
0x36a: {  	_ =	sdelay $0x1  }
0x36b: {  	s8 =	simm.s32 $0x0  }
0x36c: {  	s18 =	simm.s32 $0x830;
	s21 =	simm.s32 $0xE30;
	p1 =	sgt.u32 s22, $0x20  }
.LBB2_39:
0x36d: {  	v8 =	vld [tilespmem:s19+$0x800];
	_ =	sdelay $0x4  }
0x36e: {  	[tilespmem:$0x1080] =	vst v8  }
0x36f: {  	v8 =	vld [tilespmem:s19+$0xE00];
	_ =	sdelay $0x1  }
0x370: {  	v9 =	vld [tilespmem:$0x1080];
	_ =	sdelay $0x2  }
0x371: {  	[tilespmem:$0x1180] =	vst v8  }
0x372: {  	v8 =	vld [tilespmem:s18+$0x0]  }
0x373: {  	v10 =	vshrl.u32 v9, $0x3  }
0x374: {  	v10 =	vmul.u32 $0x30, v10  }
0x375: {  	v9 =	vand.u32 $0x7, v9  }
0x376: {  	v9 =	vor.u32 v9, v10  }
0x377: {  	[tilespmem:$0x1090] =	vst v8;
	v8 =	vperm.xlane v9, v3  }
0x378: {  	v60 =	vld [tilespmem:s21+$0x0]  }
0x379: {  	v8 =	vadd.s32 v4, v8;
	_ =	sdelay $0x3  }
0x37a: {  	v9 =	vperm.xlane v9, v5;
	[tilespmem:$0x1190] =	vst v60  }
0x37b: {  	[tilespmem:s20], [sflag:$0x2] =	stream.indirect_vreg.gather [hbm4b:s3+s6], $0x80, v8, vm0, $0xb8;
	[tilespmem:$0x15080] =	vst v63  }
0x37c: {  	s23 =	simm.s32 $0x7A00;
	v9 =	vadd.s32 v4, v9  }
0x37d: {  	[tilespmem:s23], [sflag:$0x2] =	stream.indirect_vreg.gather [hbm4b:s25+s6], $0x80, v8, vm0, $0xb8;
	[tilespmem:$0x15080] =	vst v63  }
0x37e: {  	s23 =	simm.s32 $0x8200  }
0x37f: {  	[tilespmem:s23], [sflag:$0x2] =	stream.indirect_vreg.gather [hbm4b:s26+s6], $0x80, v8, vm0, $0xb8;
	[tilespmem:$0x15080] =	vst v63  }
0x380: {  	s23 =	simm.s32 $0x8A00  }
0x381: {  	[tilespmem:s23], [sflag:$0x2] =	stream.indirect_vreg.gather [hbm4b:s3+s6], $0x80, v9, vm0, $0xb8;
	[tilespmem:$0x15080] =	vst v63  }
0x382: {  	s23 =	simm.s32 $0x9200  }
0x383: {  	[tilespmem:s23], [sflag:$0x2] =	stream.indirect_vreg.gather [hbm4b:s25+s6], $0x80, v9, vm0, $0xb8;
	[tilespmem:$0x15080] =	vst v63  }
0x384: {  	s23 =	simm.s32 $0x9A00  }
0x385: {  	[tilespmem:s23], [sflag:$0x2] =	stream.indirect_vreg.gather [hbm4b:s26+s6], $0x80, v9, vm0, $0xb8;
	[tilespmem:$0x15080] =	vst v63  }
0x386: {  	v8 =	vld [tilespmem:$0x1090];
	_ =	sdelay $0x4  }
0x387: {  	v61 =	vshrl.u32 v8, $0x3  }
0x388: {  	v9 =	vmul.u32 $0x30, v61  }
0x389: {  	v8 =	vand.u32 $0x7, v8  }
0x38a: {  	v8 =	vor.u32 v8, v9  }
0x38b: {  	v9 =	vperm.xlane v8, v3;
	_ =	sdelay $0x1  }
0x38c: {  	v9 =	vadd.s32 v4, v9;
	_ =	sdelay $0x3  }
0x38d: {  	s23 =	simm.s32 $0xA200;
	v8 =	vperm.xlane v8, v5  }
0x38e: {  	[tilespmem:s23], [sflag:$0x2] =	stream.indirect_vreg.gather [hbm4b:s3+s6], $0x80, v9, vm0, $0xb8;
	[tilespmem:$0x15080] =	vst v63  }
0x38f: {  	v8 =	vadd.s32 v4, v8;
	s23 =	simm.s32 $0xAA00  }
0x390: {  	[tilespmem:s23], [sflag:$0x2] =	stream.indirect_vreg.gather [hbm4b:s25+s6], $0x80, v9, vm0, $0xb8;
	[tilespmem:$0x15080] =	vst v63  }
0x391: {  	s23 =	simm.s32 $0xB200  }
0x392: {  	[tilespmem:s23], [sflag:$0x2] =	stream.indirect_vreg.gather [hbm4b:s26+s6], $0x80, v9, vm0, $0xb8;
	[tilespmem:$0x15080] =	vst v63  }
0x393: {  	s23 =	simm.s32 $0xBA00  }
0x394: {  	[tilespmem:s23], [sflag:$0x2] =	stream.indirect_vreg.gather [hbm4b:s3+s6], $0x80, v8, vm0, $0xb8;
	[tilespmem:$0x15080] =	vst v63  }
0x395: {  	s23 =	simm.s32 $0xC200  }
0x396: {  	[tilespmem:s23], [sflag:$0x2] =	stream.indirect_vreg.gather [hbm4b:s25+s6], $0x80, v8, vm0, $0xb8;
	[tilespmem:$0x15080] =	vst v63  }
0x397: {  	s23 =	simm.s32 $0xCA00  }
0x398: {  	[tilespmem:s23], [sflag:$0x2] =	stream.indirect_vreg.gather [hbm4b:s26+s6], $0x80, v8, vm0, $0xb8;
	[tilespmem:$0x15080] =	vst v63  }
0x399: {  	_ =	swait.ge [sflag:s7], $0x6000  }
0x39a: {  	[sflag:s7] =	ssyncset.done $0x0  }
0x39b: {  	[sflag:s7] =	ssyncadd.s32 $0xFFFFA000  }
0x39c: {  	v8 =	vld [tilespmem:$0x1100];
	_ =	sdelay $0x4  }
0x39d: {  	v62 =	vshrl.u32 v8, $0x3  }
0x39e: {  	v9 =	vmul.u32 $0x30, v62  }
0x39f: {  	v8 =	vand.u32 $0x7, v8  }
0x3a0: {  	v8 =	vor.u32 v8, v9  }
0x3a1: {  	v9 =	vperm.xlane v8, v3;
	_ =	sdelay $0x1  }
0x3a2: {  	v9 =	vadd.s32 v4, v9;
	_ =	sdelay $0x3  }
0x3a3: {  	v8 =	vperm.xlane v8, v5  }
0x3a4: {  	[hbm4b:s5+s6] =	stream.indirect_vreg.scatter [tilespmem:s28], [sflag:$0x3], $0x80, v9, vm0, $0xb8;
	[tilespmem:$0x15080] =	vst v63  }
0x3a5: {  	v8 =	vadd.s32 v4, v8  }
0x3a6: {  	[hbm4b:s13+s6] =	stream.indirect_vreg.scatter [tilespmem:s24], [sflag:$0x3], $0x80, v9, vm0, $0xb8;
	[tilespmem:$0x15080] =	vst v63  }
0x3a7: {  	s23 =	simm.s32 $0x2200  }
0x3a8: {  	[hbm4b:s14+s6] =	stream.indirect_vreg.scatter [tilespmem:s23], [sflag:$0x3], $0x80, v9, vm0, $0xb8;
	[tilespmem:$0x15080] =	vst v63  }
0x3a9: {  	s23 =	simm.s32 $0x2A00  }
0x3aa: {  	[hbm4b:s5+s6] =	stream.indirect_vreg.scatter [tilespmem:s23], [sflag:$0x3], $0x80, v8, vm0, $0xb8;
	[tilespmem:$0x15080] =	vst v63  }
0x3ab: {  	s23 =	simm.s32 $0x3200  }
0x3ac: {  	[hbm4b:s13+s6] =	stream.indirect_vreg.scatter [tilespmem:s23], [sflag:$0x3], $0x80, v8, vm0, $0xb8;
	[tilespmem:$0x15080] =	vst v63  }
0x3ad: {  	s23 =	simm.s32 $0x3A00  }
0x3ae: {  	[hbm4b:s14+s6] =	stream.indirect_vreg.scatter [tilespmem:s23], [sflag:$0x3], $0x80, v8, vm0, $0xb8;
	[tilespmem:$0x15080] =	vst v63  }
0x3af: {  	v8 =	vld [tilespmem:$0x1110];
	_ =	sdelay $0x4  }
0x3b0: {  	v63 =	vshrl.u32 v8, $0x3  }
0x3b1: {  	v9 =	vmul.u32 $0x30, v63  }
0x3b2: {  	v8 =	vand.u32 $0x7, v8  }
0x3b3: {  	v8 =	vor.u32 v8, v9  }
0x3b4: {  	v9 =	vperm.xlane v8, v3;
	_ =	sdelay $0x1  }
0x3b5: {  	v9 =	vadd.s32 v4, v9;
	_ =	sdelay $0x3  }
0x3b6: {  	s23 =	simm.s32 $0x4200;
	v8 =	vperm.xlane v8, v5  }
0x3b7: {  	[hbm4b:s5+s6] =	stream.indirect_vreg.scatter [tilespmem:s23], [sflag:$0x3], $0x80, v9, vm0, $0xb8;
	[tilespmem:$0x15080] =	vst v63  }
0x3b8: {  	v8 =	vadd.s32 v4, v8;
	s23 =	simm.s32 $0x4A00  }
0x3b9: {  	[hbm4b:s13+s6] =	stream.indirect_vreg.scatter [tilespmem:s23], [sflag:$0x3], $0x80, v9, vm0, $0xb8;
	[tilespmem:$0x15080] =	vst v63  }
0x3ba: {  	s23 =	simm.s32 $0x5200  }
0x3bb: {  	[hbm4b:s14+s6] =	stream.indirect_vreg.scatter [tilespmem:s23], [sflag:$0x3], $0x80, v9, vm0, $0xb8;
	[tilespmem:$0x15080] =	vst v63  }
0x3bc: {  	s23 =	simm.s32 $0x5A00  }
0x3bd: {  	[hbm4b:s5+s6] =	stream.indirect_vreg.scatter [tilespmem:s23], [sflag:$0x3], $0x80, v8, vm0, $0xb8;
	[tilespmem:$0x15080] =	vst v63  }
0x3be: {  	s23 =	simm.s32 $0x6200  }
0x3bf: {  	[hbm4b:s13+s6] =	stream.indirect_vreg.scatter [tilespmem:s23], [sflag:$0x3], $0x80, v8, vm0, $0xb8;
	[tilespmem:$0x15080] =	vst v63  }
0x3c0: {  	s23 =	simm.s32 $0x6A00  }
0x3c1: {  	[hbm4b:s14+s6] =	stream.indirect_vreg.scatter [tilespmem:s23], [sflag:$0x3], $0x80, v8, vm0, $0xb8;
	[tilespmem:$0x15080] =	vst v63  }
.LBB2_40:
0x3c2: {  	s8 =	sadd.s32 $0x40, s8  }
0x3c3: {  	p2 =	sne.s32 s8, $0x200  }
.Ltmp29:
0x3c4: {  	_ = 	snop;
	(pc) =	sbr.rel @!p2 .LBB2_41-.Ltmp29, $2  }
0x3c5: {  	_ =	sdelay $0x2  }
0x3c6: {  	s18 =	sadd.s32 $0x40, s18;
	s21 =	sadd.s32 $0x40, s21  }
.LBB2_34:
0x3c7: {  	p2 =	sge.s32 s8, s22  }
.Ltmp30:
0x3c8: {  	_ = 	snop;
	(pc) =	sbr.rel @p2 .LBB2_37-.Ltmp30, $1  }
0x3c9: {  	_ =	sdelay $0x3  }
0x3ca: {  	p2 =	seq.s32 s8, $0x0  }
0x3cb: {  	s19 =	simm.s32 @!p2 $0x3  }
0x3cc: {  	_ =	swait.ge @!p2 [sflag:s19], $0x6000  }
0x3cd: {  	[sflag:s19] =	ssyncset.done @!p2 $0x0  }
0x3ce: {  	[sflag:s19] =	ssyncadd.s32 @!p2 $0xFFFFA000  }
0x3cf: {  	v8 =	vld [tilespmem:s18+$0xFFFFFFD0];
	_ =	sdelay $0x4  }
0x3d0: {  	[tilespmem:$0x1000] =	vst v8  }
0x3d1: {  	v8 =	vld [tilespmem:s21+$0xFFFFFFD0];
	_ =	sdelay $0x1  }
0x3d2: {  	v9 =	vld [tilespmem:$0x1000];
	_ =	sdelay $0x2  }
0x3d3: {  	[tilespmem:$0x1100] =	vst v8  }
0x3d4: {  	v8 =	vld [tilespmem:s18+$0xFFFFFFE0]  }
0x3d5: {  	v10 =	vshrl.u32 v9, $0x3  }
0x3d6: {  	v10 =	vmul.u32 $0x30, v10  }
0x3d7: {  	v9 =	vand.u32 $0x7, v9  }
0x3d8: {  	v9 =	vor.u32 v9, v10  }
0x3d9: {  	[tilespmem:$0x1010] =	vst v8;
	v8 =	vperm.xlane v9, v3  }
0x3da: {  	v62 =	vld [tilespmem:s21+$0xFFFFFFE0]  }
0x3db: {  	v8 =	vadd.s32 v4, v8;
	_ =	sdelay $0x3  }
0x3dc: {  	v9 =	vperm.xlane v9, v5;
	[tilespmem:$0x1110] =	vst v62  }
0x3dd: {  	[tilespmem:s28], [sflag:$0x1] =	stream.indirect_vreg.gather [hbm4b:s3+s6], $0x80, v8, vm0, $0xb8;
	[tilespmem:$0x15080] =	vst v63  }
0x3de: {  	v9 =	vadd.s32 v4, v9  }
0x3df: {  	[tilespmem:s24], [sflag:$0x1] =	stream.indirect_vreg.gather [hbm4b:s25+s6], $0x80, v8, vm0, $0xb8;
	[tilespmem:$0x15080] =	vst v63  }
0x3e0: {  	s23 =	simm.s32 $0x2200  }
0x3e1: {  	[tilespmem:s23], [sflag:$0x1] =	stream.indirect_vreg.gather [hbm4b:s26+s6], $0x80, v8, vm0, $0xb8;
	[tilespmem:$0x15080] =	vst v63  }
0x3e2: {  	s23 =	simm.s32 $0x2A00  }
0x3e3: {  	[tilespmem:s23], [sflag:$0x1] =	stream.indirect_vreg.gather [hbm4b:s3+s6], $0x80, v9, vm0, $0xb8;
	[tilespmem:$0x15080] =	vst v63  }
0x3e4: {  	s23 =	simm.s32 $0x3200  }
0x3e5: {  	[tilespmem:s23], [sflag:$0x1] =	stream.indirect_vreg.gather [hbm4b:s25+s6], $0x80, v9, vm0, $0xb8;
	[tilespmem:$0x15080] =	vst v63  }
0x3e6: {  	s23 =	simm.s32 $0x3A00  }
0x3e7: {  	[tilespmem:s23], [sflag:$0x1] =	stream.indirect_vreg.gather [hbm4b:s26+s6], $0x80, v9, vm0, $0xb8;
	[tilespmem:$0x15080] =	vst v63  }
0x3e8: {  	v8 =	vld [tilespmem:$0x1010];
	_ =	sdelay $0x4  }
0x3e9: {  	v63 =	vshrl.u32 v8, $0x3  }
0x3ea: {  	v9 =	vmul.u32 $0x30, v63  }
0x3eb: {  	v8 =	vand.u32 $0x7, v8  }
0x3ec: {  	v8 =	vor.u32 v8, v9  }
0x3ed: {  	v9 =	vperm.xlane v8, v3;
	_ =	sdelay $0x1  }
0x3ee: {  	v9 =	vadd.s32 v4, v9;
	_ =	sdelay $0x3  }
0x3ef: {  	s23 =	simm.s32 $0x4200;
	v8 =	vperm.xlane v8, v5  }
0x3f0: {  	[tilespmem:s23], [sflag:$0x1] =	stream.indirect_vreg.gather [hbm4b:s3+s6], $0x80, v9, vm0, $0xb8;
	[tilespmem:$0x15080] =	vst v63  }
0x3f1: {  	v8 =	vadd.s32 v4, v8;
	s23 =	simm.s32 $0x4A00  }
0x3f2: {  	[tilespmem:s23], [sflag:$0x1] =	stream.indirect_vreg.gather [hbm4b:s25+s6], $0x80, v9, vm0, $0xb8;
	[tilespmem:$0x15080] =	vst v63  }
0x3f3: {  	s23 =	simm.s32 $0x5200  }
0x3f4: {  	[tilespmem:s23], [sflag:$0x1] =	stream.indirect_vreg.gather [hbm4b:s26+s6], $0x80, v9, vm0, $0xb8;
	[tilespmem:$0x15080] =	vst v63  }
0x3f5: {  	s23 =	simm.s32 $0x5A00  }
0x3f6: {  	[tilespmem:s23], [sflag:$0x1] =	stream.indirect_vreg.gather [hbm4b:s3+s6], $0x80, v8, vm0, $0xb8;
	[tilespmem:$0x15080] =	vst v63  }
.Ltmp31:
0x3f7: {  	_ = 	snop;
	(pc) =	sbr.rel @p2 .LBB2_55-.Ltmp31, $4  }
0x3f8: {  	s23 =	simm.s32 $0x6200  }
0x3f9: {  	[tilespmem:s23], [sflag:$0x1] =	stream.indirect_vreg.gather [hbm4b:s25+s6], $0x80, v8, vm0, $0xb8;
	[tilespmem:$0x15080] =	vst v63  }
0x3fa: {  	s23 =	simm.s32 $0x6A00  }
0x3fb: {  	[tilespmem:s23], [sflag:$0x1] =	stream.indirect_vreg.gather [hbm4b:s26+s6], $0x80, v8, vm0, $0xb8;
	[tilespmem:$0x15080] =	vst v63  }
0x3fc: {  	s19 =	simm.s32 $0x2  }
0x3fd: {  	_ =	swait.ge [sflag:s19], $0x6000  }
0x3fe: {  	[sflag:s19] =	ssyncset.done $0x0  }
0x3ff: {  	[sflag:s19] =	ssyncadd.s32 $0xFFFFA000  }
0x400: {  	v8 =	vld [tilespmem:$0x1180];
	_ =	sdelay $0x4  }
0x401: {  	v9 =	vshrl.u32 v8, $0x3  }
0x402: {  	v9 =	vmul.u32 $0x30, v9  }
0x403: {  	v8 =	vand.u32 $0x7, v8  }
0x404: {  	v8 =	vor.u32 v8, v9  }
0x405: {  	v9 =	vperm.xlane v8, v3;
	_ =	sdelay $0x1  }
0x406: {  	v9 =	vadd.s32 v4, v9;
	_ =	sdelay $0x3  }
0x407: {  	v8 =	vperm.xlane v8, v5  }
0x408: {  	[hbm4b:s5+s6] =	stream.indirect_vreg.scatter [tilespmem:s20], [sflag:$0x4], $0x80, v9, vm0, $0xb8;
	[tilespmem:$0x15080] =	vst v63  }
0x409: {  	s23 =	simm.s32 $0x7A00;
	v8 =	vadd.s32 v4, v8  }
0x40a: {  	[hbm4b:s13+s6] =	stream.indirect_vreg.scatter [tilespmem:s23], [sflag:$0x4], $0x80, v9, vm0, $0xb8;
	[tilespmem:$0x15080] =	vst v63  }
0x40b: {  	s23 =	simm.s32 $0x8200  }
0x40c: {  	[hbm4b:s14+s6] =	stream.indirect_vreg.scatter [tilespmem:s23], [sflag:$0x4], $0x80, v9, vm0, $0xb8;
	[tilespmem:$0x15080] =	vst v63  }
0x40d: {  	s23 =	simm.s32 $0x8A00  }
0x40e: {  	[hbm4b:s5+s6] =	stream.indirect_vreg.scatter [tilespmem:s23], [sflag:$0x4], $0x80, v8, vm0, $0xb8;
	[tilespmem:$0x15080] =	vst v63  }
0x40f: {  	s23 =	simm.s32 $0x9200  }
0x410: {  	[hbm4b:s13+s6] =	stream.indirect_vreg.scatter [tilespmem:s23], [sflag:$0x4], $0x80, v8, vm0, $0xb8;
	[tilespmem:$0x15080] =	vst v63  }
0x411: {  	s23 =	simm.s32 $0x9A00  }
0x412: {  	[hbm4b:s14+s6] =	stream.indirect_vreg.scatter [tilespmem:s23], [sflag:$0x4], $0x80, v8, vm0, $0xb8;
	[tilespmem:$0x15080] =	vst v63  }
0x413: {  	v8 =	vld [tilespmem:$0x1190];
	_ =	sdelay $0x4  }
0x414: {  	v63 =	vshrl.u32 v8, $0x3  }
0x415: {  	v9 =	vmul.u32 $0x30, v63  }
0x416: {  	v8 =	vand.u32 $0x7, v8  }
0x417: {  	v8 =	vor.u32 v8, v9  }
0x418: {  	v9 =	vperm.xlane v8, v3;
	_ =	sdelay $0x1  }
0x419: {  	v9 =	vadd.s32 v4, v9;
	_ =	sdelay $0x3  }
0x41a: {  	s23 =	simm.s32 $0xA200;
	v8 =	vperm.xlane v8, v5  }
0x41b: {  	[hbm4b:s5+s6] =	stream.indirect_vreg.scatter [tilespmem:s23], [sflag:$0x4], $0x80, v9, vm0, $0xb8;
	[tilespmem:$0x15080] =	vst v63  }
0x41c: {  	v8 =	vadd.s32 v4, v8;
	s23 =	simm.s32 $0xAA00  }
0x41d: {  	[hbm4b:s13+s6] =	stream.indirect_vreg.scatter [tilespmem:s23], [sflag:$0x4], $0x80, v9, vm0, $0xb8;
	[tilespmem:$0x15080] =	vst v63  }
0x41e: {  	s23 =	simm.s32 $0xB200  }
0x41f: {  	[hbm4b:s14+s6] =	stream.indirect_vreg.scatter [tilespmem:s23], [sflag:$0x4], $0x80, v9, vm0, $0xb8;
	[tilespmem:$0x15080] =	vst v63  }
0x420: {  	s23 =	simm.s32 $0xBA00  }
0x421: {  	[hbm4b:s5+s6] =	stream.indirect_vreg.scatter [tilespmem:s23], [sflag:$0x4], $0x80, v8, vm0, $0xb8;
	[tilespmem:$0x15080] =	vst v63  }
0x422: {  	s23 =	simm.s32 $0xC200  }
0x423: {  	[hbm4b:s13+s6] =	stream.indirect_vreg.scatter [tilespmem:s23], [sflag:$0x4], $0x80, v8, vm0, $0xb8;
	[tilespmem:$0x15080] =	vst v63  }
0x424: {  	s23 =	simm.s32 $0xCA00  }
0x425: {  	[hbm4b:s14+s6] =	stream.indirect_vreg.scatter [tilespmem:s23], [sflag:$0x4], $0x80, v8, vm0, $0xb8;
	[tilespmem:$0x15080] =	vst v63  }
.LBB2_37:
0x426: {  	s19 =	sadd.s32 $0x20, s8  }
0x427: {  	p2 =	slt.s32 s19, s22  }
.Ltmp32:
0x428: {  	_ = 	snop;
	(pc) =	sbr.rel @!p2 .LBB2_40-.Ltmp32, $1  }
0x429: {  	_ =	sdelay $0x3  }
.Ltmp33:
0x42a: {  	p2 =	seq.s32 s8, $0x0;
	(pc) =	sbr.rel .LBB2_39-.Ltmp33, $4  }
0x42b: {  	s23 =	simm.s32 @!p2 $0x4  }
0x42c: {  	_ =	swait.ge @!p2 [sflag:s23], $0x6000  }
0x42d: {  	[sflag:s23] =	ssyncset.done @!p2 $0x0  }
0x42e: {  	[sflag:s23] =	ssyncadd.s32 @!p2 $0xFFFFA000  }
.LBB2_55:
.Ltmp34:
0x42f: {  	(pc) =	sbr.rel @p1 .LBB2_39-.Ltmp34, $4  }
.Ltmp35:
0x430: {  	(pc) =	sbr.rel @!p1 .LBB2_40-.Ltmp35, $4  }
0x431: {  	_ = 	snop  }
0x432: {  	_ = 	snop  }
0x433: {  	s19 =	simm.s32 $0x20  }
0x434: {  	_ = 	snop  }
.LBB2_41:
0x435: {  	s8 =	rddreg [dreg:$0x14]  }
0x436: {  	s8 =	sand.u32 $0x1, s8  }
0x437: {  	p1 =	slt.s32 s22, $0x1;
	p2 =	seq.s32 s8, $0x1  }
0x438: {  	p2 =	por !p2, p1  }
0x439: {  	s18 =	simm.s32 @!p2 $0x1  }
0x43a: {  	_ =	swait.ge @!p2 [sflag:s18], $0x6000  }
0x43b: {  	[sflag:s18] =	ssyncset.done @!p2 $0x0  }
0x43c: {  	[sflag:s18] =	ssyncadd.s32 @!p2 $0xFFFFA000  }
0x43d: {  	v8 =	vld @!p2 [tilespmem:$0x1100];
	_ =	sdelay $0x4  }
0x43e: {  	v9 =	vshrl.u32 @!p2 v8, $0x3  }
0x43f: {  	v9 =	vmul.u32 @!p2 $0x30, v9  }
0x440: {  	v10 =	vlaneseq.u32 @!p2;
	v8 =	vand.u32 @!p2 $0x7, v8  }
0x441: {  	v11 =	vshrl.u32 @!p2 v10, $0x3;
	v8 =	vor.u32 @!p2 v8, v9;
	v9 =	vand.u32 @!p2 $0x7, v10  }
0x442: {  	v11 =	vmul.u32 @!p2 $0x8, v11;
	v12 =	vperm.xlane @!p2 v8, v9;
	_ =	sdelay $0x1  }
0x443: {  	v12 =	vadd.s32 @!p2 v11, v12;
	_ =	sdelay $0x2  }
0x444: {  	v10 =	vor.u32 @!p2 $0x8, v10  }
0x445: {  	vm1 =	vmmov @!p2 $0xffff;
	s19 =	simm.s32 @!p2 $0x1200;
	s18 =	simm.s32 @!p2 $0x0;
	v8 =	vperm.xlane @!p2 v8, v10  }
0x446: {  	[hbm4b:s5+s18] =	stream.indirect_vreg.scatter @!p2 [tilespmem:s19], [sflag:$0x3], $0x80, v12, vm1, $0xb8;
	[tilespmem:$0x15080] =	vst v63  }
0x447: {  	v8 =	vadd.s32 @!p2 v11, v8;
	s19 =	simm.s32 @!p2 $0x1A00  }
0x448: {  	[hbm4b:s13+s18] =	stream.indirect_vreg.scatter @!p2 [tilespmem:s19], [sflag:$0x3], $0x80, v12, vm1, $0xb8;
	[tilespmem:$0x15080] =	vst v63  }
0x449: {  	s19 =	simm.s32 @!p2 $0x2200  }
0x44a: {  	[hbm4b:s14+s18] =	stream.indirect_vreg.scatter @!p2 [tilespmem:s19], [sflag:$0x3], $0x80, v12, vm1, $0xb8;
	[tilespmem:$0x15080] =	vst v63  }
0x44b: {  	s19 =	simm.s32 @!p2 $0x2A00  }
0x44c: {  	[hbm4b:s5+s18] =	stream.indirect_vreg.scatter @!p2 [tilespmem:s19], [sflag:$0x3], $0x80, v8, vm1, $0xb8;
	[tilespmem:$0x15080] =	vst v63  }
0x44d: {  	s19 =	simm.s32 @!p2 $0x3200  }
0x44e: {  	[hbm4b:s13+s18] =	stream.indirect_vreg.scatter @!p2 [tilespmem:s19], [sflag:$0x3], $0x80, v8, vm1, $0xb8;
	[tilespmem:$0x15080] =	vst v63  }
0x44f: {  	s19 =	simm.s32 @!p2 $0x3A00  }
0x450: {  	[hbm4b:s14+s18] =	stream.indirect_vreg.scatter @!p2 [tilespmem:s19], [sflag:$0x3], $0x80, v8, vm1, $0xb8;
	[tilespmem:$0x15080] =	vst v63  }
0x451: {  	v8 =	vld @!p2 [tilespmem:$0x1110];
	_ =	sdelay $0x4  }
0x452: {  	v12 =	vshrl.u32 @!p2 v8, $0x3  }
0x453: {  	v12 =	vmul.u32 @!p2 $0x30, v12  }
0x454: {  	v8 =	vand.u32 @!p2 $0x7, v8  }
0x455: {  	v8 =	vor.u32 @!p2 v8, v12  }
0x456: {  	v9 =	vperm.xlane @!p2 v8, v9;
	_ =	sdelay $0x1  }
0x457: {  	v9 =	vadd.s32 @!p2 v11, v9;
	_ =	sdelay $0x3  }
0x458: {  	s19 =	simm.s32 @!p2 $0x4200;
	v8 =	vperm.xlane @!p2 v8, v10  }
0x459: {  	[hbm4b:s5+s18] =	stream.indirect_vreg.scatter @!p2 [tilespmem:s19], [sflag:$0x3], $0x80, v9, vm1, $0xb8;
	[tilespmem:$0x15080] =	vst v63  }
0x45a: {  	v8 =	vadd.s32 @!p2 v11, v8;
	s19 =	simm.s32 @!p2 $0x4A00  }
0x45b: {  	[hbm4b:s13+s18] =	stream.indirect_vreg.scatter @!p2 [tilespmem:s19], [sflag:$0x3], $0x80, v9, vm1, $0xb8;
	[tilespmem:$0x15080] =	vst v63  }
0x45c: {  	s19 =	simm.s32 @!p2 $0x5200  }
0x45d: {  	[hbm4b:s14+s18] =	stream.indirect_vreg.scatter @!p2 [tilespmem:s19], [sflag:$0x3], $0x80, v9, vm1, $0xb8;
	[tilespmem:$0x15080] =	vst v63  }
0x45e: {  	s19 =	simm.s32 @!p2 $0x5A00  }
0x45f: {  	[hbm4b:s5+s18] =	stream.indirect_vreg.scatter @!p2 [tilespmem:s19], [sflag:$0x3], $0x80, v8, vm1, $0xb8;
	[tilespmem:$0x15080] =	vst v63  }
0x460: {  	s19 =	simm.s32 @!p2 $0x6200  }
0x461: {  	[hbm4b:s13+s18] =	stream.indirect_vreg.scatter @!p2 [tilespmem:s19], [sflag:$0x3], $0x80, v8, vm1, $0xb8;
	[tilespmem:$0x15080] =	vst v63  }
0x462: {  	s19 =	simm.s32 @!p2 $0x6A00  }
0x463: {  	[hbm4b:s14+s18] =	stream.indirect_vreg.scatter @!p2 [tilespmem:s19], [sflag:$0x3], $0x80, v8, vm1, $0xb8;
	[tilespmem:$0x15080] =	vst v63  }
0x464: {  	p2 =	sne.s32 @!p1 s8, $0x0  }
0x465: {  	p2 =	por p1, p2  }
.Ltmp36:
0x466: {  	_ = 	snop;
	(pc) =	sbr.rel @p2 .LBB2_43-.Ltmp36, $1  }
0x467: {  	_ =	sdelay $0x3  }
0x468: {  	s8 =	simm.s32 $0x2  }
0x469: {  	_ =	swait.ge [sflag:s8], $0x6000  }
0x46a: {  	[sflag:s8] =	ssyncset.done $0x0  }
0x46b: {  	[sflag:s8] =	ssyncadd.s32 $0xFFFFA000  }
0x46c: {  	v8 =	vld [tilespmem:$0x1180];
	_ =	sdelay $0x4  }
0x46d: {  	v9 =	vshrl.u32 v8, $0x3  }
0x46e: {  	v9 =	vmul.u32 $0x30, v9  }
0x46f: {  	v8 =	vand.u32 $0x7, v8  }
0x470: {  	v8 =	vor.u32 v8, v9  }
0x471: {  	v9 =	vperm.xlane v8, v3;
	_ =	sdelay $0x1  }
0x472: {  	v9 =	vadd.s32 v4, v9;
	_ =	sdelay $0x3  }
0x473: {  	v8 =	vperm.xlane v8, v5  }
0x474: {  	[hbm4b:s5+s6] =	stream.indirect_vreg.scatter [tilespmem:s20], [sflag:$0x4], $0x80, v9, vm0, $0xb8;
	[tilespmem:$0x15080] =	vst v63  }
0x475: {  	s24 =	simm.s32 $0x7A00;
	v8 =	vadd.s32 v4, v8  }
0x476: {  	[hbm4b:s13+s6] =	stream.indirect_vreg.scatter [tilespmem:s24], [sflag:$0x4], $0x80, v9, vm0, $0xb8;
	[tilespmem:$0x15080] =	vst v63  }
0x477: {  	s18 =	simm.s32 $0x8200  }
0x478: {  	[hbm4b:s14+s6] =	stream.indirect_vreg.scatter [tilespmem:s18], [sflag:$0x4], $0x80, v9, vm0, $0xb8;
	[tilespmem:$0x15080] =	vst v63  }
0x479: {  	s19 =	simm.s32 $0x8A00  }
0x47a: {  	[hbm4b:s5+s6] =	stream.indirect_vreg.scatter [tilespmem:s19], [sflag:$0x4], $0x80, v8, vm0, $0xb8;
	[tilespmem:$0x15080] =	vst v63  }
0x47b: {  	s21 =	simm.s32 $0x9200  }
0x47c: {  	[hbm4b:s13+s6] =	stream.indirect_vreg.scatter [tilespmem:s21], [sflag:$0x4], $0x80, v8, vm0, $0xb8;
	[tilespmem:$0x15080] =	vst v63  }
0x47d: {  	s23 =	simm.s32 $0x9A00  }
0x47e: {  	[hbm4b:s14+s6] =	stream.indirect_vreg.scatter [tilespmem:s23], [sflag:$0x4], $0x80, v8, vm0, $0xb8;
	[tilespmem:$0x15080] =	vst v63  }
0x47f: {  	v8 =	vld [tilespmem:$0x1190];
	_ =	sdelay $0x4  }
0x480: {  	v63 =	vshrl.u32 v8, $0x3  }
0x481: {  	v9 =	vmul.u32 $0x30, v63  }
0x482: {  	v8 =	vand.u32 $0x7, v8  }
0x483: {  	v8 =	vor.u32 v8, v9  }
0x484: {  	v9 =	vperm.xlane v8, v3;
	_ =	sdelay $0x1  }
0x485: {  	v9 =	vadd.s32 v4, v9;
	_ =	sdelay $0x3  }
0x486: {  	s24 =	simm.s32 $0xA200;
	v8 =	vperm.xlane v8, v5  }
0x487: {  	[hbm4b:s5+s6] =	stream.indirect_vreg.scatter [tilespmem:s24], [sflag:$0x4], $0x80, v9, vm0, $0xb8;
	[tilespmem:$0x15080] =	vst v63  }
0x488: {  	s18 =	simm.s32 $0xAA00;
	v8 =	vadd.s32 v4, v8  }
0x489: {  	[hbm4b:s13+s6] =	stream.indirect_vreg.scatter [tilespmem:s18], [sflag:$0x4], $0x80, v9, vm0, $0xb8;
	[tilespmem:$0x15080] =	vst v63  }
0x48a: {  	s19 =	simm.s32 $0xB200  }
0x48b: {  	[hbm4b:s14+s6] =	stream.indirect_vreg.scatter [tilespmem:s19], [sflag:$0x4], $0x80, v9, vm0, $0xb8;
	[tilespmem:$0x15080] =	vst v63  }
0x48c: {  	s21 =	simm.s32 $0xBA00  }
0x48d: {  	[hbm4b:s5+s6] =	stream.indirect_vreg.scatter [tilespmem:s21], [sflag:$0x4], $0x80, v8, vm0, $0xb8;
	[tilespmem:$0x15080] =	vst v63  }
.Ltmp37:
0x48e: {  	_ = 	snop;
	(pc) =	sbr.rel .LBB2_44-.Ltmp37, $4  }
0x48f: {  	s23 =	simm.s32 $0xC200  }
0x490: {  	[hbm4b:s13+s6] =	stream.indirect_vreg.scatter [tilespmem:s23], [sflag:$0x4], $0x80, v8, vm0, $0xb8;
	[tilespmem:$0x15080] =	vst v63  }
0x491: {  	s24 =	simm.s32 $0xCA00;
	s23 =	rddreg [dreg:$0x13]  }
0x492: {  	[hbm4b:s14+s6] =	stream.indirect_vreg.scatter [tilespmem:s24], [sflag:$0x4], $0x80, v8, vm0, $0xb8;
	[tilespmem:$0x15080] =	vst v63  }
.LBB2_43:
.Ltmp38:
0x493: {  	(pc) =	sbr.rel @p1 .LBB2_45-.Ltmp38, $2  }
0x494: {  	_ =	sdelay $0x2  }
0x495: {  	s23 =	rddreg [dreg:$0x13]  }
.LBB2_44:
0x496: {  	s8 =	simm.s32 $0x3  }
0x497: {  	_ =	swait.ge [sflag:s8], $0x6000  }
0x498: {  	p1 =	slt.u32 s22, $0x21;
	[sflag:s8] =	ssyncset.done $0x0  }
0x499: {  	[sflag:s8] =	ssyncadd.s32 $0xFFFFA000;
	s8 =	simm.s32 @!p1 $0x4  }
0x49a: {  	_ =	swait.ge @!p1 [sflag:s8], $0x6000  }
0x49b: {  	[sflag:s8] =	ssyncset.done @!p1 $0x0  }
0x49c: {  	[sflag:s8] =	ssyncadd.s32 @!p1 $0xFFFFA000  }
.LBB2_45:
.Ltmp39:
0x49d: {  	(pc) =	sbr.rel @p0 .LBB2_51-.Ltmp39, $1  }
0x49e: {  	_ =	sdelay $0x3  }
0x49f: {  	s8 =	simm.s32 $0x0  }
0x4a0: {  	s18 =	rddreg [dreg:$0xb];
	s19 =	simm.s32 $0xD200;
	s22 =	simm.s32 $0x5  }
0x4a1: {  	[tilespmem:s19], [sflag:$0x5] =	stream.linear.gather [hbm4b:s18+s8], $0x800, $0x38;
	[tilespmem:$0x15080] =	vst v63  }
0x4a2: {  	_ =	swait.ge [sflag:s22], $0x800  }
0x4a3: {  	[sflag:s22] =	ssyncset.done $0x0  }
0x4a4: {  	s24 =	rddreg [dreg:$0xc];
	[sflag:s22] =	ssyncadd.s32 $0xFFFFF800  }
0x4a5: {  	[tilespmem:s9], [sflag:$0x5] =	stream.linear.gather [hbm4b:s24+s8], $0x7530, $0x38;
	[tilespmem:$0x15080] =	vst v63  }
0x4a6: {  	_ =	swait.ge [sflag:s22], $0x7530  }
0x4a7: {  	[sflag:s22] =	ssyncset.done $0x0  }
0x4a8: {  	[sflag:s22] =	ssyncadd.s32 $0xFFFF8AD0  }
0x4a9: {  	s18 =	simm.s32 $0x0;
	s8 =	simm.s32 $0x40;
	[tilespmem:$0x14F80] =	vst v2  }
.LBB2_47:
0x4aa: {  	p1 =	sne.s32 s8, $0x1FC0;
	v8 =	vld [tilespmem:s18+$0xD200];
	_ =	sdelay $0x4  }
0x4ab: {  	vm1 =	vgt.s32 v8, $0xC451  }
0x4ac: {  	v9 =	vnsel vm1, $0xC451, v8  }
0x4ad: {  	v9 =	vadd.s32 $0xFFFF3BAF, v9;
	_ =	sdelay $0x4  }
0x4ae: {  	v9 =	vld.idx.msk [tilespmem:v9+s9+$0x0], $0xffff;
	_ =	sdelay $0x1  }
0x4af: {  	vm1 =	vgt.s32 v8, $0xC450;
	_ =	sdelay $0x1  }
.Ltmp40:
0x4b0: {  	(pc) =	sbr.rel @p1 .LBB2_47-.Ltmp40, $2  }
0x4b1: {  	_ =	sdelay $0x2  }
0x4b2: {  	s18 =	sshra.s32 s8, $0x2;
	s8 =	sadd.s32 $0x40, s8;
	[tilespmem:v9+s10+$0x0] =	vst.idx.msk vm1, v6  }
0x4b3: {  	v8 =	vld [tilespmem:s18+$0xD200];
	_ =	sdelay $0x4  }
0x4b4: {  	vm1 =	vgt.s32 v8, $0xC451  }
0x4b5: {  	v9 =	vnsel vm1, $0xC451, v8  }
0x4b6: {  	v9 =	vadd.s32 $0xFFFF3BAF, v9;
	_ =	sdelay $0x4  }
0x4b7: {  	v9 =	vld.idx.msk [tilespmem:v9+s9+$0x0], $0xffff;
	_ =	sdelay $0x1  }
0x4b8: {  	vm1 =	vgt.s32 v8, $0xC450;
	_ =	sdelay $0x5  }
0x4b9: {  	[tilespmem:v9+s10+$0x0] =	vst.idx.msk vm1, v6  }
0x4ba: {  	v8 =	vld [tilespmem:$0x14F80];
	_ =	sdelay $0x4  }
0x4bb: {  	(xrf0) =	vadd.scan.msk.s32 $0xffff, v8;
	_ =	sdelay $0x4  }
0x4bc: {  	s8 =	simm.s32 $0x0  }
0x4bd: {  	s24 =	smul.u32 $0x6000, s8;
	v10 =	vsub.s32 v1, v8;
	v62, _, _ =	vpop (xrf0)  }
0x4be: {  	v63 =	vor.u32 $0x100, v0;
	s8 =	simm.s32 $0x0;
	vm1 =	vgt.s32 v8, $0x0;
	v8 =	vadd.s32 v62, v10  }
0x4bf: {  	s19 =	sand.u32 $0x380, s8;
	s18 =	sshra.s32 s24, $0x2;
	v8 =	vsel vm1, v8, v63  }
0x4c0: {  	s18 =	sor.u32 s19, s18;
	[tilespmem:$0x15000] =	vst v8  }
0x4c1: {  	[tilespmem:s18+$0x2670] =	vst v7  }
0x4c2: {  	[tilespmem:s18+$0x1200] =	vst v7  }
0x4c3: {  	[tilespmem:s18+$0x1210] =	vst v7  }
0x4c4: {  	[tilespmem:s18+$0x1220] =	vst v7  }
0x4c5: {  	[tilespmem:s18+$0x1230] =	vst v7  }
0x4c6: {  	[tilespmem:s18+$0x1240] =	vst v7  }
0x4c7: {  	[tilespmem:s18+$0x1250] =	vst v7  }
0x4c8: {  	[tilespmem:s18+$0x1260] =	vst v7  }
0x4c9: {  	[tilespmem:s18+$0x1270] =	vst v7  }
0x4ca: {  	[tilespmem:s18+$0x1600] =	vst v7  }
0x4cb: {  	[tilespmem:s18+$0x1610] =	vst v7  }
0x4cc: {  	[tilespmem:s18+$0x1620] =	vst v7  }
0x4cd: {  	[tilespmem:s18+$0x1630] =	vst v7  }
0x4ce: {  	[tilespmem:s18+$0x1640] =	vst v7  }
0x4cf: {  	[tilespmem:s18+$0x1650] =	vst v7  }
0x4d0: {  	[tilespmem:s18+$0x1660] =	vst v7  }
0x4d1: {  	[tilespmem:s18+$0x1670] =	vst v7  }
0x4d2: {  	[tilespmem:s18+$0x1A00] =	vst v7  }
0x4d3: {  	[tilespmem:s18+$0x1A10] =	vst v7  }
0x4d4: {  	[tilespmem:s18+$0x1A20] =	vst v7  }
0x4d5: {  	[tilespmem:s18+$0x1A30] =	vst v7  }
0x4d6: {  	[tilespmem:s18+$0x1A40] =	vst v7  }
0x4d7: {  	[tilespmem:s18+$0x1A50] =	vst v7  }
0x4d8: {  	[tilespmem:s18+$0x1A60] =	vst v7  }
0x4d9: {  	[tilespmem:s18+$0x1A70] =	vst v7  }
0x4da: {  	[tilespmem:s18+$0x1E00] =	vst v7  }
0x4db: {  	[tilespmem:s18+$0x1E10] =	vst v7  }
0x4dc: {  	[tilespmem:s18+$0x1E20] =	vst v7  }
0x4dd: {  	[tilespmem:s18+$0x1E30] =	vst v7  }
0x4de: {  	[tilespmem:s18+$0x1E40] =	vst v7  }
0x4df: {  	[tilespmem:s18+$0x1E50] =	vst v7  }
0x4e0: {  	[tilespmem:s18+$0x1E60] =	vst v7  }
0x4e1: {  	[tilespmem:s18+$0x1E70] =	vst v7  }
0x4e2: {  	[tilespmem:s18+$0x2200] =	vst v7  }
0x4e3: {  	[tilespmem:s18+$0x2210] =	vst v7  }
0x4e4: {  	[tilespmem:s18+$0x2220] =	vst v7  }
0x4e5: {  	[tilespmem:s18+$0x2230] =	vst v7  }
0x4e6: {  	[tilespmem:s18+$0x2240] =	vst v7  }
0x4e7: {  	[tilespmem:s18+$0x2250] =	vst v7  }
0x4e8: {  	[tilespmem:s18+$0x2260] =	vst v7  }
0x4e9: {  	[tilespmem:s18+$0x2270] =	vst v7  }
0x4ea: {  	[tilespmem:s18+$0x2600] =	vst v7  }
0x4eb: {  	[tilespmem:s18+$0x2610] =	vst v7  }
0x4ec: {  	s21 =	simm.s32 $0x2;
	s19 =	simm.s32 $0x0;
	[tilespmem:s18+$0x2620] =	vst v7  }
.LBB2_49:
0x4ed: {  	p1 =	sne.s32 s21, $0xF;
	s19 =	smul.u32 $0x6000, s19;
	[tilespmem:s18+$0x2630] =	vst v7  }
0x4ee: {  	s8 =	sadd.s32 $0x80, s8;
	[tilespmem:s18+$0x2640] =	vst v7  }
0x4ef: {  	s22 =	sand.u32 $0x380, s8;
	s19 =	sshra.s32 s19, $0x2;
	[tilespmem:s18+$0x2650] =	vst v7  }
0x4f0: {  	[tilespmem:s18+$0x2660] =	vst v7;
	s18 =	sor.u32 s22, s19  }
0x4f1: {  	[tilespmem:s18+$0x2670] =	vst v7  }
0x4f2: {  	[tilespmem:s18+$0x1200] =	vst v7  }
0x4f3: {  	[tilespmem:s18+$0x1210] =	vst v7  }
0x4f4: {  	[tilespmem:s18+$0x1220] =	vst v7  }
0x4f5: {  	[tilespmem:s18+$0x1230] =	vst v7  }
0x4f6: {  	[tilespmem:s18+$0x1240] =	vst v7  }
0x4f7: {  	[tilespmem:s18+$0x1250] =	vst v7  }
0x4f8: {  	[tilespmem:s18+$0x1260] =	vst v7  }
0x4f9: {  	[tilespmem:s18+$0x1270] =	vst v7  }
0x4fa: {  	[tilespmem:s18+$0x1600] =	vst v7  }
0x4fb: {  	[tilespmem:s18+$0x1610] =	vst v7  }
0x4fc: {  	[tilespmem:s18+$0x1620] =	vst v7  }
0x4fd: {  	[tilespmem:s18+$0x1630] =	vst v7  }
0x4fe: {  	[tilespmem:s18+$0x1640] =	vst v7  }
0x4ff: {  	[tilespmem:s18+$0x1650] =	vst v7  }
0x500: {  	[tilespmem:s18+$0x1660] =	vst v7  }
0x501: {  	[tilespmem:s18+$0x1670] =	vst v7  }
0x502: {  	[tilespmem:s18+$0x1A00] =	vst v7  }
0x503: {  	[tilespmem:s18+$0x1A10] =	vst v7  }
0x504: {  	[tilespmem:s18+$0x1A20] =	vst v7  }
0x505: {  	[tilespmem:s18+$0x1A30] =	vst v7  }
0x506: {  	[tilespmem:s18+$0x1A40] =	vst v7  }
0x507: {  	[tilespmem:s18+$0x1A50] =	vst v7  }
0x508: {  	[tilespmem:s18+$0x1A60] =	vst v7  }
0x509: {  	[tilespmem:s18+$0x1A70] =	vst v7  }
0x50a: {  	[tilespmem:s18+$0x1E00] =	vst v7  }
0x50b: {  	[tilespmem:s18+$0x1E10] =	vst v7  }
0x50c: {  	[tilespmem:s18+$0x1E20] =	vst v7  }
0x50d: {  	[tilespmem:s18+$0x1E30] =	vst v7  }
0x50e: {  	[tilespmem:s18+$0x1E40] =	vst v7  }
0x50f: {  	[tilespmem:s18+$0x1E50] =	vst v7  }
0x510: {  	[tilespmem:s18+$0x1E60] =	vst v7  }
0x511: {  	[tilespmem:s18+$0x1E70] =	vst v7  }
0x512: {  	[tilespmem:s18+$0x2200] =	vst v7  }
0x513: {  	[tilespmem:s18+$0x2210] =	vst v7  }
0x514: {  	[tilespmem:s18+$0x2220] =	vst v7  }
0x515: {  	[tilespmem:s18+$0x2230] =	vst v7  }
0x516: {  	[tilespmem:s18+$0x2240] =	vst v7  }
0x517: {  	[tilespmem:s18+$0x2250] =	vst v7  }
.Ltmp41:
0x518: {  	[tilespmem:s18+$0x2260] =	vst v7;
	(pc) =	sbr.rel @p1 .LBB2_49-.Ltmp41, $4  }
0x519: {  	[tilespmem:s18+$0x2270] =	vst v7  }
0x51a: {  	[tilespmem:s18+$0x2600] =	vst v7  }
0x51b: {  	[tilespmem:s18+$0x2610] =	vst v7  }
0x51c: {  	s19 =	sshrl.u32 s21, $0x3;
	s21 =	sadd.s32 $0x1, s21;
	[tilespmem:s18+$0x2620] =	vst v7  }
.Ltmp42:
0x51d: {  	_ = 	snop;
	(pc) =	sbr.rel .LBB2_50-.Ltmp42, $1  }
0x51e: {  	_ =	sdelay $0x3  }
.LBB2_52:
0x51f: {  	_ =	sfence.sel $0x180000  }
0x520: {  	[bflag:$0x0] =	sbarrier.arrive $0xFFFF  }
0x521: {  	_ =	strace $0x90000047  }
0x522: {  	s0 =	stileid.u32;
	[bflag:$0x2] =	sbarrier.arrive $0xFFFF  }
0x523: {  	p0 =	sne.s32 s0, $0x0;
	s0 =	rddreg [dreg:$0x7]  }
0x524: {  	s0 =	sadd.s32 @!p0 $0x100000, s0  }
0x525: {  	[sflag:s0] =	ssyncadd.tile.s32 @!p0 $0x1;
	_ =	shalt  }
.Lfunc_end2:
_tile_overlayer_lowered:
.L_overlay_start_2:
0x526: {  	(tag) =	ssettag $0x2  }
0x527: {  	s0 =	rddreg [dreg:$0x0];
	s2 =	stileid.u32  }
0x528: {  	s1 =	rddreg [dreg:$0x1];
	p0 =	sne.s32 s2, $0x0  }
0x529: {  	s3 =	rddreg [dreg:$0x2];
	[bflag:$0x3] =	sbarrier.arrive $0xFFFF;
	s2 =	simm.s32 @!p0 $0x1C05  }
0x52a: {  	[timem:s3], [sflag:s2] =	dma.local @!p0 [hbm:s0], s1  }
0x52b: {  	s0 =	simm.s32 @!p0 $0x5  }
0x52c: {  	_ =	swait.ge @!p0 [sflag:s0], s1  }
0x52d: {  	s1 =	ssub.s32 @!p0 $0x0, s1;
	[sflag:s0] =	ssyncset.done @!p0 $0x0  }
0x52e: {  	[sflag:s0] =	ssyncadd.s32 @!p0 s1  }
0x52f: {  	[bflag:$0x3] =	sbarrier.arrive $0xFFFF  }
0x530: {  	_ =	shalt  }

</sc_bundles>
